<compile_context>
chip_gen: v7x
topology: tpu7x:2x2x1
jax: 0.10.2.dev20260603
libtpu: 0.0.44.dev20260713+nightly
codegen_flags: <defaults>
</compile_context>

<pallas_src>
import functools

import jax
import jax.numpy as jnp
from jax import lax
from jax.experimental import pallas as pl
from jax.experimental.pallas import tpu as pltpu
from jax.experimental.pallas import tpu_sc as plsc

_N = 10000
_D = 128
_E = 320000
_NC = 2
_NS = 16
_NW = _NC * _NS
_CH = 80
_CPT = _E // _NW // _CH
_NPAD = 10240
_RPS = _NPAD // _NS

_mesh = plsc.VectorSubcoreMesh(core_axis_name="c", subcore_axis_name="s")


_EPT = _E // _NW
_CHD = 128
_CPTD = 80


@functools.partial(
    pl.kernel,
    mesh=_mesh,
    out_type=jax.ShapeDtypeStruct((_NC, _NPAD), jnp.float32),
    scratch_types=[
        pltpu.VMEM((_CPTD, _CHD), jnp.int32),
        pltpu.VMEM((_CHD,), jnp.float32),
        pltpu.VMEM((_RPS,), jnp.float32),
        pltpu.VMEM_SHARED((_NPAD,), jnp.float32),
    ],
)
def _deg_kernel(dsti_hbm, out_hbm, dsti_v, ones_v, zb, acc):
    c = lax.axis_index("c")
    s = lax.axis_index("s")
    w = c * _NS + s
    for j in range(_CHD // 16):
        ones_v[pl.ds(16 * j, 16)] = jnp.ones((16,), jnp.float32)

    def zfill(i, carry):
        zb[pl.ds(16 * i, 16)] = jnp.zeros((16,), jnp.float32)
        return carry

    lax.fori_loop(0, _RPS // 16, zfill, 0)
    pltpu.sync_copy(zb, acc.at[pl.ds(s * _RPS, _RPS)])
    pltpu.sync_copy(dsti_hbm.at[w], dsti_v)
    plsc.subcore_barrier()

    def body(k, carry):
        pltpu.sync_copy(ones_v, acc.at[dsti_v.at[k]], add=True)
        return carry

    lax.fori_loop(0, _CPTD, body, 0)
    plsc.subcore_barrier()
    pltpu.sync_copy(acc.at[pl.ds(s * _RPS, _RPS)],
                    out_hbm.at[c, pl.ds(s * _RPS, _RPS)])


@functools.partial(
    pl.kernel,
    mesh=_mesh,
    out_type=jax.ShapeDtypeStruct((_NC, _NPAD, _D), jnp.float32),
    scratch_types=(
        [pltpu.VMEM((_CH,), jnp.int32)] * 4
        + [pltpu.VMEM((_CH,), jnp.int32)] * 4
        + [pltpu.VMEM((_CH, _D), jnp.float32)] * 4
        + [pltpu.VMEM_SHARED((_NPAD, _D), jnp.float32)]
        + [pltpu.SemaphoreType.DMA] * 16
    ),
)
def _agg_kernel(hp_hbm, ei_hbm, out_hbm, *refs):
    srcb = refs[0:4]
    dstb = refs[4:8]
    rows = refs[8:12]
    acc = refs[12]
    si = refs[13:17]
    di = refs[17:21]
    gs = refs[21:25]
    ss = refs[25:29]
    c = lax.axis_index("c")
    s = lax.axis_index("s")
    w = c * _NS + s

    def zfill(i, carry):
        for j in range(_D // 16):
            rows[0][i, pl.ds(16 * j, 16)] = jnp.zeros((16,), jnp.float32)
        return carry

    lax.fori_loop(0, _CH, zfill, 0)
    for r in range(_RPS // _CH):
        pltpu.sync_copy(rows[0], acc.at[pl.ds(s * _RPS + r * _CH, _CH)])
    ebase = w * (_CPT * _CH)

    def idxload(half, k, buf, sem):
        pltpu.async_copy(
            ei_hbm.at[pl.ds(half * _E + ebase + k * _CH, _CH)], buf, sem)

    def idx_wait(half, buf, sem):
        pltpu.make_async_copy(ei_hbm.at[pl.ds(0, _CH)], buf, sem).wait()

    def gather(b):
        pltpu.async_copy(hp_hbm.at[srcb[b]], rows[b], gs[b])

    def gather_wait(b):
        pltpu.make_async_copy(hp_hbm.at[srcb[b]], rows[b], gs[b]).wait()

    def scat_wait(b):
        pltpu.make_async_copy(rows[b], acc.at[dstb[b]], ss[b]).wait()

    for b in range(4):
        idxload(0, b, srcb[b], si[b])
        idxload(1, b, dstb[b], di[b])
    plsc.subcore_barrier()
    for b in range(4):
        idx_wait(0, srcb[b], si[b])
        gather(b)

    def body(i, carry):
        for b in range(4):
            kn = jnp.minimum(4 * i + 4 + b, _CPT - 1)
            idx_wait(1, dstb[b], di[b])
            gather_wait(b)
            pltpu.async_copy(rows[b], acc.at[dstb[b]], ss[b], add=True)
            idxload(0, kn, srcb[b], si[b])
        for b in range(4):
            kn = jnp.minimum(4 * i + 4 + b, _CPT - 1)
            scat_wait(b)
            idxload(1, kn, dstb[b], di[b])
            idx_wait(0, srcb[b], si[b])
            gather(b)
        return carry

    lax.fori_loop(0, (_CPT - 1) // 4, body, 0)
    idx_wait(1, dstb[0], di[0])
    gather_wait(0)
    pltpu.sync_copy(rows[0], acc.at[dstb[0]], add=True)
    for b in range(1, 4):
        idx_wait(1, dstb[b], di[b])
        gather_wait(b)
    plsc.subcore_barrier()
    pltpu.sync_copy(acc.at[pl.ds(s * _RPS, _RPS)],
                    out_hbm.at[c, pl.ds(s * _RPS, _RPS)])


def _tc1a_body(x_ref, w_ref, h_ref):
    h_ref[...] = jnp.dot(x_ref[...], w_ref[...],
                         preferred_element_type=jnp.float32)


_tc1a = pl.pallas_call(
    _tc1a_body,
    grid=(10,),
    in_specs=[pl.BlockSpec((1000, _D), lambda i: (i, 0)),
              pl.BlockSpec((_D, _D), lambda i: (0, 0))],
    out_specs=pl.BlockSpec((1000, _D), lambda i: (i, 0)),
    out_shape=jax.ShapeDtypeStruct((_N, _D), jnp.float32),
)


def _dinv_block(dp):
    rows8 = lax.rsqrt(dp[0] + dp[1] + 1.0)
    r0 = lax.broadcasted_iota(jnp.int32, (_D, _D), 0)
    c0 = lax.broadcasted_iota(jnp.int32, (_D, _D), 1)
    eye = (r0 == c0)
    groups = []
    for g in range(8):
        row = rows8[g:g + 1]
        m = jnp.where(eye, jnp.broadcast_to(row, (_D, _D)), 0.0)
        col = jnp.sum(m, axis=1, keepdims=True)
        groups.append(jnp.broadcast_to(col, (_D, _D)))
    return jnp.concatenate(groups, axis=0)


def _tc1b_body(h_ref, degp_ref, hp_ref):
    hp_ref[...] = h_ref[...] * _dinv_block(degp_ref[...])


_tc1b = pl.pallas_call(
    _tc1b_body,
    grid=(10,),
    in_specs=[pl.BlockSpec((1024, _D), lambda i: (i, 0)),
              pl.BlockSpec((2, 8, _D), lambda i: (0, i, 0))],
    out_specs=pl.BlockSpec((1024, _D), lambda i: (i, 0)),
    out_shape=jax.ShapeDtypeStruct((_N, _D), jnp.float32),
)


def _tc2_body(aggp_ref, hp_ref, degp_ref, b_ref, res_ref, w_ref,
              h_ref, hpn_ref):
    dinv = _dinv_block(degp_ref[...])
    agg = aggp_ref[0] + aggp_ref[1]
    z = dinv * (agg + hp_ref[...]) + b_ref[...]
    h = jnp.maximum(z, 0.0) + res_ref[...]
    h_ref[...] = h
    hpn_ref[...] = jnp.dot(h, w_ref[...],
                           preferred_element_type=jnp.float32) * dinv


_tc2 = pl.pallas_call(
    _tc2_body,
    grid=(10,),
    in_specs=[pl.BlockSpec((2, 1024, _D), lambda i: (0, i, 0)),
              pl.BlockSpec((1024, _D), lambda i: (i, 0)),
              pl.BlockSpec((2, 8, _D), lambda i: (0, i, 0)),
              pl.BlockSpec((1, _D), lambda i: (0, 0)),
              pl.BlockSpec((1024, _D), lambda i: (i, 0)),
              pl.BlockSpec((_D, _D), lambda i: (0, 0))],
    out_specs=(pl.BlockSpec((1024, _D), lambda i: (i, 0)),
               pl.BlockSpec((1024, _D), lambda i: (i, 0))),
    out_shape=(jax.ShapeDtypeStruct((_N, _D), jnp.float32),
               jax.ShapeDtypeStruct((_N, _D), jnp.float32)),
)


def _tc3_body(aggp_ref, hp_ref, degp_ref, b_ref, res_ref, wout_ref,
              bout_ref, out_ref):
    dinv = _dinv_block(degp_ref[...])
    agg = aggp_ref[0] + aggp_ref[1]
    z = dinv * (agg + hp_ref[...]) + b_ref[...]
    h = jnp.maximum(z, 0.0) + res_ref[...]
    out_ref[...] = jnp.dot(h, wout_ref[...],
                           preferred_element_type=jnp.float32) + bout_ref[...]


_tc3 = pl.pallas_call(
    _tc3_body,
    grid=(10,),
    in_specs=[pl.BlockSpec((2, 1024, _D), lambda i: (0, i, 0)),
              pl.BlockSpec((1024, _D), lambda i: (i, 0)),
              pl.BlockSpec((2, 8, _D), lambda i: (0, i, 0)),
              pl.BlockSpec((1, _D), lambda i: (0, 0)),
              pl.BlockSpec((1024, _D), lambda i: (i, 0)),
              pl.BlockSpec((_D, _D), lambda i: (0, 0)),
              pl.BlockSpec((1, _D), lambda i: (0, 0))],
    out_specs=pl.BlockSpec((1024, _D), lambda i: (i, 0)),
    out_shape=jax.ShapeDtypeStruct((_N, _D), jnp.float32),
)


def kernel(x, edge_index, W1, b1, W2, b2, W_out, b_out):
    ei = edge_index.reshape(2 * _E)
    dst2 = edge_index[1].reshape(_NW, _EPT)
    dpad = jnp.full((_NW, _CPTD * _CHD - _EPT), _N, jnp.int32)
    dstpad = jnp.concatenate([dst2, dpad], axis=1).reshape(_NW, _CPTD, _CHD)

    degp = _deg_kernel(dstpad)
    h1raw = _tc1a(x, W1)

    degp_r = degp.reshape(_NC, _NPAD // _D, _D)
    hp1 = _tc1b(h1raw, degp_r)
    agg1 = _agg_kernel(hp1, ei)
    h1, hp2 = _tc2(agg1, hp1, degp_r, b1.reshape(1, _D), x, W2)
    agg2 = _agg_kernel(hp2, ei)
    out = _tc3(agg2, hp2, degp_r, b2.reshape(1, _D), h1, W_out,
               b_out.reshape(1, _D))
    return out

# --- scband reference (transcript-rebuilt; emitter-appended) ---
"""Pipeline reference for scband-gcnencoder-4913442587254 (READ-ONLY COPY).

The authoritative reference and input builder live on the scoring server;
editing this copy changes nothing except your own understanding.
"""

import jax, jax.numpy as jnp
import numpy as np

N = 10000
E = 320000
D = 128


def setup_inputs(seed: int = 0) -> dict:
    key = jax.random.key(seed)
    ks = jax.random.split(key, 8)
    x = jax.random.normal(ks[0], (N, D), dtype=jnp.float32)
    edge_index = jax.random.randint(ks[1], (2, E), 0, N, dtype=jnp.int32)
    s = 1.0 / np.sqrt(D)
    W1 = jax.random.normal(ks[2], (D, D), dtype=jnp.float32) * s
    b1 = jnp.zeros((D,), dtype=jnp.float32)
    W2 = jax.random.normal(ks[3], (D, D), dtype=jnp.float32) * s
    b2 = jnp.zeros((D,), dtype=jnp.float32)
    W_out = jax.random.normal(ks[4], (D, D), dtype=jnp.float32) * s
    b_out = jnp.zeros((D,), dtype=jnp.float32)
    return {"x": x, "edge_index": edge_index, "W1": W1, "b1": b1, "W2": W2, "b2": b2, "W_out": W_out, "b_out": b_out}


def _gcn_conv(x, edge_index, W, b):
    # PyG GCNConv semantics: add self-loops, symmetric normalization, linear, sum-aggregate, bias.
    src = edge_index[0]
    dst = edge_index[1]
    loop = jnp.arange(N, dtype=src.dtype)
    src = jnp.concatenate([src, loop])
    dst = jnp.concatenate([dst, loop])
    h = x @ W
    deg = jnp.zeros((N,), dtype=h.dtype).at[dst].add(1.0)
    dinv = 1.0 / jnp.sqrt(jnp.maximum(deg, 1.0))
    norm = dinv[src] * dinv[dst]
    msg = h[src] * norm[:, None]
    out = jnp.zeros((N, h.shape[1]), dtype=h.dtype).at[dst].add(msg)
    return out + b


def reference(x, edge_index, W1, b1, W2, b2, W_out, b_out):
    # layer 1
    h_in = x
    h = _gcn_conv(h_in, edge_index, W1, b1)
    h = jax.nn.relu(h)
    # dropout p=0.0 / eval mode -> identity
    h = h + h_in  # residual (shapes match: 128 == 128)
    # layer 2
    h_in2 = h
    h = _gcn_conv(h_in2, edge_index, W2, b2)
    h = jax.nn.relu(h)
    h = h + h_in2
    return h @ W_out + b_out

if __name__ == "__main__":
    import jax
    _d = setup_inputs()
    print(jax.jit(kernel)(*tuple(_d.values())))

</pallas_src>

<mosaic_0001>
#map = affine_map<(d0, d1) -> (0, 0)>
#map1 = affine_map<(d0, d1) -> (0)>
#map2 = affine_map<(d0, d1) -> (0, 0, 0)>
module attributes {stable_mosaic.version = 14 : i64} {
  func.func @_agg_kernel(%arg0: i32, %arg1: i32, %arg2: memref<10000x128xf32, #tpu.memory_space<hbm>>, %arg3: memref<640000xi32, #tpu.memory_space<hbm>>, %arg4: memref<2x10240x128xf32, #tpu.memory_space<hbm>>, %arg5: memref<80xi32, #tpu.memory_space<vmem>>, %arg6: memref<80xi32, #tpu.memory_space<vmem>>, %arg7: memref<80xi32, #tpu.memory_space<vmem>>, %arg8: memref<80xi32, #tpu.memory_space<vmem>>, %arg9: memref<80xi32, #tpu.memory_space<vmem>>, %arg10: memref<80xi32, #tpu.memory_space<vmem>>, %arg11: memref<80xi32, #tpu.memory_space<vmem>>, %arg12: memref<80xi32, #tpu.memory_space<vmem>>, %arg13: memref<80x128xf32, #tpu.memory_space<vmem>>, %arg14: memref<80x128xf32, #tpu.memory_space<vmem>>, %arg15: memref<80x128xf32, #tpu.memory_space<vmem>>, %arg16: memref<80x128xf32, #tpu.memory_space<vmem>>, %arg17: memref<10240x128xf32, #tpu.memory_space<vmem_shared>>, %arg18: memref<!tpu.dma_semaphore, #tpu.memory_space<semaphore_mem>>, %arg19: memref<!tpu.dma_semaphore, #tpu.memory_space<semaphore_mem>>, %arg20: memref<!tpu.dma_semaphore, #tpu.memory_space<semaphore_mem>>, %arg21: memref<!tpu.dma_semaphore, #tpu.memory_space<semaphore_mem>>, %arg22: memref<!tpu.dma_semaphore, #tpu.memory_space<semaphore_mem>>, %arg23: memref<!tpu.dma_semaphore, #tpu.memory_space<semaphore_mem>>, %arg24: memref<!tpu.dma_semaphore, #tpu.memory_space<semaphore_mem>>, %arg25: memref<!tpu.dma_semaphore, #tpu.memory_space<semaphore_mem>>, %arg26: memref<!tpu.dma_semaphore, #tpu.memory_space<semaphore_mem>>, %arg27: memref<!tpu.dma_semaphore, #tpu.memory_space<semaphore_mem>>, %arg28: memref<!tpu.dma_semaphore, #tpu.memory_space<semaphore_mem>>, %arg29: memref<!tpu.dma_semaphore, #tpu.memory_space<semaphore_mem>>, %arg30: memref<!tpu.dma_semaphore, #tpu.memory_space<semaphore_mem>>, %arg31: memref<!tpu.dma_semaphore, #tpu.memory_space<semaphore_mem>>, %arg32: memref<!tpu.dma_semaphore, #tpu.memory_space<semaphore_mem>>, %arg33: memref<!tpu.dma_semaphore, #tpu.memory_space<semaphore_mem>>) attributes {dimension_semantics = [#tpu.dimension_semantics<core_parallel>, #tpu.dimension_semantics<subcore_parallel>], iteration_bounds = array<i64: 2, 16>, scalar_prefetch = 0 : i64, scratch_operands = 29 : i64, tpu.core_type = #tpu.core_type<sc_vector_subcore>, window_params = [{transform_indices = #map}, {transform_indices = #map1}, {transform_indices = #map2}]} {
    %mul3A = arith.constant 16 : i32
    %mul3A_0 = arith.muli %arg0, %mul3A : i32
    %add3A = arith.addi %mul3A_0, %arg1 : i32
    %scan3A = arith.constant 0 : i32
    %scan3A_1 = arith.constant 0 : i32
    %scan3A_2 = arith.constant 80 : i32
    %scan3A_3 = arith.addi %scan3A_1, %scan3A_2 : i32
    %scan3A_4 = arith.constant 1 : i32
    scf.for %scan3A_153 = %scan3A_1 to %scan3A_3 step %scan3A_4  : i32 {
      %broadcast_in_dim3A = arith.constant 0.000000e+00 : f32
      %broadcast_in_dim3A_154 = vector.broadcast %broadcast_in_dim3A : f32 to vector<16xf32>
      %swap3A = arith.index_cast %scan3A_153 : i32 to index
      %swap3A_155 = arith.constant 0 : index
      %swap3A_156 = tpu.vector_load %arg13[%swap3A, %swap3A_155] {strides = array<i32>} : memref<80x128xf32, #tpu.memory_space<vmem>>, vector<1x16xf32>,
      %swap3A_157 = vector.shape_cast %swap3A_156 : vector<1x16xf32> to vector<16xf32>
      %swap3A_158 = vector.shape_cast %broadcast_in_dim3A_154 : vector<16xf32> to vector<1x16xf32>
      tpu.vector_store %arg13[%swap3A, %swap3A_155], %swap3A_158 {strides = array<i32>} : memref<80x128xf32, #tpu.memory_space<vmem>>, vector<1x16xf32>,
      %broadcast_in_dim3A_159 = arith.constant 0.000000e+00 : f32
      %broadcast_in_dim3A_160 = vector.broadcast %broadcast_in_dim3A_159 : f32 to vector<16xf32>
      %swap3A_161 = arith.index_cast %scan3A_153 : i32 to index
      %swap3A_162 = arith.constant 16 : index
      %swap3A_163 = tpu.vector_load %arg13[%swap3A_161, %swap3A_162] {strides = array<i32>} : memref<80x128xf32, #tpu.memory_space<vmem>>, vector<1x16xf32>,
      %swap3A_164 = vector.shape_cast %swap3A_163 : vector<1x16xf32> to vector<16xf32>
      %swap3A_165 = vector.shape_cast %broadcast_in_dim3A_160 : vector<16xf32> to vector<1x16xf32>
      tpu.vector_store %arg13[%swap3A_161, %swap3A_162], %swap3A_165 {strides = array<i32>} : memref<80x128xf32, #tpu.memory_space<vmem>>, vector<1x16xf32>,
      %broadcast_in_dim3A_166 = arith.constant 0.000000e+00 : f32
      %broadcast_in_dim3A_167 = vector.broadcast %broadcast_in_dim3A_166 : f32 to vector<16xf32>
      %swap3A_168 = arith.index_cast %scan3A_153 : i32 to index
      %swap3A_169 = arith.constant 32 : index
      %swap3A_170 = tpu.vector_load %arg13[%swap3A_168, %swap3A_169] {strides = array<i32>} : memref<80x128xf32, #tpu.memory_space<vmem>>, vector<1x16xf32>,
      %swap3A_171 = vector.shape_cast %swap3A_170 : vector<1x16xf32> to vector<16xf32>
      %swap3A_172 = vector.shape_cast %broadcast_in_dim3A_167 : vector<16xf32> to vector<1x16xf32>
      tpu.vector_store %arg13[%swap3A_168, %swap3A_169], %swap3A_172 {strides = array<i32>} : memref<80x128xf32, #tpu.memory_space<vmem>>, vector<1x16xf32>,
      %broadcast_in_dim3A_173 = arith.constant 0.000000e+00 : f32
      %broadcast_in_dim3A_174 = vector.broadcast %broadcast_in_dim3A_173 : f32 to vector<16xf32>
      %swap3A_175 = arith.index_cast %scan3A_153 : i32 to index
      %swap3A_176 = arith.constant 48 : index
      %swap3A_177 = tpu.vector_load %arg13[%swap3A_175, %swap3A_176] {strides = array<i32>} : memref<80x128xf32, #tpu.memory_space<vmem>>, vector<1x16xf32>,
      %swap3A_178 = vector.shape_cast %swap3A_177 : vector<1x16xf32> to vector<16xf32>
      %swap3A_179 = vector.shape_cast %broadcast_in_dim3A_174 : vector<16xf32> to vector<1x16xf32>
      tpu.vector_store %arg13[%swap3A_175, %swap3A_176], %swap3A_179 {strides = array<i32>} : memref<80x128xf32, #tpu.memory_space<vmem>>, vector<1x16xf32>,
      %broadcast_in_dim3A_180 = arith.constant 0.000000e+00 : f32
      %broadcast_in_dim3A_181 = vector.broadcast %broadcast_in_dim3A_180 : f32 to vector<16xf32>
      %swap3A_182 = arith.index_cast %scan3A_153 : i32 to index
      %swap3A_183 = arith.constant 64 : index
      %swap3A_184 = tpu.vector_load %arg13[%swap3A_182, %swap3A_183] {strides = array<i32>} : memref<80x128xf32, #tpu.memory_space<vmem>>, vector<1x16xf32>,
      %swap3A_185 = vector.shape_cast %swap3A_184 : vector<1x16xf32> to vector<16xf32>
      %swap3A_186 = vector.shape_cast %broadcast_in_dim3A_181 : vector<16xf32> to vector<1x16xf32>
      tpu.vector_store %arg13[%swap3A_182, %swap3A_183], %swap3A_186 {strides = array<i32>} : memref<80x128xf32, #tpu.memory_space<vmem>>, vector<1x16xf32>,
      %broadcast_in_dim3A_187 = arith.constant 0.000000e+00 : f32
      %broadcast_in_dim3A_188 = vector.broadcast %broadcast_in_dim3A_187 : f32 to vector<16xf32>
      %swap3A_189 = arith.index_cast %scan3A_153 : i32 to index
      %swap3A_190 = arith.constant 80 : index
      %swap3A_191 = tpu.vector_load %arg13[%swap3A_189, %swap3A_190] {strides = array<i32>} : memref<80x128xf32, #tpu.memory_space<vmem>>, vector<1x16xf32>,
      %swap3A_192 = vector.shape_cast %swap3A_191 : vector<1x16xf32> to vector<16xf32>
      %swap3A_193 = vector.shape_cast %broadcast_in_dim3A_188 : vector<16xf32> to vector<1x16xf32>
      tpu.vector_store %arg13[%swap3A_189, %swap3A_190], %swap3A_193 {strides = array<i32>} : memref<80x128xf32, #tpu.memory_space<vmem>>, vector<1x16xf32>,
      %broadcast_in_dim3A_194 = arith.constant 0.000000e+00 : f32
      %broadcast_in_dim3A_195 = vector.broadcast %broadcast_in_dim3A_194 : f32 to vector<16xf32>
      %swap3A_196 = arith.index_cast %scan3A_153 : i32 to index
      %swap3A_197 = arith.constant 96 : index
      %swap3A_198 = tpu.vector_load %arg13[%swap3A_196, %swap3A_197] {strides = array<i32>} : memref<80x128xf32, #tpu.memory_space<vmem>>, vector<1x16xf32>,
      %swap3A_199 = vector.shape_cast %swap3A_198 : vector<1x16xf32> to vector<16xf32>
      %swap3A_200 = vector.shape_cast %broadcast_in_dim3A_195 : vector<16xf32> to vector<1x16xf32>
      tpu.vector_store %arg13[%swap3A_196, %swap3A_197], %swap3A_200 {strides = array<i32>} : memref<80x128xf32, #tpu.memory_space<vmem>>, vector<1x16xf32>,
      %broadcast_in_dim3A_201 = arith.constant 0.000000e+00 : f32
      %broadcast_in_dim3A_202 = vector.broadcast %broadcast_in_dim3A_201 : f32 to vector<16xf32>
      %swap3A_203 = arith.index_cast %scan3A_153 : i32 to index
      %swap3A_204 = arith.constant 112 : index
      %swap3A_205 = tpu.vector_load %arg13[%swap3A_203, %swap3A_204] {strides = array<i32>} : memref<80x128xf32, #tpu.memory_space<vmem>>, vector<1x16xf32>,
      %swap3A_206 = vector.shape_cast %swap3A_205 : vector<1x16xf32> to vector<16xf32>
      %swap3A_207 = vector.shape_cast %broadcast_in_dim3A_202 : vector<16xf32> to vector<1x16xf32>
      tpu.vector_store %arg13[%swap3A_203, %swap3A_204], %swap3A_207 {strides = array<i32>} : memref<80x128xf32, #tpu.memory_space<vmem>>, vector<1x16xf32>,
    }
    %scan3A_5 = arith.constant 80 : i32
    %mul3A_6 = arith.constant 640 : i32
    %mul3A_7 = arith.muli %arg1, %mul3A_6 : i32
    %add3A_8 = arith.constant 0 : i32
    %add3A_9 = arith.addi %mul3A_7, %add3A_8 : i32
    "tpu.region"() ({
      %run_scoped3A = tpu.sem_alloc : memref<!tpu.dma_semaphore, #tpu.memory_space<semaphore_mem>>
      %dma_start3A_153 = arith.constant 0 : i32
      %dma_start3A_154 = tpu.memref_slice %arg17[%add3A_9, %dma_start3A_153] : memref<10240x128xf32, #tpu.memory_space<vmem_shared>> -> memref<80x128xf32, #tpu.memory_space<vmem_shared>>
      %dma_start3A_155 = arith.constant 0 : i32
      %dma_start3A_156 = tpu.memref_slice %arg17[%add3A_9, %dma_start3A_155] : memref<10240x128xf32, #tpu.memory_space<vmem_shared>> -> memref<80x128xf32, #tpu.memory_space<vmem_shared>>
      tpu.enqueue_dma source(%arg13 : memref<80x128xf32, #tpu.memory_space<vmem>>) target(%dma_start3A_156 : memref<80x128xf32, #tpu.memory_space<vmem_shared>>) target_semaphore(%run_scoped3A : memref<!tpu.dma_semaphore, #tpu.memory_space<semaphore_mem>>)
      %dma_wait3A_157 = arith.constant 0 : i32
      %dma_wait3A_158 = tpu.memref_slice %arg17[%add3A_9, %dma_wait3A_157] : memref<10240x128xf32, #tpu.memory_space<vmem_shared>> -> memref<80x128xf32, #tpu.memory_space<vmem_shared>>
      %dma_wait3A_159 = arith.constant 0 : i32
      %dma_wait3A_160 = tpu.memref_slice %arg17[%add3A_9, %dma_wait3A_159] : memref<10240x128xf32, #tpu.memory_space<vmem_shared>> -> memref<80x128xf32, #tpu.memory_space<vmem_shared>>
      tpu.wait_dma2 semaphore(%run_scoped3A : memref<!tpu.dma_semaphore, #tpu.memory_space<semaphore_mem>>) src(%arg13 : memref<80x128xf32, #tpu.memory_space<vmem>>) dst(%dma_wait3A_160 : memref<80x128xf32, #tpu.memory_space<vmem_shared>>)
      tpu.yield
    }) : () -> ()
    %mul3A_10 = arith.constant 640 : i32
    %mul3A_11 = arith.muli %arg1, %mul3A_10 : i32
    %add3A_12 = arith.constant 80 : i32
    %add3A_13 = arith.addi %mul3A_11, %add3A_12 : i32
    "tpu.region"() ({
      %run_scoped3A = tpu.sem_alloc : memref<!tpu.dma_semaphore, #tpu.memory_space<semaphore_mem>>
      %dma_start3A_153 = arith.constant 0 : i32
      %dma_start3A_154 = tpu.memref_slice %arg17[%add3A_13, %dma_start3A_153] : memref<10240x128xf32, #tpu.memory_space<vmem_shared>> -> memref<80x128xf32, #tpu.memory_space<vmem_shared>>
      %dma_start3A_155 = arith.constant 0 : i32
      %dma_start3A_156 = tpu.memref_slice %arg17[%add3A_13, %dma_start3A_155] : memref<10240x128xf32, #tpu.memory_space<vmem_shared>> -> memref<80x128xf32, #tpu.memory_space<vmem_shared>>
      tpu.enqueue_dma source(%arg13 : memref<80x128xf32, #tpu.memory_space<vmem>>) target(%dma_start3A_156 : memref<80x128xf32, #tpu.memory_space<vmem_shared>>) target_semaphore(%run_scoped3A : memref<!tpu.dma_semaphore, #tpu.memory_space<semaphore_mem>>)
      %dma_wait3A_157 = arith.constant 0 : i32
      %dma_wait3A_158 = tpu.memref_slice %arg17[%add3A_13, %dma_wait3A_157] : memref<10240x128xf32, #tpu.memory_space<vmem_shared>> -> memref<80x128xf32, #tpu.memory_space<vmem_shared>>
      %dma_wait3A_159 = arith.constant 0 : i32
      %dma_wait3A_160 = tpu.memref_slice %arg17[%add3A_13, %dma_wait3A_159] : memref<10240x128xf32, #tpu.memory_space<vmem_shared>> -> memref<80x128xf32, #tpu.memory_space<vmem_shared>>
      tpu.wait_dma2 semaphore(%run_scoped3A : memref<!tpu.dma_semaphore, #tpu.memory_space<semaphore_mem>>) src(%arg13 : memref<80x128xf32, #tpu.memory_space<vmem>>) dst(%dma_wait3A_160 : memref<80x128xf32, #tpu.memory_space<vmem_shared>>)
      tpu.yield
    }) : () -> ()
    %mul3A_14 = arith.constant 640 : i32
    %mul3A_15 = arith.muli %arg1, %mul3A_14 : i32
    %add3A_16 = arith.constant 160 : i32
    %add3A_17 = arith.addi %mul3A_15, %add3A_16 : i32
    "tpu.region"() ({
      %run_scoped3A = tpu.sem_alloc : memref<!tpu.dma_semaphore, #tpu.memory_space<semaphore_mem>>
      %dma_start3A_153 = arith.constant 0 : i32
      %dma_start3A_154 = tpu.memref_slice %arg17[%add3A_17, %dma_start3A_153] : memref<10240x128xf32, #tpu.memory_space<vmem_shared>> -> memref<80x128xf32, #tpu.memory_space<vmem_shared>>
      %dma_start3A_155 = arith.constant 0 : i32
      %dma_start3A_156 = tpu.memref_slice %arg17[%add3A_17, %dma_start3A_155] : memref<10240x128xf32, #tpu.memory_space<vmem_shared>> -> memref<80x128xf32, #tpu.memory_space<vmem_shared>>
      tpu.enqueue_dma source(%arg13 : memref<80x128xf32, #tpu.memory_space<vmem>>) target(%dma_start3A_156 : memref<80x128xf32, #tpu.memory_space<vmem_shared>>) target_semaphore(%run_scoped3A : memref<!tpu.dma_semaphore, #tpu.memory_space<semaphore_mem>>)
      %dma_wait3A_157 = arith.constant 0 : i32
      %dma_wait3A_158 = tpu.memref_slice %arg17[%add3A_17, %dma_wait3A_157] : memref<10240x128xf32, #tpu.memory_space<vmem_shared>> -> memref<80x128xf32, #tpu.memory_space<vmem_shared>>
      %dma_wait3A_159 = arith.constant 0 : i32
      %dma_wait3A_160 = tpu.memref_slice %arg17[%add3A_17, %dma_wait3A_159] : memref<10240x128xf32, #tpu.memory_space<vmem_shared>> -> memref<80x128xf32, #tpu.memory_space<vmem_shared>>
      tpu.wait_dma2 semaphore(%run_scoped3A : memref<!tpu.dma_semaphore, #tpu.memory_space<semaphore_mem>>) src(%arg13 : memref<80x128xf32, #tpu.memory_space<vmem>>) dst(%dma_wait3A_160 : memref<80x128xf32, #tpu.memory_space<vmem_shared>>)
      tpu.yield
    }) : () -> ()
    %mul3A_18 = arith.constant 640 : i32
    %mul3A_19 = arith.muli %arg1, %mul3A_18 : i32
    %add3A_20 = arith.constant 240 : i32
    %add3A_21 = arith.addi %mul3A_19, %add3A_20 : i32
    "tpu.region"() ({
      %run_scoped3A = tpu.sem_alloc : memref<!tpu.dma_semaphore, #tpu.memory_space<semaphore_mem>>
      %dma_start3A_153 = arith.constant 0 : i32
      %dma_start3A_154 = tpu.memref_slice %arg17[%add3A_21, %dma_start3A_153] : memref<10240x128xf32, #tpu.memory_space<vmem_shared>> -> memref<80x128xf32, #tpu.memory_space<vmem_shared>>
      %dma_start3A_155 = arith.constant 0 : i32
      %dma_start3A_156 = tpu.memref_slice %arg17[%add3A_21, %dma_start3A_155] : memref<10240x128xf32, #tpu.memory_space<vmem_shared>> -> memref<80x128xf32, #tpu.memory_space<vmem_shared>>
      tpu.enqueue_dma source(%arg13 : memref<80x128xf32, #tpu.memory_space<vmem>>) target(%dma_start3A_156 : memref<80x128xf32, #tpu.memory_space<vmem_shared>>) target_semaphore(%run_scoped3A : memref<!tpu.dma_semaphore, #tpu.memory_space<semaphore_mem>>)
      %dma_wait3A_157 = arith.constant 0 : i32
      %dma_wait3A_158 = tpu.memref_slice %arg17[%add3A_21, %dma_wait3A_157] : memref<10240x128xf32, #tpu.memory_space<vmem_shared>> -> memref<80x128xf32, #tpu.memory_space<vmem_shared>>
      %dma_wait3A_159 = arith.constant 0 : i32
      %dma_wait3A_160 = tpu.memref_slice %arg17[%add3A_21, %dma_wait3A_159] : memref<10240x128xf32, #tpu.memory_space<vmem_shared>> -> memref<80x128xf32, #tpu.memory_space<vmem_shared>>
      tpu.wait_dma2 semaphore(%run_scoped3A : memref<!tpu.dma_semaphore, #tpu.memory_space<semaphore_mem>>) src(%arg13 : memref<80x128xf32, #tpu.memory_space<vmem>>) dst(%dma_wait3A_160 : memref<80x128xf32, #tpu.memory_space<vmem_shared>>)
      tpu.yield
    }) : () -> ()
    %mul3A_22 = arith.constant 640 : i32
    %mul3A_23 = arith.muli %arg1, %mul3A_22 : i32
    %add3A_24 = arith.constant 320 : i32
    %add3A_25 = arith.addi %mul3A_23, %add3A_24 : i32
    "tpu.region"() ({
      %run_scoped3A = tpu.sem_alloc : memref<!tpu.dma_semaphore, #tpu.memory_space<semaphore_mem>>
      %dma_start3A_153 = arith.constant 0 : i32
      %dma_start3A_154 = tpu.memref_slice %arg17[%add3A_25, %dma_start3A_153] : memref<10240x128xf32, #tpu.memory_space<vmem_shared>> -> memref<80x128xf32, #tpu.memory_space<vmem_shared>>
      %dma_start3A_155 = arith.constant 0 : i32
      %dma_start3A_156 = tpu.memref_slice %arg17[%add3A_25, %dma_start3A_155] : memref<10240x128xf32, #tpu.memory_space<vmem_shared>> -> memref<80x128xf32, #tpu.memory_space<vmem_shared>>
      tpu.enqueue_dma source(%arg13 : memref<80x128xf32, #tpu.memory_space<vmem>>) target(%dma_start3A_156 : memref<80x128xf32, #tpu.memory_space<vmem_shared>>) target_semaphore(%run_scoped3A : memref<!tpu.dma_semaphore, #tpu.memory_space<semaphore_mem>>)
      %dma_wait3A_157 = arith.constant 0 : i32
      %dma_wait3A_158 = tpu.memref_slice %arg17[%add3A_25, %dma_wait3A_157] : memref<10240x128xf32, #tpu.memory_space<vmem_shared>> -> memref<80x128xf32, #tpu.memory_space<vmem_shared>>
      %dma_wait3A_159 = arith.constant 0 : i32
      %dma_wait3A_160 = tpu.memref_slice %arg17[%add3A_25, %dma_wait3A_159] : memref<10240x128xf32, #tpu.memory_space<vmem_shared>> -> memref<80x128xf32, #tpu.memory_space<vmem_shared>>
      tpu.wait_dma2 semaphore(%run_scoped3A : memref<!tpu.dma_semaphore, #tpu.memory_space<semaphore_mem>>) src(%arg13 : memref<80x128xf32, #tpu.memory_space<vmem>>) dst(%dma_wait3A_160 : memref<80x128xf32, #tpu.memory_space<vmem_shared>>)
      tpu.yield
    }) : () -> ()
    %mul3A_26 = arith.constant 640 : i32
    %mul3A_27 = arith.muli %arg1, %mul3A_26 : i32
    %add3A_28 = arith.constant 400 : i32
    %add3A_29 = arith.addi %mul3A_27, %add3A_28 : i32
    "tpu.region"() ({
      %run_scoped3A = tpu.sem_alloc : memref<!tpu.dma_semaphore, #tpu.memory_space<semaphore_mem>>
      %dma_start3A_153 = arith.constant 0 : i32
      %dma_start3A_154 = tpu.memref_slice %arg17[%add3A_29, %dma_start3A_153] : memref<10240x128xf32, #tpu.memory_space<vmem_shared>> -> memref<80x128xf32, #tpu.memory_space<vmem_shared>>
      %dma_start3A_155 = arith.constant 0 : i32
      %dma_start3A_156 = tpu.memref_slice %arg17[%add3A_29, %dma_start3A_155] : memref<10240x128xf32, #tpu.memory_space<vmem_shared>> -> memref<80x128xf32, #tpu.memory_space<vmem_shared>>
      tpu.enqueue_dma source(%arg13 : memref<80x128xf32, #tpu.memory_space<vmem>>) target(%dma_start3A_156 : memref<80x128xf32, #tpu.memory_space<vmem_shared>>) target_semaphore(%run_scoped3A : memref<!tpu.dma_semaphore, #tpu.memory_space<semaphore_mem>>)
      %dma_wait3A_157 = arith.constant 0 : i32
      %dma_wait3A_158 = tpu.memref_slice %arg17[%add3A_29, %dma_wait3A_157] : memref<10240x128xf32, #tpu.memory_space<vmem_shared>> -> memref<80x128xf32, #tpu.memory_space<vmem_shared>>
      %dma_wait3A_159 = arith.constant 0 : i32
      %dma_wait3A_160 = tpu.memref_slice %arg17[%add3A_29, %dma_wait3A_159] : memref<10240x128xf32, #tpu.memory_space<vmem_shared>> -> memref<80x128xf32, #tpu.memory_space<vmem_shared>>
      tpu.wait_dma2 semaphore(%run_scoped3A : memref<!tpu.dma_semaphore, #tpu.memory_space<semaphore_mem>>) src(%arg13 : memref<80x128xf32, #tpu.memory_space<vmem>>) dst(%dma_wait3A_160 : memref<80x128xf32, #tpu.memory_space<vmem_shared>>)
      tpu.yield
    }) : () -> ()
    %mul3A_30 = arith.constant 640 : i32
    %mul3A_31 = arith.muli %arg1, %mul3A_30 : i32
    %add3A_32 = arith.constant 480 : i32
    %add3A_33 = arith.addi %mul3A_31, %add3A_32 : i32
    "tpu.region"() ({
      %run_scoped3A = tpu.sem_alloc : memref<!tpu.dma_semaphore, #tpu.memory_space<semaphore_mem>>
      %dma_start3A_153 = arith.constant 0 : i32
      %dma_start3A_154 = tpu.memref_slice %arg17[%add3A_33, %dma_start3A_153] : memref<10240x128xf32, #tpu.memory_space<vmem_shared>> -> memref<80x128xf32, #tpu.memory_space<vmem_shared>>
      %dma_start3A_155 = arith.constant 0 : i32
      %dma_start3A_156 = tpu.memref_slice %arg17[%add3A_33, %dma_start3A_155] : memref<10240x128xf32, #tpu.memory_space<vmem_shared>> -> memref<80x128xf32, #tpu.memory_space<vmem_shared>>
      tpu.enqueue_dma source(%arg13 : memref<80x128xf32, #tpu.memory_space<vmem>>) target(%dma_start3A_156 : memref<80x128xf32, #tpu.memory_space<vmem_shared>>) target_semaphore(%run_scoped3A : memref<!tpu.dma_semaphore, #tpu.memory_space<semaphore_mem>>)
      %dma_wait3A_157 = arith.constant 0 : i32
      %dma_wait3A_158 = tpu.memref_slice %arg17[%add3A_33, %dma_wait3A_157] : memref<10240x128xf32, #tpu.memory_space<vmem_shared>> -> memref<80x128xf32, #tpu.memory_space<vmem_shared>>
      %dma_wait3A_159 = arith.constant 0 : i32
      %dma_wait3A_160 = tpu.memref_slice %arg17[%add3A_33, %dma_wait3A_159] : memref<10240x128xf32, #tpu.memory_space<vmem_shared>> -> memref<80x128xf32, #tpu.memory_space<vmem_shared>>
      tpu.wait_dma2 semaphore(%run_scoped3A : memref<!tpu.dma_semaphore, #tpu.memory_space<semaphore_mem>>) src(%arg13 : memref<80x128xf32, #tpu.memory_space<vmem>>) dst(%dma_wait3A_160 : memref<80x128xf32, #tpu.memory_space<vmem_shared>>)
      tpu.yield
    }) : () -> ()
    %mul3A_34 = arith.constant 640 : i32
    %mul3A_35 = arith.muli %arg1, %mul3A_34 : i32
    %add3A_36 = arith.constant 560 : i32
    %add3A_37 = arith.addi %mul3A_35, %add3A_36 : i32
    "tpu.region"() ({
      %run_scoped3A = tpu.sem_alloc : memref<!tpu.dma_semaphore, #tpu.memory_space<semaphore_mem>>
      %dma_start3A_153 = arith.constant 0 : i32
      %dma_start3A_154 = tpu.memref_slice %arg17[%add3A_37, %dma_start3A_153] : memref<10240x128xf32, #tpu.memory_space<vmem_shared>> -> memref<80x128xf32, #tpu.memory_space<vmem_shared>>
      %dma_start3A_155 = arith.constant 0 : i32
      %dma_start3A_156 = tpu.memref_slice %arg17[%add3A_37, %dma_start3A_155] : memref<10240x128xf32, #tpu.memory_space<vmem_shared>> -> memref<80x128xf32, #tpu.memory_space<vmem_shared>>
      tpu.enqueue_dma source(%arg13 : memref<80x128xf32, #tpu.memory_space<vmem>>) target(%dma_start3A_156 : memref<80x128xf32, #tpu.memory_space<vmem_shared>>) target_semaphore(%run_scoped3A : memref<!tpu.dma_semaphore, #tpu.memory_space<semaphore_mem>>)
      %dma_wait3A_157 = arith.constant 0 : i32
      %dma_wait3A_158 = tpu.memref_slice %arg17[%add3A_37, %dma_wait3A_157] : memref<10240x128xf32, #tpu.memory_space<vmem_shared>> -> memref<80x128xf32, #tpu.memory_space<vmem_shared>>
      %dma_wait3A_159 = arith.constant 0 : i32
      %dma_wait3A_160 = tpu.memref_slice %arg17[%add3A_37, %dma_wait3A_159] : memref<10240x128xf32, #tpu.memory_space<vmem_shared>> -> memref<80x128xf32, #tpu.memory_space<vmem_shared>>
      tpu.wait_dma2 semaphore(%run_scoped3A : memref<!tpu.dma_semaphore, #tpu.memory_space<semaphore_mem>>) src(%arg13 : memref<80x128xf32, #tpu.memory_space<vmem>>) dst(%dma_wait3A_160 : memref<80x128xf32, #tpu.memory_space<vmem_shared>>)
      tpu.yield
    }) : () -> ()
    %mul3A_38 = arith.constant 10000 : i32
    %mul3A_39 = arith.muli %add3A, %mul3A_38 : i32
    %add3A_40 = arith.constant 0 : i32
    %add3A_41 = arith.addi %add3A_40, %mul3A_39 : i32
    %add3A_42 = arith.constant 0 : i32
    %add3A_43 = arith.addi %add3A_41, %add3A_42 : i32
    %dma_start3A = tpu.memref_slice %arg3[%add3A_43] : memref<640000xi32, #tpu.memory_space<hbm>> -> memref<80xi32, #tpu.memory_space<hbm>>
    %dma_start3A_44 = tpu.memref_slice %arg3[%add3A_43] : memref<640000xi32, #tpu.memory_space<hbm>> -> memref<80xi32, #tpu.memory_space<hbm>>
    tpu.enqueue_dma source(%dma_start3A_44 : memref<80xi32, #tpu.memory_space<hbm>>) target(%arg5 : memref<80xi32, #tpu.memory_space<vmem>>) target_semaphore(%arg18 : memref<!tpu.dma_semaphore, #tpu.memory_space<semaphore_mem>>)
    %add3A_45 = arith.constant 320000 : i32
    %add3A_46 = arith.addi %add3A_45, %mul3A_39 : i32
    %add3A_47 = arith.constant 0 : i32
    %add3A_48 = arith.addi %add3A_46, %add3A_47 : i32
    %dma_start3A_49 = tpu.memref_slice %arg3[%add3A_48] : memref<640000xi32, #tpu.memory_space<hbm>> -> memref<80xi32, #tpu.memory_space<hbm>>
    %dma_start3A_50 = tpu.memref_slice %arg3[%add3A_48] : memref<640000xi32, #tpu.memory_space<hbm>> -> memref<80xi32, #tpu.memory_space<hbm>>
    tpu.enqueue_dma source(%dma_start3A_50 : memref<80xi32, #tpu.memory_space<hbm>>) target(%arg9 : memref<80xi32, #tpu.memory_space<vmem>>) target_semaphore(%arg22 : memref<!tpu.dma_semaphore, #tpu.memory_space<semaphore_mem>>)
    %add3A_51 = arith.constant 0 : i32
    %add3A_52 = arith.addi %add3A_51, %mul3A_39 : i32
    %add3A_53 = arith.constant 80 : i32
    %add3A_54 = arith.addi %add3A_52, %add3A_53 : i32
    %dma_start3A_55 = tpu.memref_slice %arg3[%add3A_54] : memref<640000xi32, #tpu.memory_space<hbm>> -> memref<80xi32, #tpu.memory_space<hbm>>
    %dma_start3A_56 = tpu.memref_slice %arg3[%add3A_54] : memref<640000xi32, #tpu.memory_space<hbm>> -> memref<80xi32, #tpu.memory_space<hbm>>
    tpu.enqueue_dma source(%dma_start3A_56 : memref<80xi32, #tpu.memory_space<hbm>>) target(%arg6 : memref<80xi32, #tpu.memory_space<vmem>>) target_semaphore(%arg19 : memref<!tpu.dma_semaphore, #tpu.memory_space<semaphore_mem>>)
    %add3A_57 = arith.constant 320000 : i32
    %add3A_58 = arith.addi %add3A_57, %mul3A_39 : i32
    %add3A_59 = arith.constant 80 : i32
    %add3A_60 = arith.addi %add3A_58, %add3A_59 : i32
    %dma_start3A_61 = tpu.memref_slice %arg3[%add3A_60] : memref<640000xi32, #tpu.memory_space<hbm>> -> memref<80xi32, #tpu.memory_space<hbm>>
    %dma_start3A_62 = tpu.memref_slice %arg3[%add3A_60] : memref<640000xi32, #tpu.memory_space<hbm>> -> memref<80xi32, #tpu.memory_space<hbm>>
    tpu.enqueue_dma source(%dma_start3A_62 : memref<80xi32, #tpu.memory_space<hbm>>) target(%arg10 : memref<80xi32, #tpu.memory_space<vmem>>) target_semaphore(%arg23 : memref<!tpu.dma_semaphore, #tpu.memory_space<semaphore_mem>>)
    %add3A_63 = arith.constant 0 : i32
    %add3A_64 = arith.addi %add3A_63, %mul3A_39 : i32
    %add3A_65 = arith.constant 160 : i32
    %add3A_66 = arith.addi %add3A_64, %add3A_65 : i32
    %dma_start3A_67 = tpu.memref_slice %arg3[%add3A_66] : memref<640000xi32, #tpu.memory_space<hbm>> -> memref<80xi32, #tpu.memory_space<hbm>>
    %dma_start3A_68 = tpu.memref_slice %arg3[%add3A_66] : memref<640000xi32, #tpu.memory_space<hbm>> -> memref<80xi32, #tpu.memory_space<hbm>>
    tpu.enqueue_dma source(%dma_start3A_68 : memref<80xi32, #tpu.memory_space<hbm>>) target(%arg7 : memref<80xi32, #tpu.memory_space<vmem>>) target_semaphore(%arg20 : memref<!tpu.dma_semaphore, #tpu.memory_space<semaphore_mem>>)
    %add3A_69 = arith.constant 320000 : i32
    %add3A_70 = arith.addi %add3A_69, %mul3A_39 : i32
    %add3A_71 = arith.constant 160 : i32
    %add3A_72 = arith.addi %add3A_70, %add3A_71 : i32
    %dma_start3A_73 = tpu.memref_slice %arg3[%add3A_72] : memref<640000xi32, #tpu.memory_space<hbm>> -> memref<80xi32, #tpu.memory_space<hbm>>
    %dma_start3A_74 = tpu.memref_slice %arg3[%add3A_72] : memref<640000xi32, #tpu.memory_space<hbm>> -> memref<80xi32, #tpu.memory_space<hbm>>
    tpu.enqueue_dma source(%dma_start3A_74 : memref<80xi32, #tpu.memory_space<hbm>>) target(%arg11 : memref<80xi32, #tpu.memory_space<vmem>>) target_semaphore(%arg24 : memref<!tpu.dma_semaphore, #tpu.memory_space<semaphore_mem>>)
    %add3A_75 = arith.constant 0 : i32
    %add3A_76 = arith.addi %add3A_75, %mul3A_39 : i32
    %add3A_77 = arith.constant 240 : i32
    %add3A_78 = arith.addi %add3A_76, %add3A_77 : i32
    %dma_start3A_79 = tpu.memref_slice %arg3[%add3A_78] : memref<640000xi32, #tpu.memory_space<hbm>> -> memref<80xi32, #tpu.memory_space<hbm>>
    %dma_start3A_80 = tpu.memref_slice %arg3[%add3A_78] : memref<640000xi32, #tpu.memory_space<hbm>> -> memref<80xi32, #tpu.memory_space<hbm>>
    tpu.enqueue_dma source(%dma_start3A_80 : memref<80xi32, #tpu.memory_space<hbm>>) target(%arg8 : memref<80xi32, #tpu.memory_space<vmem>>) target_semaphore(%arg21 : memref<!tpu.dma_semaphore, #tpu.memory_space<semaphore_mem>>)
    %add3A_81 = arith.constant 320000 : i32
    %add3A_82 = arith.addi %add3A_81, %mul3A_39 : i32
    %add3A_83 = arith.constant 240 : i32
    %add3A_84 = arith.addi %add3A_82, %add3A_83 : i32
    %dma_start3A_85 = tpu.memref_slice %arg3[%add3A_84] : memref<640000xi32, #tpu.memory_space<hbm>> -> memref<80xi32, #tpu.memory_space<hbm>>
    %dma_start3A_86 = tpu.memref_slice %arg3[%add3A_84] : memref<640000xi32, #tpu.memory_space<hbm>> -> memref<80xi32, #tpu.memory_space<hbm>>
    tpu.enqueue_dma source(%dma_start3A_86 : memref<80xi32, #tpu.memory_space<hbm>>) target(%arg12 : memref<80xi32, #tpu.memory_space<vmem>>) target_semaphore(%arg25 : memref<!tpu.dma_semaphore, #tpu.memory_space<semaphore_mem>>)
    %barrier3A = arith.constant 0 : index
    tpu.barrier barrier_id(%barrier3A)
    %dma_wait3A = arith.constant 0 : i32
    %dma_wait3A_87 = tpu.memref_slice %arg3[%dma_wait3A] : memref<640000xi32, #tpu.memory_space<hbm>> -> memref<80xi32, #tpu.memory_space<hbm>>
    %dma_wait3A_88 = arith.constant 0 : i32
    %dma_wait3A_89 = tpu.memref_slice %arg3[%dma_wait3A_88] : memref<640000xi32, #tpu.memory_space<hbm>> -> memref<80xi32, #tpu.memory_space<hbm>>
    tpu.wait_dma2 semaphore(%arg18 : memref<!tpu.dma_semaphore, #tpu.memory_space<semaphore_mem>>) src(%dma_wait3A_89 : memref<80xi32, #tpu.memory_space<hbm>>) dst(%arg5 : memref<80xi32, #tpu.memory_space<vmem>>)
    %dma_start3A_90 = arith.constant 0 : i32
    %dma_start3A_91 = arith.constant 0 : i32
    %dma_start3A_92 = tpu.memref_slice %arg2[%dma_start3A_90, %dma_start3A_91] : memref<10000x128xf32, #tpu.memory_space<hbm>> -> memref<10000x128xf32, #tpu.memory_space<hbm>>
    tpu.enqueue_indirect_dma source(%dma_start3A_92 : memref<10000x128xf32, #tpu.memory_space<hbm>>) target(%arg13 : memref<80x128xf32, #tpu.memory_space<vmem>>) offsets(%arg5 : memref<80xi32, #tpu.memory_space<vmem>>) semaphore(%arg26 : memref<!tpu.dma_semaphore, #tpu.memory_space<semaphore_mem>>)
    %dma_wait3A_93 = arith.constant 0 : i32
    %dma_wait3A_94 = tpu.memref_slice %arg3[%dma_wait3A_93] : memref<640000xi32, #tpu.memory_space<hbm>> -> memref<80xi32, #tpu.memory_space<hbm>>
    %dma_wait3A_95 = arith.constant 0 : i32
    %dma_wait3A_96 = tpu.memref_slice %arg3[%dma_wait3A_95] : memref<640000xi32, #tpu.memory_space<hbm>> -> memref<80xi32, #tpu.memory_space<hbm>>
    tpu.wait_dma2 semaphore(%arg19 : memref<!tpu.dma_semaphore, #tpu.memory_space<semaphore_mem>>) src(%dma_wait3A_96 : memref<80xi32, #tpu.memory_space<hbm>>) dst(%arg6 : memref<80xi32, #tpu.memory_space<vmem>>)
    %dma_start3A_97 = arith.constant 0 : i32
    %dma_start3A_98 = arith.constant 0 : i32
    %dma_start3A_99 = tpu.memref_slice %arg2[%dma_start3A_97, %dma_start3A_98] : memref<10000x128xf32, #tpu.memory_space<hbm>> -> memref<10000x128xf32, #tpu.memory_space<hbm>>
    tpu.enqueue_indirect_dma source(%dma_start3A_99 : memref<10000x128xf32, #tpu.memory_space<hbm>>) target(%arg14 : memref<80x128xf32, #tpu.memory_space<vmem>>) offsets(%arg6 : memref<80xi32, #tpu.memory_space<vmem>>) semaphore(%arg27 : memref<!tpu.dma_semaphore, #tpu.memory_space<semaphore_mem>>)
    %dma_wait3A_100 = arith.constant 0 : i32
    %dma_wait3A_101 = tpu.memref_slice %arg3[%dma_wait3A_100] : memref<640000xi32, #tpu.memory_space<hbm>> -> memref<80xi32, #tpu.memory_space<hbm>>
    %dma_wait3A_102 = arith.constant 0 : i32
    %dma_wait3A_103 = tpu.memref_slice %arg3[%dma_wait3A_102] : memref<640000xi32, #tpu.memory_space<hbm>> -> memref<80xi32, #tpu.memory_space<hbm>>
    tpu.wait_dma2 semaphore(%arg20 : memref<!tpu.dma_semaphore, #tpu.memory_space<semaphore_mem>>) src(%dma_wait3A_103 : memref<80xi32, #tpu.memory_space<hbm>>) dst(%arg7 : memref<80xi32, #tpu.memory_space<vmem>>)
    %dma_start3A_104 = arith.constant 0 : i32
    %dma_start3A_105 = arith.constant 0 : i32
    %dma_start3A_106 = tpu.memref_slice %arg2[%dma_start3A_104, %dma_start3A_105] : memref<10000x128xf32, #tpu.memory_space<hbm>> -> memref<10000x128xf32, #tpu.memory_space<hbm>>
    tpu.enqueue_indirect_dma source(%dma_start3A_106 : memref<10000x128xf32, #tpu.memory_space<hbm>>) target(%arg15 : memref<80x128xf32, #tpu.memory_space<vmem>>) offsets(%arg7 : memref<80xi32, #tpu.memory_space<vmem>>) semaphore(%arg28 : memref<!tpu.dma_semaphore, #tpu.memory_space<semaphore_mem>>)
    %dma_wait3A_107 = arith.constant 0 : i32
    %dma_wait3A_108 = tpu.memref_slice %arg3[%dma_wait3A_107] : memref<640000xi32, #tpu.memory_space<hbm>> -> memref<80xi32, #tpu.memory_space<hbm>>
    %dma_wait3A_109 = arith.constant 0 : i32
    %dma_wait3A_110 = tpu.memref_slice %arg3[%dma_wait3A_109] : memref<640000xi32, #tpu.memory_space<hbm>> -> memref<80xi32, #tpu.memory_space<hbm>>
    tpu.wait_dma2 semaphore(%arg21 : memref<!tpu.dma_semaphore, #tpu.memory_space<semaphore_mem>>) src(%dma_wait3A_110 : memref<80xi32, #tpu.memory_space<hbm>>) dst(%arg8 : memref<80xi32, #tpu.memory_space<vmem>>)
    %dma_start3A_111 = arith.constant 0 : i32
    %dma_start3A_112 = arith.constant 0 : i32
    %dma_start3A_113 = tpu.memref_slice %arg2[%dma_start3A_111, %dma_start3A_112] : memref<10000x128xf32, #tpu.memory_space<hbm>> -> memref<10000x128xf32, #tpu.memory_space<hbm>>
    tpu.enqueue_indirect_dma source(%dma_start3A_113 : memref<10000x128xf32, #tpu.memory_space<hbm>>) target(%arg16 : memref<80x128xf32, #tpu.memory_space<vmem>>) offsets(%arg8 : memref<80xi32, #tpu.memory_space<vmem>>) semaphore(%arg29 : memref<!tpu.dma_semaphore, #tpu.memory_space<semaphore_mem>>)
    %scan3A_114 = arith.constant 0 : i32
    %scan3A_115 = arith.constant 0 : i32
    %scan3A_116 = arith.constant 31 : i32
    %scan3A_117 = arith.addi %scan3A_115, %scan3A_116 : i32
    %scan3A_118 = arith.constant 1 : i32
    scf.for %scan3A_153 = %scan3A_115 to %scan3A_117 step %scan3A_118  : i32 {
      %mul3A_154 = arith.constant 4 : i32
      %mul3A_155 = arith.muli %mul3A_154, %scan3A_153 : i32
      %add3A_156 = arith.constant 4 : i32
      %add3A_157 = arith.addi %mul3A_155, %add3A_156 : i32
      %add3A_158 = arith.constant 0 : i32
      %add3A_159 = arith.addi %add3A_157, %add3A_158 : i32
      %min3A = arith.constant 124 : i32
      %min3A_160 = arith.minsi %add3A_159, %min3A : i32
      %dma_wait3A_161 = arith.constant 0 : i32
      %dma_wait3A_162 = tpu.memref_slice %arg3[%dma_wait3A_161] : memref<640000xi32, #tpu.memory_space<hbm>> -> memref<80xi32, #tpu.memory_space<hbm>>
      %dma_wait3A_163 = arith.constant 0 : i32
      %dma_wait3A_164 = tpu.memref_slice %arg3[%dma_wait3A_163] : memref<640000xi32, #tpu.memory_space<hbm>> -> memref<80xi32, #tpu.memory_space<hbm>>
      tpu.wait_dma2 semaphore(%arg22 : memref<!tpu.dma_semaphore, #tpu.memory_space<semaphore_mem>>) src(%dma_wait3A_164 : memref<80xi32, #tpu.memory_space<hbm>>) dst(%arg9 : memref<80xi32, #tpu.memory_space<vmem>>)
      %dma_wait3A_165 = arith.constant 0 : i32
      %dma_wait3A_166 = arith.constant 0 : i32
      %dma_wait3A_167 = tpu.memref_slice %arg2[%dma_wait3A_165, %dma_wait3A_166] : memref<10000x128xf32, #tpu.memory_space<hbm>> -> memref<10000x128xf32, #tpu.memory_space<hbm>>
      tpu.wait_indirect_dma semaphore(%arg26 : memref<!tpu.dma_semaphore, #tpu.memory_space<semaphore_mem>>) src(%dma_wait3A_167 : memref<10000x128xf32, #tpu.memory_space<hbm>>) dst(%arg13 : memref<80x128xf32, #tpu.memory_space<vmem>>)
      %dma_start3A_168 = arith.constant 0 : i32
      %dma_start3A_169 = arith.constant 0 : i32
      %dma_start3A_170 = tpu.memref_slice %arg17[%dma_start3A_168, %dma_start3A_169] : memref<10240x128xf32, #tpu.memory_space<vmem_shared>> -> memref<10240x128xf32, #tpu.memory_space<vmem_shared>>
      tpu.enqueue_indirect_dma source(%arg13 : memref<80x128xf32, #tpu.memory_space<vmem>>) target(%dma_start3A_170 : memref<10240x128xf32, #tpu.memory_space<vmem_shared>>) offsets(%arg9 : memref<80xi32, #tpu.memory_space<vmem>>) semaphore(%arg30 : memref<!tpu.dma_semaphore, #tpu.memory_space<semaphore_mem>>) {add = true}
      %add3A_171 = arith.constant 0 : i32
      %add3A_172 = arith.addi %add3A_171, %mul3A_39 : i32
      %mul3A_173 = arith.constant 80 : i32
      %mul3A_174 = arith.muli %min3A_160, %mul3A_173 : i32
      %add3A_175 = arith.addi %add3A_172, %mul3A_174 : i32
      %dma_start3A_176 = tpu.memref_slice %arg3[%add3A_175] : memref<640000xi32, #tpu.memory_space<hbm>> -> memref<80xi32, #tpu.memory_space<hbm>>
      %dma_start3A_177 = tpu.memref_slice %arg3[%add3A_175] : memref<640000xi32, #tpu.memory_space<hbm>> -> memref<80xi32, #tpu.memory_space<hbm>>
      tpu.enqueue_dma source(%dma_start3A_177 : memref<80xi32, #tpu.memory_space<hbm>>) target(%arg5 : memref<80xi32, #tpu.memory_space<vmem>>) target_semaphore(%arg18 : memref<!tpu.dma_semaphore, #tpu.memory_space<semaphore_mem>>)
      %mul3A_178 = arith.constant 4 : i32
      %mul3A_179 = arith.muli %mul3A_178, %scan3A_153 : i32
      %add3A_180 = arith.constant 4 : i32
      %add3A_181 = arith.addi %mul3A_179, %add3A_180 : i32
      %add3A_182 = arith.constant 1 : i32
      %add3A_183 = arith.addi %add3A_181, %add3A_182 : i32
      %min3A_184 = arith.constant 124 : i32
      %min3A_185 = arith.minsi %add3A_183, %min3A_184 : i32
      %dma_wait3A_186 = arith.constant 0 : i32
      %dma_wait3A_187 = tpu.memref_slice %arg3[%dma_wait3A_186] : memref<640000xi32, #tpu.memory_space<hbm>> -> memref<80xi32, #tpu.memory_space<hbm>>
      %dma_wait3A_188 = arith.constant 0 : i32
      %dma_wait3A_189 = tpu.memref_slice %arg3[%dma_wait3A_188] : memref<640000xi32, #tpu.memory_space<hbm>> -> memref<80xi32, #tpu.memory_space<hbm>>
      tpu.wait_dma2 semaphore(%arg23 : memref<!tpu.dma_semaphore, #tpu.memory_space<semaphore_mem>>) src(%dma_wait3A_189 : memref<80xi32, #tpu.memory_space<hbm>>) dst(%arg10 : memref<80xi32, #tpu.memory_space<vmem>>)
      %dma_wait3A_190 = arith.constant 0 : i32
      %dma_wait3A_191 = arith.constant 0 : i32
      %dma_wait3A_192 = tpu.memref_slice %arg2[%dma_wait3A_190, %dma_wait3A_191] : memref<10000x128xf32, #tpu.memory_space<hbm>> -> memref<10000x128xf32, #tpu.memory_space<hbm>>
      tpu.wait_indirect_dma semaphore(%arg27 : memref<!tpu.dma_semaphore, #tpu.memory_space<semaphore_mem>>) src(%dma_wait3A_192 : memref<10000x128xf32, #tpu.memory_space<hbm>>) dst(%arg14 : memref<80x128xf32, #tpu.memory_space<vmem>>)
      %dma_start3A_193 = arith.constant 0 : i32
      %dma_start3A_194 = arith.constant 0 : i32
      %dma_start3A_195 = tpu.memref_slice %arg17[%dma_start3A_193, %dma_start3A_194] : memref<10240x128xf32, #tpu.memory_space<vmem_shared>> -> memref<10240x128xf32, #tpu.memory_space<vmem_shared>>
      tpu.enqueue_indirect_dma source(%arg14 : memref<80x128xf32, #tpu.memory_space<vmem>>) target(%dma_start3A_195 : memref<10240x128xf32, #tpu.memory_space<vmem_shared>>) offsets(%arg10 : memref<80xi32, #tpu.memory_space<vmem>>) semaphore(%arg31 : memref<!tpu.dma_semaphore, #tpu.memory_space<semaphore_mem>>) {add = true}
      %add3A_196 = arith.constant 0 : i32
      %add3A_197 = arith.addi %add3A_196, %mul3A_39 : i32
      %mul3A_198 = arith.constant 80 : i32
      %mul3A_199 = arith.muli %min3A_185, %mul3A_198 : i32
      %add3A_200 = arith.addi %add3A_197, %mul3A_199 : i32
      %dma_start3A_201 = tpu.memref_slice %arg3[%add3A_200] : memref<640000xi32, #tpu.memory_space<hbm>> -> memref<80xi32, #tpu.memory_space<hbm>>
      %dma_start3A_202 = tpu.memref_slice %arg3[%add3A_200] : memref<640000xi32, #tpu.memory_space<hbm>> -> memref<80xi32, #tpu.memory_space<hbm>>
      tpu.enqueue_dma source(%dma_start3A_202 : memref<80xi32, #tpu.memory_space<hbm>>) target(%arg6 : memref<80xi32, #tpu.memory_space<vmem>>) target_semaphore(%arg19 : memref<!tpu.dma_semaphore, #tpu.memory_space<semaphore_mem>>)
      %mul3A_203 = arith.constant 4 : i32
      %mul3A_204 = arith.muli %mul3A_203, %scan3A_153 : i32
      %add3A_205 = arith.constant 4 : i32
      %add3A_206 = arith.addi %mul3A_204, %add3A_205 : i32
      %add3A_207 = arith.constant 2 : i32
      %add3A_208 = arith.addi %add3A_206, %add3A_207 : i32
      %min3A_209 = arith.constant 124 : i32
      %min3A_210 = arith.minsi %add3A_208, %min3A_209 : i32
      %dma_wait3A_211 = arith.constant 0 : i32
      %dma_wait3A_212 = tpu.memref_slice %arg3[%dma_wait3A_211] : memref<640000xi32, #tpu.memory_space<hbm>> -> memref<80xi32, #tpu.memory_space<hbm>>
      %dma_wait3A_213 = arith.constant 0 : i32
      %dma_wait3A_214 = tpu.memref_slice %arg3[%dma_wait3A_213] : memref<640000xi32, #tpu.memory_space<hbm>> -> memref<80xi32, #tpu.memory_space<hbm>>
      tpu.wait_dma2 semaphore(%arg24 : memref<!tpu.dma_semaphore, #tpu.memory_space<semaphore_mem>>) src(%dma_wait3A_214 : memref<80xi32, #tpu.memory_space<hbm>>) dst(%arg11 : memref<80xi32, #tpu.memory_space<vmem>>)
      %dma_wait3A_215 = arith.constant 0 : i32
      %dma_wait3A_216 = arith.constant 0 : i32
      %dma_wait3A_217 = tpu.memref_slice %arg2[%dma_wait3A_215, %dma_wait3A_216] : memref<10000x128xf32, #tpu.memory_space<hbm>> -> memref<10000x128xf32, #tpu.memory_space<hbm>>
      tpu.wait_indirect_dma semaphore(%arg28 : memref<!tpu.dma_semaphore, #tpu.memory_space<semaphore_mem>>) src(%dma_wait3A_217 : memref<10000x128xf32, #tpu.memory_space<hbm>>) dst(%arg15 : memref<80x128xf32, #tpu.memory_space<vmem>>)
      %dma_start3A_218 = arith.constant 0 : i32
      %dma_start3A_219 = arith.constant 0 : i32
      %dma_start3A_220 = tpu.memref_slice %arg17[%dma_start3A_218, %dma_start3A_219] : memref<10240x128xf32, #tpu.memory_space<vmem_shared>> -> memref<10240x128xf32, #tpu.memory_space<vmem_shared>>
      tpu.enqueue_indirect_dma source(%arg15 : memref<80x128xf32, #tpu.memory_space<vmem>>) target(%dma_start3A_220 : memref<10240x128xf32, #tpu.memory_space<vmem_shared>>) offsets(%arg11 : memref<80xi32, #tpu.memory_space<vmem>>) semaphore(%arg32 : memref<!tpu.dma_semaphore, #tpu.memory_space<semaphore_mem>>) {add = true}
      %add3A_221 = arith.constant 0 : i32
      %add3A_222 = arith.addi %add3A_221, %mul3A_39 : i32
      %mul3A_223 = arith.constant 80 : i32
      %mul3A_224 = arith.muli %min3A_210, %mul3A_223 : i32
      %add3A_225 = arith.addi %add3A_222, %mul3A_224 : i32
      %dma_start3A_226 = tpu.memref_slice %arg3[%add3A_225] : memref<640000xi32, #tpu.memory_space<hbm>> -> memref<80xi32, #tpu.memory_space<hbm>>
      %dma_start3A_227 = tpu.memref_slice %arg3[%add3A_225] : memref<640000xi32, #tpu.memory_space<hbm>> -> memref<80xi32, #tpu.memory_space<hbm>>
      tpu.enqueue_dma source(%dma_start3A_227 : memref<80xi32, #tpu.memory_space<hbm>>) target(%arg7 : memref<80xi32, #tpu.memory_space<vmem>>) target_semaphore(%arg20 : memref<!tpu.dma_semaphore, #tpu.memory_space<semaphore_mem>>)
      %mul3A_228 = arith.constant 4 : i32
      %mul3A_229 = arith.muli %mul3A_228, %scan3A_153 : i32
      %add3A_230 = arith.constant 4 : i32
      %add3A_231 = arith.addi %mul3A_229, %add3A_230 : i32
      %add3A_232 = arith.constant 3 : i32
      %add3A_233 = arith.addi %add3A_231, %add3A_232 : i32
      %min3A_234 = arith.constant 124 : i32
      %min3A_235 = arith.minsi %add3A_233, %min3A_234 : i32
      %dma_wait3A_236 = arith.constant 0 : i32
      %dma_wait3A_237 = tpu.memref_slice %arg3[%dma_wait3A_236] : memref<640000xi32, #tpu.memory_space<hbm>> -> memref<80xi32, #tpu.memory_space<hbm>>
      %dma_wait3A_238 = arith.constant 0 : i32
      %dma_wait3A_239 = tpu.memref_slice %arg3[%dma_wait3A_238] : memref<640000xi32, #tpu.memory_space<hbm>> -> memref<80xi32, #tpu.memory_space<hbm>>
      tpu.wait_dma2 semaphore(%arg25 : memref<!tpu.dma_semaphore, #tpu.memory_space<semaphore_mem>>) src(%dma_wait3A_239 : memref<80xi32, #tpu.memory_space<hbm>>) dst(%arg12 : memref<80xi32, #tpu.memory_space<vmem>>)
      %dma_wait3A_240 = arith.constant 0 : i32
      %dma_wait3A_241 = arith.constant 0 : i32
      %dma_wait3A_242 = tpu.memref_slice %arg2[%dma_wait3A_240, %dma_wait3A_241] : memref<10000x128xf32, #tpu.memory_space<hbm>> -> memref<10000x128xf32, #tpu.memory_space<hbm>>
      tpu.wait_indirect_dma semaphore(%arg29 : memref<!tpu.dma_semaphore, #tpu.memory_space<semaphore_mem>>) src(%dma_wait3A_242 : memref<10000x128xf32, #tpu.memory_space<hbm>>) dst(%arg16 : memref<80x128xf32, #tpu.memory_space<vmem>>)
      %dma_start3A_243 = arith.constant 0 : i32
      %dma_start3A_244 = arith.constant 0 : i32
      %dma_start3A_245 = tpu.memref_slice %arg17[%dma_start3A_243, %dma_start3A_244] : memref<10240x128xf32, #tpu.memory_space<vmem_shared>> -> memref<10240x128xf32, #tpu.memory_space<vmem_shared>>
      tpu.enqueue_indirect_dma source(%arg16 : memref<80x128xf32, #tpu.memory_space<vmem>>) target(%dma_start3A_245 : memref<10240x128xf32, #tpu.memory_space<vmem_shared>>) offsets(%arg12 : memref<80xi32, #tpu.memory_space<vmem>>) semaphore(%arg33 : memref<!tpu.dma_semaphore, #tpu.memory_space<semaphore_mem>>) {add = true}
      %add3A_246 = arith.constant 0 : i32
      %add3A_247 = arith.addi %add3A_246, %mul3A_39 : i32
      %mul3A_248 = arith.constant 80 : i32
      %mul3A_249 = arith.muli %min3A_235, %mul3A_248 : i32
      %add3A_250 = arith.addi %add3A_247, %mul3A_249 : i32
      %dma_start3A_251 = tpu.memref_slice %arg3[%add3A_250] : memref<640000xi32, #tpu.memory_space<hbm>> -> memref<80xi32, #tpu.memory_space<hbm>>
      %dma_start3A_252 = tpu.memref_slice %arg3[%add3A_250] : memref<640000xi32, #tpu.memory_space<hbm>> -> memref<80xi32, #tpu.memory_space<hbm>>
      tpu.enqueue_dma source(%dma_start3A_252 : memref<80xi32, #tpu.memory_space<hbm>>) target(%arg8 : memref<80xi32, #tpu.memory_space<vmem>>) target_semaphore(%arg21 : memref<!tpu.dma_semaphore, #tpu.memory_space<semaphore_mem>>)
      %mul3A_253 = arith.constant 4 : i32
      %mul3A_254 = arith.muli %mul3A_253, %scan3A_153 : i32
      %add3A_255 = arith.constant 4 : i32
      %add3A_256 = arith.addi %mul3A_254, %add3A_255 : i32
      %add3A_257 = arith.constant 0 : i32
      %add3A_258 = arith.addi %add3A_256, %add3A_257 : i32
      %min3A_259 = arith.constant 124 : i32
      %min3A_260 = arith.minsi %add3A_258, %min3A_259 : i32
      %dma_wait3A_261 = arith.constant 0 : i32
      %dma_wait3A_262 = arith.constant 0 : i32
      %dma_wait3A_263 = tpu.memref_slice %arg17[%dma_wait3A_261, %dma_wait3A_262] : memref<10240x128xf32, #tpu.memory_space<vmem_shared>> -> memref<10240x128xf32, #tpu.memory_space<vmem_shared>>
      tpu.wait_indirect_dma semaphore(%arg30 : memref<!tpu.dma_semaphore, #tpu.memory_space<semaphore_mem>>) src(%arg13 : memref<80x128xf32, #tpu.memory_space<vmem>>) dst(%dma_wait3A_263 : memref<10240x128xf32, #tpu.memory_space<vmem_shared>>)
      %add3A_264 = arith.constant 320000 : i32
      %add3A_265 = arith.addi %add3A_264, %mul3A_39 : i32
      %mul3A_266 = arith.constant 80 : i32
      %mul3A_267 = arith.muli %min3A_260, %mul3A_266 : i32
      %add3A_268 = arith.addi %add3A_265, %mul3A_267 : i32
      %dma_start3A_269 = tpu.memref_slice %arg3[%add3A_268] : memref<640000xi32, #tpu.memory_space<hbm>> -> memref<80xi32, #tpu.memory_space<hbm>>
      %dma_start3A_270 = tpu.memref_slice %arg3[%add3A_268] : memref<640000xi32, #tpu.memory_space<hbm>> -> memref<80xi32, #tpu.memory_space<hbm>>
      tpu.enqueue_dma source(%dma_start3A_270 : memref<80xi32, #tpu.memory_space<hbm>>) target(%arg9 : memref<80xi32, #tpu.memory_space<vmem>>) target_semaphore(%arg22 : memref<!tpu.dma_semaphore, #tpu.memory_space<semaphore_mem>>)
      %dma_wait3A_271 = arith.constant 0 : i32
      %dma_wait3A_272 = tpu.memref_slice %arg3[%dma_wait3A_271] : memref<640000xi32, #tpu.memory_space<hbm>> -> memref<80xi32, #tpu.memory_space<hbm>>
      %dma_wait3A_273 = arith.constant 0 : i32
      %dma_wait3A_274 = tpu.memref_slice %arg3[%dma_wait3A_273] : memref<640000xi32, #tpu.memory_space<hbm>> -> memref<80xi32, #tpu.memory_space<hbm>>
      tpu.wait_dma2 semaphore(%arg18 : memref<!tpu.dma_semaphore, #tpu.memory_space<semaphore_mem>>) src(%dma_wait3A_274 : memref<80xi32, #tpu.memory_space<hbm>>) dst(%arg5 : memref<80xi32, #tpu.memory_space<vmem>>)
      %dma_start3A_275 = arith.constant 0 : i32
      %dma_start3A_276 = arith.constant 0 : i32
      %dma_start3A_277 = tpu.memref_slice %arg2[%dma_start3A_275, %dma_start3A_276] : memref<10000x128xf32, #tpu.memory_space<hbm>> -> memref<10000x128xf32, #tpu.memory_space<hbm>>
      tpu.enqueue_indirect_dma source(%dma_start3A_277 : memref<10000x128xf32, #tpu.memory_space<hbm>>) target(%arg13 : memref<80x128xf32, #tpu.memory_space<vmem>>) offsets(%arg5 : memref<80xi32, #tpu.memory_space<vmem>>) semaphore(%arg26 : memref<!tpu.dma_semaphore, #tpu.memory_space<semaphore_mem>>)
      %mul3A_278 = arith.constant 4 : i32
      %mul3A_279 = arith.muli %mul3A_278, %scan3A_153 : i32
      %add3A_280 = arith.constant 4 : i32
      %add3A_281 = arith.addi %mul3A_279, %add3A_280 : i32
      %add3A_282 = arith.constant 1 : i32
      %add3A_283 = arith.addi %add3A_281, %add3A_282 : i32
      %min3A_284 = arith.constant 124 : i32
      %min3A_285 = arith.minsi %add3A_283, %min3A_284 : i32
      %dma_wait3A_286 = arith.constant 0 : i32
      %dma_wait3A_287 = arith.constant 0 : i32
      %dma_wait3A_288 = tpu.memref_slice %arg17[%dma_wait3A_286, %dma_wait3A_287] : memref<10240x128xf32, #tpu.memory_space<vmem_shared>> -> memref<10240x128xf32, #tpu.memory_space<vmem_shared>>
      tpu.wait_indirect_dma semaphore(%arg31 : memref<!tpu.dma_semaphore, #tpu.memory_space<semaphore_mem>>) src(%arg14 : memref<80x128xf32, #tpu.memory_space<vmem>>) dst(%dma_wait3A_288 : memref<10240x128xf32, #tpu.memory_space<vmem_shared>>)
      %add3A_289 = arith.constant 320000 : i32
      %add3A_290 = arith.addi %add3A_289, %mul3A_39 : i32
      %mul3A_291 = arith.constant 80 : i32
      %mul3A_292 = arith.muli %min3A_285, %mul3A_291 : i32
      %add3A_293 = arith.addi %add3A_290, %mul3A_292 : i32
      %dma_start3A_294 = tpu.memref_slice %arg3[%add3A_293] : memref<640000xi32, #tpu.memory_space<hbm>> -> memref<80xi32, #tpu.memory_space<hbm>>
      %dma_start3A_295 = tpu.memref_slice %arg3[%add3A_293] : memref<640000xi32, #tpu.memory_space<hbm>> -> memref<80xi32, #tpu.memory_space<hbm>>
      tpu.enqueue_dma source(%dma_start3A_295 : memref<80xi32, #tpu.memory_space<hbm>>) target(%arg10 : memref<80xi32, #tpu.memory_space<vmem>>) target_semaphore(%arg23 : memref<!tpu.dma_semaphore, #tpu.memory_space<semaphore_mem>>)
      %dma_wait3A_296 = arith.constant 0 : i32
      %dma_wait3A_297 = tpu.memref_slice %arg3[%dma_wait3A_296] : memref<640000xi32, #tpu.memory_space<hbm>> -> memref<80xi32, #tpu.memory_space<hbm>>
      %dma_wait3A_298 = arith.constant 0 : i32
      %dma_wait3A_299 = tpu.memref_slice %arg3[%dma_wait3A_298] : memref<640000xi32, #tpu.memory_space<hbm>> -> memref<80xi32, #tpu.memory_space<hbm>>
      tpu.wait_dma2 semaphore(%arg19 : memref<!tpu.dma_semaphore, #tpu.memory_space<semaphore_mem>>) src(%dma_wait3A_299 : memref<80xi32, #tpu.memory_space<hbm>>) dst(%arg6 : memref<80xi32, #tpu.memory_space<vmem>>)
      %dma_start3A_300 = arith.constant 0 : i32
      %dma_start3A_301 = arith.constant 0 : i32
      %dma_start3A_302 = tpu.memref_slice %arg2[%dma_start3A_300, %dma_start3A_301] : memref<10000x128xf32, #tpu.memory_space<hbm>> -> memref<10000x128xf32, #tpu.memory_space<hbm>>
      tpu.enqueue_indirect_dma source(%dma_start3A_302 : memref<10000x128xf32, #tpu.memory_space<hbm>>) target(%arg14 : memref<80x128xf32, #tpu.memory_space<vmem>>) offsets(%arg6 : memref<80xi32, #tpu.memory_space<vmem>>) semaphore(%arg27 : memref<!tpu.dma_semaphore, #tpu.memory_space<semaphore_mem>>)
      %mul3A_303 = arith.constant 4 : i32
      %mul3A_304 = arith.muli %mul3A_303, %scan3A_153 : i32
      %add3A_305 = arith.constant 4 : i32
      %add3A_306 = arith.addi %mul3A_304, %add3A_305 : i32
      %add3A_307 = arith.constant 2 : i32
      %add3A_308 = arith.addi %add3A_306, %add3A_307 : i32
      %min3A_309 = arith.constant 124 : i32
      %min3A_310 = arith.minsi %add3A_308, %min3A_309 : i32
      %dma_wait3A_311 = arith.constant 0 : i32
      %dma_wait3A_312 = arith.constant 0 : i32
      %dma_wait3A_313 = tpu.memref_slice %arg17[%dma_wait3A_311, %dma_wait3A_312] : memref<10240x128xf32, #tpu.memory_space<vmem_shared>> -> memref<10240x128xf32, #tpu.memory_space<vmem_shared>>
      tpu.wait_indirect_dma semaphore(%arg32 : memref<!tpu.dma_semaphore, #tpu.memory_space<semaphore_mem>>) src(%arg15 : memref<80x128xf32, #tpu.memory_space<vmem>>) dst(%dma_wait3A_313 : memref<10240x128xf32, #tpu.memory_space<vmem_shared>>)
      %add3A_314 = arith.constant 320000 : i32
      %add3A_315 = arith.addi %add3A_314, %mul3A_39 : i32
      %mul3A_316 = arith.constant 80 : i32
      %mul3A_317 = arith.muli %min3A_310, %mul3A_316 : i32
      %add3A_318 = arith.addi %add3A_315, %mul3A_317 : i32
      %dma_start3A_319 = tpu.memref_slice %arg3[%add3A_318] : memref<640000xi32, #tpu.memory_space<hbm>> -> memref<80xi32, #tpu.memory_space<hbm>>
      %dma_start3A_320 = tpu.memref_slice %arg3[%add3A_318] : memref<640000xi32, #tpu.memory_space<hbm>> -> memref<80xi32, #tpu.memory_space<hbm>>
      tpu.enqueue_dma source(%dma_start3A_320 : memref<80xi32, #tpu.memory_space<hbm>>) target(%arg11 : memref<80xi32, #tpu.memory_space<vmem>>) target_semaphore(%arg24 : memref<!tpu.dma_semaphore, #tpu.memory_space<semaphore_mem>>)
      %dma_wait3A_321 = arith.constant 0 : i32
      %dma_wait3A_322 = tpu.memref_slice %arg3[%dma_wait3A_321] : memref<640000xi32, #tpu.memory_space<hbm>> -> memref<80xi32, #tpu.memory_space<hbm>>
      %dma_wait3A_323 = arith.constant 0 : i32
      %dma_wait3A_324 = tpu.memref_slice %arg3[%dma_wait3A_323] : memref<640000xi32, #tpu.memory_space<hbm>> -> memref<80xi32, #tpu.memory_space<hbm>>
      tpu.wait_dma2 semaphore(%arg20 : memref<!tpu.dma_semaphore, #tpu.memory_space<semaphore_mem>>) src(%dma_wait3A_324 : memref<80xi32, #tpu.memory_space<hbm>>) dst(%arg7 : memref<80xi32, #tpu.memory_space<vmem>>)
      %dma_start3A_325 = arith.constant 0 : i32
      %dma_start3A_326 = arith.constant 0 : i32
      %dma_start3A_327 = tpu.memref_slice %arg2[%dma_start3A_325, %dma_start3A_326] : memref<10000x128xf32, #tpu.memory_space<hbm>> -> memref<10000x128xf32, #tpu.memory_space<hbm>>
      tpu.enqueue_indirect_dma source(%dma_start3A_327 : memref<10000x128xf32, #tpu.memory_space<hbm>>) target(%arg15 : memref<80x128xf32, #tpu.memory_space<vmem>>) offsets(%arg7 : memref<80xi32, #tpu.memory_space<vmem>>) semaphore(%arg28 : memref<!tpu.dma_semaphore, #tpu.memory_space<semaphore_mem>>)
      %mul3A_328 = arith.constant 4 : i32
      %mul3A_329 = arith.muli %mul3A_328, %scan3A_153 : i32
      %add3A_330 = arith.constant 4 : i32
      %add3A_331 = arith.addi %mul3A_329, %add3A_330 : i32
      %add3A_332 = arith.constant 3 : i32
      %add3A_333 = arith.addi %add3A_331, %add3A_332 : i32
      %min3A_334 = arith.constant 124 : i32
      %min3A_335 = arith.minsi %add3A_333, %min3A_334 : i32
      %dma_wait3A_336 = arith.constant 0 : i32
      %dma_wait3A_337 = arith.constant 0 : i32
      %dma_wait3A_338 = tpu.memref_slice %arg17[%dma_wait3A_336, %dma_wait3A_337] : memref<10240x128xf32, #tpu.memory_space<vmem_shared>> -> memref<10240x128xf32, #tpu.memory_space<vmem_shared>>
      tpu.wait_indirect_dma semaphore(%arg33 : memref<!tpu.dma_semaphore, #tpu.memory_space<semaphore_mem>>) src(%arg16 : memref<80x128xf32, #tpu.memory_space<vmem>>) dst(%dma_wait3A_338 : memref<10240x128xf32, #tpu.memory_space<vmem_shared>>)
      %add3A_339 = arith.constant 320000 : i32
      %add3A_340 = arith.addi %add3A_339, %mul3A_39 : i32
      %mul3A_341 = arith.constant 80 : i32
      %mul3A_342 = arith.muli %min3A_335, %mul3A_341 : i32
      %add3A_343 = arith.addi %add3A_340, %mul3A_342 : i32
      %dma_start3A_344 = tpu.memref_slice %arg3[%add3A_343] : memref<640000xi32, #tpu.memory_space<hbm>> -> memref<80xi32, #tpu.memory_space<hbm>>
      %dma_start3A_345 = tpu.memref_slice %arg3[%add3A_343] : memref<640000xi32, #tpu.memory_space<hbm>> -> memref<80xi32, #tpu.memory_space<hbm>>
      tpu.enqueue_dma source(%dma_start3A_345 : memref<80xi32, #tpu.memory_space<hbm>>) target(%arg12 : memref<80xi32, #tpu.memory_space<vmem>>) target_semaphore(%arg25 : memref<!tpu.dma_semaphore, #tpu.memory_space<semaphore_mem>>)
      %dma_wait3A_346 = arith.constant 0 : i32
      %dma_wait3A_347 = tpu.memref_slice %arg3[%dma_wait3A_346] : memref<640000xi32, #tpu.memory_space<hbm>> -> memref<80xi32, #tpu.memory_space<hbm>>
      %dma_wait3A_348 = arith.constant 0 : i32
      %dma_wait3A_349 = tpu.memref_slice %arg3[%dma_wait3A_348] : memref<640000xi32, #tpu.memory_space<hbm>> -> memref<80xi32, #tpu.memory_space<hbm>>
      tpu.wait_dma2 semaphore(%arg21 : memref<!tpu.dma_semaphore, #tpu.memory_space<semaphore_mem>>) src(%dma_wait3A_349 : memref<80xi32, #tpu.memory_space<hbm>>) dst(%arg8 : memref<80xi32, #tpu.memory_space<vmem>>)
      %dma_start3A_350 = arith.constant 0 : i32
      %dma_start3A_351 = arith.constant 0 : i32
      %dma_start3A_352 = tpu.memref_slice %arg2[%dma_start3A_350, %dma_start3A_351] : memref<10000x128xf32, #tpu.memory_space<hbm>> -> memref<10000x128xf32, #tpu.memory_space<hbm>>
      tpu.enqueue_indirect_dma source(%dma_start3A_352 : memref<10000x128xf32, #tpu.memory_space<hbm>>) target(%arg16 : memref<80x128xf32, #tpu.memory_space<vmem>>) offsets(%arg8 : memref<80xi32, #tpu.memory_space<vmem>>) semaphore(%arg29 : memref<!tpu.dma_semaphore, #tpu.memory_space<semaphore_mem>>)
    }
    %scan3A_119 = arith.constant 31 : i32
    %dma_wait3A_120 = arith.constant 0 : i32
    %dma_wait3A_121 = tpu.memref_slice %arg3[%dma_wait3A_120] : memref<640000xi32, #tpu.memory_space<hbm>> -> memref<80xi32, #tpu.memory_space<hbm>>
    %dma_wait3A_122 = arith.constant 0 : i32
    %dma_wait3A_123 = tpu.memref_slice %arg3[%dma_wait3A_122] : memref<640000xi32, #tpu.memory_space<hbm>> -> memref<80xi32, #tpu.memory_space<hbm>>
    tpu.wait_dma2 semaphore(%arg22 : memref<!tpu.dma_semaphore, #tpu.memory_space<semaphore_mem>>) src(%dma_wait3A_123 : memref<80xi32, #tpu.memory_space<hbm>>) dst(%arg9 : memref<80xi32, #tpu.memory_space<vmem>>)
    %dma_wait3A_124 = arith.constant 0 : i32
    %dma_wait3A_125 = arith.constant 0 : i32
    %dma_wait3A_126 = tpu.memref_slice %arg2[%dma_wait3A_124, %dma_wait3A_125] : memref<10000x128xf32, #tpu.memory_space<hbm>> -> memref<10000x128xf32, #tpu.memory_space<hbm>>
    tpu.wait_indirect_dma semaphore(%arg26 : memref<!tpu.dma_semaphore, #tpu.memory_space<semaphore_mem>>) src(%dma_wait3A_126 : memref<10000x128xf32, #tpu.memory_space<hbm>>) dst(%arg13 : memref<80x128xf32, #tpu.memory_space<vmem>>)
    "tpu.region"() ({
      %run_scoped3A = tpu.sem_alloc : memref<!tpu.dma_semaphore, #tpu.memory_space<semaphore_mem>>
      %dma_start3A_153 = arith.constant 0 : i32
      %dma_start3A_154 = arith.constant 0 : i32
      %dma_start3A_155 = tpu.memref_slice %arg17[%dma_start3A_153, %dma_start3A_154] : memref<10240x128xf32, #tpu.memory_space<vmem_shared>> -> memref<10240x128xf32, #tpu.memory_space<vmem_shared>>
      tpu.enqueue_indirect_dma source(%arg13 : memref<80x128xf32, #tpu.memory_space<vmem>>) target(%dma_start3A_155 : memref<10240x128xf32, #tpu.memory_space<vmem_shared>>) offsets(%arg9 : memref<80xi32, #tpu.memory_space<vmem>>) semaphore(%run_scoped3A : memref<!tpu.dma_semaphore, #tpu.memory_space<semaphore_mem>>) {add = true}
      %dma_wait3A_156 = arith.constant 0 : i32
      %dma_wait3A_157 = arith.constant 0 : i32
      %dma_wait3A_158 = tpu.memref_slice %arg17[%dma_wait3A_156, %dma_wait3A_157] : memref<10240x128xf32, #tpu.memory_space<vmem_shared>> -> memref<10240x128xf32, #tpu.memory_space<vmem_shared>>
      tpu.wait_indirect_dma semaphore(%run_scoped3A : memref<!tpu.dma_semaphore, #tpu.memory_space<semaphore_mem>>) src(%arg13 : memref<80x128xf32, #tpu.memory_space<vmem>>) dst(%dma_wait3A_158 : memref<10240x128xf32, #tpu.memory_space<vmem_shared>>)
      tpu.yield
    }) : () -> ()
    %dma_wait3A_127 = arith.constant 0 : i32
    %dma_wait3A_128 = tpu.memref_slice %arg3[%dma_wait3A_127] : memref<640000xi32, #tpu.memory_space<hbm>> -> memref<80xi32, #tpu.memory_space<hbm>>
    %dma_wait3A_129 = arith.constant 0 : i32
    %dma_wait3A_130 = tpu.memref_slice %arg3[%dma_wait3A_129] : memref<640000xi32, #tpu.memory_space<hbm>> -> memref<80xi32, #tpu.memory_space<hbm>>
    tpu.wait_dma2 semaphore(%arg23 : memref<!tpu.dma_semaphore, #tpu.memory_space<semaphore_mem>>) src(%dma_wait3A_130 : memref<80xi32, #tpu.memory_space<hbm>>) dst(%arg10 : memref<80xi32, #tpu.memory_space<vmem>>)
    %dma_wait3A_131 = arith.constant 0 : i32
    %dma_wait3A_132 = arith.constant 0 : i32
    %dma_wait3A_133 = tpu.memref_slice %arg2[%dma_wait3A_131, %dma_wait3A_132] : memref<10000x128xf32, #tpu.memory_space<hbm>> -> memref<10000x128xf32, #tpu.memory_space<hbm>>
    tpu.wait_indirect_dma semaphore(%arg27 : memref<!tpu.dma_semaphore, #tpu.memory_space<semaphore_mem>>) src(%dma_wait3A_133 : memref<10000x128xf32, #tpu.memory_space<hbm>>) dst(%arg14 : memref<80x128xf32, #tpu.memory_space<vmem>>)
    %dma_wait3A_134 = arith.constant 0 : i32
    %dma_wait3A_135 = tpu.memref_slice %arg3[%dma_wait3A_134] : memref<640000xi32, #tpu.memory_space<hbm>> -> memref<80xi32, #tpu.memory_space<hbm>>
    %dma_wait3A_136 = arith.constant 0 : i32
    %dma_wait3A_137 = tpu.memref_slice %arg3[%dma_wait3A_136] : memref<640000xi32, #tpu.memory_space<hbm>> -> memref<80xi32, #tpu.memory_space<hbm>>
    tpu.wait_dma2 semaphore(%arg24 : memref<!tpu.dma_semaphore, #tpu.memory_space<semaphore_mem>>) src(%dma_wait3A_137 : memref<80xi32, #tpu.memory_space<hbm>>) dst(%arg11 : memref<80xi32, #tpu.memory_space<vmem>>)
    %dma_wait3A_138 = arith.constant 0 : i32
    %dma_wait3A_139 = arith.constant 0 : i32
    %dma_wait3A_140 = tpu.memref_slice %arg2[%dma_wait3A_138, %dma_wait3A_139] : memref<10000x128xf32, #tpu.memory_space<hbm>> -> memref<10000x128xf32, #tpu.memory_space<hbm>>
    tpu.wait_indirect_dma semaphore(%arg28 : memref<!tpu.dma_semaphore, #tpu.memory_space<semaphore_mem>>) src(%dma_wait3A_140 : memref<10000x128xf32, #tpu.memory_space<hbm>>) dst(%arg15 : memref<80x128xf32, #tpu.memory_space<vmem>>)
    %dma_wait3A_141 = arith.constant 0 : i32
    %dma_wait3A_142 = tpu.memref_slice %arg3[%dma_wait3A_141] : memref<640000xi32, #tpu.memory_space<hbm>> -> memref<80xi32, #tpu.memory_space<hbm>>
    %dma_wait3A_143 = arith.constant 0 : i32
    %dma_wait3A_144 = tpu.memref_slice %arg3[%dma_wait3A_143] : memref<640000xi32, #tpu.memory_space<hbm>> -> memref<80xi32, #tpu.memory_space<hbm>>
    tpu.wait_dma2 semaphore(%arg25 : memref<!tpu.dma_semaphore, #tpu.memory_space<semaphore_mem>>) src(%dma_wait3A_144 : memref<80xi32, #tpu.memory_space<hbm>>) dst(%arg12 : memref<80xi32, #tpu.memory_space<vmem>>)
    %dma_wait3A_145 = arith.constant 0 : i32
    %dma_wait3A_146 = arith.constant 0 : i32
    %dma_wait3A_147 = tpu.memref_slice %arg2[%dma_wait3A_145, %dma_wait3A_146] : memref<10000x128xf32, #tpu.memory_space<hbm>> -> memref<10000x128xf32, #tpu.memory_space<hbm>>
    tpu.wait_indirect_dma semaphore(%arg29 : memref<!tpu.dma_semaphore, #tpu.memory_space<semaphore_mem>>) src(%dma_wait3A_147 : memref<10000x128xf32, #tpu.memory_space<hbm>>) dst(%arg16 : memref<80x128xf32, #tpu.memory_space<vmem>>)
    %barrier3A_148 = arith.constant 0 : index
    tpu.barrier barrier_id(%barrier3A_148)
    %mul3A_149 = arith.constant 640 : i32
    %mul3A_150 = arith.muli %arg1, %mul3A_149 : i32
    %mul3A_151 = arith.constant 640 : i32
    %mul3A_152 = arith.muli %arg1, %mul3A_151 : i32
    "tpu.region"() ({
      %run_scoped3A = tpu.sem_alloc : memref<!tpu.dma_semaphore, #tpu.memory_space<semaphore_mem>>
      %dma_start3A_153 = arith.constant 0 : i32
      %dma_start3A_154 = tpu.memref_slice %arg4[%arg0, %mul3A_152, %dma_start3A_153] : memref<2x10240x128xf32, #tpu.memory_space<hbm>> -> memref<1x640x128xf32, #tpu.memory_space<hbm>>
      %dma_start3A_155 = tpu.memref_squeeze %dma_start3A_154 : memref<1x640x128xf32, #tpu.memory_space<hbm>> -> memref<640x128xf32, #tpu.memory_space<hbm>>
      %dma_start3A_156 = arith.constant 0 : i32
      %dma_start3A_157 = tpu.memref_slice %arg17[%mul3A_150, %dma_start3A_156] : memref<10240x128xf32, #tpu.memory_space<vmem_shared>> -> memref<640x128xf32, #tpu.memory_space<vmem_shared>>
      tpu.enqueue_dma source(%dma_start3A_157 : memref<640x128xf32, #tpu.memory_space<vmem_shared>>) target(%dma_start3A_155 : memref<640x128xf32, #tpu.memory_space<hbm>>) target_semaphore(%run_scoped3A : memref<!tpu.dma_semaphore, #tpu.memory_space<semaphore_mem>>)
      %dma_wait3A_158 = arith.constant 0 : i32
      %dma_wait3A_159 = tpu.memref_slice %arg4[%arg0, %mul3A_152, %dma_wait3A_158] : memref<2x10240x128xf32, #tpu.memory_space<hbm>> -> memref<1x640x128xf32, #tpu.memory_space<hbm>>
      %dma_wait3A_160 = tpu.memref_squeeze %dma_wait3A_159 : memref<1x640x128xf32, #tpu.memory_space<hbm>> -> memref<640x128xf32, #tpu.memory_space<hbm>>
      %dma_wait3A_161 = arith.constant 0 : i32
      %dma_wait3A_162 = tpu.memref_slice %arg17[%mul3A_150, %dma_wait3A_161] : memref<10240x128xf32, #tpu.memory_space<vmem_shared>> -> memref<640x128xf32, #tpu.memory_space<vmem_shared>>
      tpu.wait_dma2 semaphore(%run_scoped3A : memref<!tpu.dma_semaphore, #tpu.memory_space<semaphore_mem>>) src(%dma_wait3A_162 : memref<640x128xf32, #tpu.memory_space<vmem_shared>>) dst(%dma_wait3A_160 : memref<640x128xf32, #tpu.memory_space<hbm>>)
      tpu.yield
    }) : () -> ()
    return
  }
}

#map = affine_map<(d0, d1) -> (0, 0, 0)>
#map1 = affine_map<(d0, d1) -> (0, 0)>
module attributes {stable_mosaic.version = 14 : i64} {
  func.func @_deg_kernel(%arg0: i32, %arg1: i32, %arg2: memref<32x80x128xi32, #tpu.memory_space<hbm>>, %arg3: memref<2x10240xf32, #tpu.memory_space<hbm>>, %arg4: memref<80x128xi32, #tpu.memory_space<vmem>>, %arg5: memref<128xf32, #tpu.memory_space<vmem>>, %arg6: memref<640xf32, #tpu.memory_space<vmem>>, %arg7: memref<10240xf32, #tpu.memory_space<vmem_shared>>) attributes {dimension_semantics = [#tpu.dimension_semantics<core_parallel>, #tpu.dimension_semantics<subcore_parallel>], iteration_bounds = array<i64: 2, 16>, scalar_prefetch = 0 : i64, scratch_operands = 4 : i64, tpu.core_type = #tpu.core_type<sc_vector_subcore>, window_params = [{transform_indices = #map}, {transform_indices = #map1}]} {
    %mul3A = arith.constant 16 : i32
    %mul3A_0 = arith.muli %arg0, %mul3A : i32
    %add3A = arith.addi %mul3A_0, %arg1 : i32
    %broadcast_in_dim3A = arith.constant 1.000000e+00 : f32
    %broadcast_in_dim3A_1 = vector.broadcast %broadcast_in_dim3A : f32 to vector<16xf32>
    %swap3A = arith.constant 0 : index
    %swap3A_2 = tpu.vector_load %arg5[%swap3A] {strides = array<i32>} : memref<128xf32, #tpu.memory_space<vmem>>, vector<16xf32>,
    %swap3A_3 = vector.shape_cast %swap3A_2 : vector<16xf32> to vector<16xf32>
    %swap3A_4 = vector.shape_cast %broadcast_in_dim3A_1 : vector<16xf32> to vector<16xf32>
    tpu.vector_store %arg5[%swap3A], %swap3A_4 {strides = array<i32>} : memref<128xf32, #tpu.memory_space<vmem>>, vector<16xf32>,
    %broadcast_in_dim3A_5 = arith.constant 1.000000e+00 : f32
    %broadcast_in_dim3A_6 = vector.broadcast %broadcast_in_dim3A_5 : f32 to vector<16xf32>
    %swap3A_7 = arith.constant 16 : index
    %swap3A_8 = tpu.vector_load %arg5[%swap3A_7] {strides = array<i32>} : memref<128xf32, #tpu.memory_space<vmem>>, vector<16xf32>,
    %swap3A_9 = vector.shape_cast %swap3A_8 : vector<16xf32> to vector<16xf32>
    %swap3A_10 = vector.shape_cast %broadcast_in_dim3A_6 : vector<16xf32> to vector<16xf32>
    tpu.vector_store %arg5[%swap3A_7], %swap3A_10 {strides = array<i32>} : memref<128xf32, #tpu.memory_space<vmem>>, vector<16xf32>,
    %broadcast_in_dim3A_11 = arith.constant 1.000000e+00 : f32
    %broadcast_in_dim3A_12 = vector.broadcast %broadcast_in_dim3A_11 : f32 to vector<16xf32>
    %swap3A_13 = arith.constant 32 : index
    %swap3A_14 = tpu.vector_load %arg5[%swap3A_13] {strides = array<i32>} : memref<128xf32, #tpu.memory_space<vmem>>, vector<16xf32>,
    %swap3A_15 = vector.shape_cast %swap3A_14 : vector<16xf32> to vector<16xf32>
    %swap3A_16 = vector.shape_cast %broadcast_in_dim3A_12 : vector<16xf32> to vector<16xf32>
    tpu.vector_store %arg5[%swap3A_13], %swap3A_16 {strides = array<i32>} : memref<128xf32, #tpu.memory_space<vmem>>, vector<16xf32>,
    %broadcast_in_dim3A_17 = arith.constant 1.000000e+00 : f32
    %broadcast_in_dim3A_18 = vector.broadcast %broadcast_in_dim3A_17 : f32 to vector<16xf32>
    %swap3A_19 = arith.constant 48 : index
    %swap3A_20 = tpu.vector_load %arg5[%swap3A_19] {strides = array<i32>} : memref<128xf32, #tpu.memory_space<vmem>>, vector<16xf32>,
    %swap3A_21 = vector.shape_cast %swap3A_20 : vector<16xf32> to vector<16xf32>
    %swap3A_22 = vector.shape_cast %broadcast_in_dim3A_18 : vector<16xf32> to vector<16xf32>
    tpu.vector_store %arg5[%swap3A_19], %swap3A_22 {strides = array<i32>} : memref<128xf32, #tpu.memory_space<vmem>>, vector<16xf32>,
    %broadcast_in_dim3A_23 = arith.constant 1.000000e+00 : f32
    %broadcast_in_dim3A_24 = vector.broadcast %broadcast_in_dim3A_23 : f32 to vector<16xf32>
    %swap3A_25 = arith.constant 64 : index
    %swap3A_26 = tpu.vector_load %arg5[%swap3A_25] {strides = array<i32>} : memref<128xf32, #tpu.memory_space<vmem>>, vector<16xf32>,
    %swap3A_27 = vector.shape_cast %swap3A_26 : vector<16xf32> to vector<16xf32>
    %swap3A_28 = vector.shape_cast %broadcast_in_dim3A_24 : vector<16xf32> to vector<16xf32>
    tpu.vector_store %arg5[%swap3A_25], %swap3A_28 {strides = array<i32>} : memref<128xf32, #tpu.memory_space<vmem>>, vector<16xf32>,
    %broadcast_in_dim3A_29 = arith.constant 1.000000e+00 : f32
    %broadcast_in_dim3A_30 = vector.broadcast %broadcast_in_dim3A_29 : f32 to vector<16xf32>
    %swap3A_31 = arith.constant 80 : index
    %swap3A_32 = tpu.vector_load %arg5[%swap3A_31] {strides = array<i32>} : memref<128xf32, #tpu.memory_space<vmem>>, vector<16xf32>,
    %swap3A_33 = vector.shape_cast %swap3A_32 : vector<16xf32> to vector<16xf32>
    %swap3A_34 = vector.shape_cast %broadcast_in_dim3A_30 : vector<16xf32> to vector<16xf32>
    tpu.vector_store %arg5[%swap3A_31], %swap3A_34 {strides = array<i32>} : memref<128xf32, #tpu.memory_space<vmem>>, vector<16xf32>,
    %broadcast_in_dim3A_35 = arith.constant 1.000000e+00 : f32
    %broadcast_in_dim3A_36 = vector.broadcast %broadcast_in_dim3A_35 : f32 to vector<16xf32>
    %swap3A_37 = arith.constant 96 : index
    %swap3A_38 = tpu.vector_load %arg5[%swap3A_37] {strides = array<i32>} : memref<128xf32, #tpu.memory_space<vmem>>, vector<16xf32>,
    %swap3A_39 = vector.shape_cast %swap3A_38 : vector<16xf32> to vector<16xf32>
    %swap3A_40 = vector.shape_cast %broadcast_in_dim3A_36 : vector<16xf32> to vector<16xf32>
    tpu.vector_store %arg5[%swap3A_37], %swap3A_40 {strides = array<i32>} : memref<128xf32, #tpu.memory_space<vmem>>, vector<16xf32>,
    %broadcast_in_dim3A_41 = arith.constant 1.000000e+00 : f32
    %broadcast_in_dim3A_42 = vector.broadcast %broadcast_in_dim3A_41 : f32 to vector<16xf32>
    %swap3A_43 = arith.constant 112 : index
    %swap3A_44 = tpu.vector_load %arg5[%swap3A_43] {strides = array<i32>} : memref<128xf32, #tpu.memory_space<vmem>>, vector<16xf32>,
    %swap3A_45 = vector.shape_cast %swap3A_44 : vector<16xf32> to vector<16xf32>
    %swap3A_46 = vector.shape_cast %broadcast_in_dim3A_42 : vector<16xf32> to vector<16xf32>
    tpu.vector_store %arg5[%swap3A_43], %swap3A_46 {strides = array<i32>} : memref<128xf32, #tpu.memory_space<vmem>>, vector<16xf32>,
    %scan3A = arith.constant 0 : i32
    %scan3A_47 = arith.constant 0 : i32
    %scan3A_48 = arith.constant 40 : i32
    %scan3A_49 = arith.addi %scan3A_47, %scan3A_48 : i32
    %scan3A_50 = arith.constant 1 : i32
    scf.for %scan3A_65 = %scan3A_47 to %scan3A_49 step %scan3A_50  : i32 {
      %broadcast_in_dim3A_66 = arith.constant 0.000000e+00 : f32
      %broadcast_in_dim3A_67 = vector.broadcast %broadcast_in_dim3A_66 : f32 to vector<16xf32>
      %mul3A_68 = arith.constant 16 : i32
      %mul3A_69 = arith.muli %mul3A_68, %scan3A_65 : i32
      %swap3A_70 = arith.index_cast %mul3A_69 : i32 to index
      %swap3A_71 = tpu.vector_load %arg6[%swap3A_70] {strides = array<i32>} : memref<640xf32, #tpu.memory_space<vmem>>, vector<16xf32>,
      %swap3A_72 = vector.shape_cast %swap3A_71 : vector<16xf32> to vector<16xf32>
      %swap3A_73 = vector.shape_cast %broadcast_in_dim3A_67 : vector<16xf32> to vector<16xf32>
      tpu.vector_store %arg6[%swap3A_70], %swap3A_73 {strides = array<i32>} : memref<640xf32, #tpu.memory_space<vmem>>, vector<16xf32>,
    }
    %scan3A_51 = arith.constant 40 : i32
    %mul3A_52 = arith.constant 640 : i32
    %mul3A_53 = arith.muli %arg1, %mul3A_52 : i32
    "tpu.region"() ({
      %run_scoped3A = tpu.sem_alloc : memref<!tpu.dma_semaphore, #tpu.memory_space<semaphore_mem>>
      %dma_start3A = tpu.memref_slice %arg7[%mul3A_53] : memref<10240xf32, #tpu.memory_space<vmem_shared>> -> memref<640xf32, #tpu.memory_space<vmem_shared>>
      %dma_start3A_65 = tpu.memref_slice %arg7[%mul3A_53] : memref<10240xf32, #tpu.memory_space<vmem_shared>> -> memref<640xf32, #tpu.memory_space<vmem_shared>>
      tpu.enqueue_dma source(%arg6 : memref<640xf32, #tpu.memory_space<vmem>>) target(%dma_start3A_65 : memref<640xf32, #tpu.memory_space<vmem_shared>>) target_semaphore(%run_scoped3A : memref<!tpu.dma_semaphore, #tpu.memory_space<semaphore_mem>>)
      %dma_wait3A = tpu.memref_slice %arg7[%mul3A_53] : memref<10240xf32, #tpu.memory_space<vmem_shared>> -> memref<640xf32, #tpu.memory_space<vmem_shared>>
      %dma_wait3A_66 = tpu.memref_slice %arg7[%mul3A_53] : memref<10240xf32, #tpu.memory_space<vmem_shared>> -> memref<640xf32, #tpu.memory_space<vmem_shared>>
      tpu.wait_dma2 semaphore(%run_scoped3A : memref<!tpu.dma_semaphore, #tpu.memory_space<semaphore_mem>>) src(%arg6 : memref<640xf32, #tpu.memory_space<vmem>>) dst(%dma_wait3A_66 : memref<640xf32, #tpu.memory_space<vmem_shared>>)
      tpu.yield
    }) : () -> ()
    "tpu.region"() ({
      %run_scoped3A = tpu.sem_alloc : memref<!tpu.dma_semaphore, #tpu.memory_space<semaphore_mem>>
      %dma_start3A = arith.constant 0 : i32
      %dma_start3A_65 = arith.constant 0 : i32
      %dma_start3A_66 = tpu.memref_slice %arg2[%add3A, %dma_start3A, %dma_start3A_65] : memref<32x80x128xi32, #tpu.memory_space<hbm>> -> memref<1x80x128xi32, #tpu.memory_space<hbm>>
      %dma_start3A_67 = tpu.memref_squeeze %dma_start3A_66 : memref<1x80x128xi32, #tpu.memory_space<hbm>> -> memref<80x128xi32, #tpu.memory_space<hbm>>
      %dma_start3A_68 = arith.constant 0 : i32
      %dma_start3A_69 = arith.constant 0 : i32
      %dma_start3A_70 = tpu.memref_slice %arg2[%add3A, %dma_start3A_68, %dma_start3A_69] : memref<32x80x128xi32, #tpu.memory_space<hbm>> -> memref<1x80x128xi32, #tpu.memory_space<hbm>>
      %dma_start3A_71 = tpu.memref_squeeze %dma_start3A_70 : memref<1x80x128xi32, #tpu.memory_space<hbm>> -> memref<80x128xi32, #tpu.memory_space<hbm>>
      tpu.enqueue_dma source(%dma_start3A_71 : memref<80x128xi32, #tpu.memory_space<hbm>>) target(%arg4 : memref<80x128xi32, #tpu.memory_space<vmem>>) target_semaphore(%run_scoped3A : memref<!tpu.dma_semaphore, #tpu.memory_space<semaphore_mem>>)
      %dma_wait3A = arith.constant 0 : i32
      %dma_wait3A_72 = arith.constant 0 : i32
      %dma_wait3A_73 = tpu.memref_slice %arg2[%add3A, %dma_wait3A, %dma_wait3A_72] : memref<32x80x128xi32, #tpu.memory_space<hbm>> -> memref<1x80x128xi32, #tpu.memory_space<hbm>>
      %dma_wait3A_74 = tpu.memref_squeeze %dma_wait3A_73 : memref<1x80x128xi32, #tpu.memory_space<hbm>> -> memref<80x128xi32, #tpu.memory_space<hbm>>
      %dma_wait3A_75 = arith.constant 0 : i32
      %dma_wait3A_76 = arith.constant 0 : i32
      %dma_wait3A_77 = tpu.memref_slice %arg2[%add3A, %dma_wait3A_75, %dma_wait3A_76] : memref<32x80x128xi32, #tpu.memory_space<hbm>> -> memref<1x80x128xi32, #tpu.memory_space<hbm>>
      %dma_wait3A_78 = tpu.memref_squeeze %dma_wait3A_77 : memref<1x80x128xi32, #tpu.memory_space<hbm>> -> memref<80x128xi32, #tpu.memory_space<hbm>>
      tpu.wait_dma2 semaphore(%run_scoped3A : memref<!tpu.dma_semaphore, #tpu.memory_space<semaphore_mem>>) src(%dma_wait3A_78 : memref<80x128xi32, #tpu.memory_space<hbm>>) dst(%arg4 : memref<80x128xi32, #tpu.memory_space<vmem>>)
      tpu.yield
    }) : () -> ()
    %barrier3A = arith.constant 0 : index
    tpu.barrier barrier_id(%barrier3A)
    %scan3A_54 = arith.constant 0 : i32
    %scan3A_55 = arith.constant 0 : i32
    %scan3A_56 = arith.constant 80 : i32
    %scan3A_57 = arith.addi %scan3A_55, %scan3A_56 : i32
    %scan3A_58 = arith.constant 1 : i32
    scf.for %scan3A_65 = %scan3A_55 to %scan3A_57 step %scan3A_58  : i32 {
      "tpu.region"() ({
        %run_scoped3A = tpu.sem_alloc : memref<!tpu.dma_semaphore, #tpu.memory_space<semaphore_mem>>
        %dma_start3A = arith.constant 0 : i32
        %dma_start3A_66 = tpu.memref_slice %arg4[%scan3A_65, %dma_start3A] : memref<80x128xi32, #tpu.memory_space<vmem>> -> memref<1x128xi32, #tpu.memory_space<vmem>>
        %dma_start3A_67 = tpu.memref_squeeze %dma_start3A_66 : memref<1x128xi32, #tpu.memory_space<vmem>> -> memref<128xi32, #tpu.memory_space<vmem>>
        %dma_start3A_68 = arith.constant 0 : i32
        %dma_start3A_69 = tpu.memref_slice %arg7[%dma_start3A_68] : memref<10240xf32, #tpu.memory_space<vmem_shared>> -> memref<10240xf32, #tpu.memory_space<vmem_shared>>
        tpu.enqueue_indirect_dma source(%arg5 : memref<128xf32, #tpu.memory_space<vmem>>) target(%dma_start3A_69 : memref<10240xf32, #tpu.memory_space<vmem_shared>>) offsets(%dma_start3A_67 : memref<128xi32, #tpu.memory_space<vmem>>) semaphore(%run_scoped3A : memref<!tpu.dma_semaphore, #tpu.memory_space<semaphore_mem>>) {add = true}
        %dma_wait3A = arith.constant 0 : i32
        %dma_wait3A_70 = tpu.memref_slice %arg4[%scan3A_65, %dma_wait3A] : memref<80x128xi32, #tpu.memory_space<vmem>> -> memref<1x128xi32, #tpu.memory_space<vmem>>
        %dma_wait3A_71 = tpu.memref_squeeze %dma_wait3A_70 : memref<1x128xi32, #tpu.memory_space<vmem>> -> memref<128xi32, #tpu.memory_space<vmem>>
        %dma_wait3A_72 = arith.constant 0 : i32
        %dma_wait3A_73 = tpu.memref_slice %arg7[%dma_wait3A_72] : memref<10240xf32, #tpu.memory_space<vmem_shared>> -> memref<10240xf32, #tpu.memory_space<vmem_shared>>
        tpu.wait_indirect_dma semaphore(%run_scoped3A : memref<!tpu.dma_semaphore, #tpu.memory_space<semaphore_mem>>) src(%arg5 : memref<128xf32, #tpu.memory_space<vmem>>) dst(%dma_wait3A_73 : memref<10240xf32, #tpu.memory_space<vmem_shared>>)
        tpu.yield
      }) : () -> ()
    }
    %scan3A_59 = arith.constant 80 : i32
    %barrier3A_60 = arith.constant 0 : index
    tpu.barrier barrier_id(%barrier3A_60)
    %mul3A_61 = arith.constant 640 : i32
    %mul3A_62 = arith.muli %arg1, %mul3A_61 : i32
    %mul3A_63 = arith.constant 640 : i32
    %mul3A_64 = arith.muli %arg1, %mul3A_63 : i32
    "tpu.region"() ({
      %run_scoped3A = tpu.sem_alloc : memref<!tpu.dma_semaphore, #tpu.memory_space<semaphore_mem>>
      %dma_start3A = tpu.memref_slice %arg3[%arg0, %mul3A_64] : memref<2x10240xf32, #tpu.memory_space<hbm>> -> memref<1x640xf32, #tpu.memory_space<hbm>>
      %dma_start3A_65 = tpu.memref_squeeze %dma_start3A : memref<1x640xf32, #tpu.memory_space<hbm>> -> memref<640xf32, #tpu.memory_space<hbm>>
      %dma_start3A_66 = tpu.memref_slice %arg7[%mul3A_62] : memref<10240xf32, #tpu.memory_space<vmem_shared>> -> memref<640xf32, #tpu.memory_space<vmem_shared>>
      tpu.enqueue_dma source(%dma_start3A_66 : memref<640xf32, #tpu.memory_space<vmem_shared>>) target(%dma_start3A_65 : memref<640xf32, #tpu.memory_space<hbm>>) target_semaphore(%run_scoped3A : memref<!tpu.dma_semaphore, #tpu.memory_space<semaphore_mem>>)
      %dma_wait3A = tpu.memref_slice %arg3[%arg0, %mul3A_64] : memref<2x10240xf32, #tpu.memory_space<hbm>> -> memref<1x640xf32, #tpu.memory_space<hbm>>
      %dma_wait3A_67 = tpu.memref_squeeze %dma_wait3A : memref<1x640xf32, #tpu.memory_space<hbm>> -> memref<640xf32, #tpu.memory_space<hbm>>
      %dma_wait3A_68 = tpu.memref_slice %arg7[%mul3A_62] : memref<10240xf32, #tpu.memory_space<vmem_shared>> -> memref<640xf32, #tpu.memory_space<vmem_shared>>
      tpu.wait_dma2 semaphore(%run_scoped3A : memref<!tpu.dma_semaphore, #tpu.memory_space<semaphore_mem>>) src(%dma_wait3A_68 : memref<640xf32, #tpu.memory_space<vmem_shared>>) dst(%dma_wait3A_67 : memref<640xf32, #tpu.memory_space<hbm>>)
      tpu.yield
    }) : () -> ()
    return
  }
}

#map = affine_map<(d0, d1) -> (0, 0)>
#map1 = affine_map<(d0, d1) -> (0)>
#map2 = affine_map<(d0, d1) -> (0, 0, 0)>
module attributes {stable_mosaic.version = 14 : i64} {
  func.func @_agg_kernel(%arg0: i32, %arg1: i32, %arg2: memref<10000x128xf32, #tpu.memory_space<hbm>>, %arg3: memref<640000xi32, #tpu.memory_space<hbm>>, %arg4: memref<2x10240x128xf32, #tpu.memory_space<hbm>>, %arg5: memref<80xi32, #tpu.memory_space<vmem>>, %arg6: memref<80xi32, #tpu.memory_space<vmem>>, %arg7: memref<80xi32, #tpu.memory_space<vmem>>, %arg8: memref<80xi32, #tpu.memory_space<vmem>>, %arg9: memref<80xi32, #tpu.memory_space<vmem>>, %arg10: memref<80xi32, #tpu.memory_space<vmem>>, %arg11: memref<80xi32, #tpu.memory_space<vmem>>, %arg12: memref<80xi32, #tpu.memory_space<vmem>>, %arg13: memref<80x128xf32, #tpu.memory_space<vmem>>, %arg14: memref<80x128xf32, #tpu.memory_space<vmem>>, %arg15: memref<80x128xf32, #tpu.memory_space<vmem>>, %arg16: memref<80x128xf32, #tpu.memory_space<vmem>>, %arg17: memref<10240x128xf32, #tpu.memory_space<vmem_shared>>, %arg18: memref<!tpu.dma_semaphore, #tpu.memory_space<semaphore_mem>>, %arg19: memref<!tpu.dma_semaphore, #tpu.memory_space<semaphore_mem>>, %arg20: memref<!tpu.dma_semaphore, #tpu.memory_space<semaphore_mem>>, %arg21: memref<!tpu.dma_semaphore, #tpu.memory_space<semaphore_mem>>, %arg22: memref<!tpu.dma_semaphore, #tpu.memory_space<semaphore_mem>>, %arg23: memref<!tpu.dma_semaphore, #tpu.memory_space<semaphore_mem>>, %arg24: memref<!tpu.dma_semaphore, #tpu.memory_space<semaphore_mem>>, %arg25: memref<!tpu.dma_semaphore, #tpu.memory_space<semaphore_mem>>, %arg26: memref<!tpu.dma_semaphore, #tpu.memory_space<semaphore_mem>>, %arg27: memref<!tpu.dma_semaphore, #tpu.memory_space<semaphore_mem>>, %arg28: memref<!tpu.dma_semaphore, #tpu.memory_space<semaphore_mem>>, %arg29: memref<!tpu.dma_semaphore, #tpu.memory_space<semaphore_mem>>, %arg30: memref<!tpu.dma_semaphore, #tpu.memory_space<semaphore_mem>>, %arg31: memref<!tpu.dma_semaphore, #tpu.memory_space<semaphore_mem>>, %arg32: memref<!tpu.dma_semaphore, #tpu.memory_space<semaphore_mem>>, %arg33: memref<!tpu.dma_semaphore, #tpu.memory_space<semaphore_mem>>) attributes {dimension_semantics = [#tpu.dimension_semantics<core_parallel>, #tpu.dimension_semantics<subcore_parallel>], iteration_bounds = array<i64: 2, 16>, scalar_prefetch = 0 : i64, scratch_operands = 29 : i64, tpu.core_type = #tpu.core_type<sc_vector_subcore>, window_params = [{transform_indices = #map}, {transform_indices = #map1}, {transform_indices = #map2}]} {
    %mul3A = arith.constant 16 : i32
    %mul3A_0 = arith.muli %arg0, %mul3A : i32
    %add3A = arith.addi %mul3A_0, %arg1 : i32
    %scan3A = arith.constant 0 : i32
    %scan3A_1 = arith.constant 0 : i32
    %scan3A_2 = arith.constant 80 : i32
    %scan3A_3 = arith.addi %scan3A_1, %scan3A_2 : i32
    %scan3A_4 = arith.constant 1 : i32
    scf.for %scan3A_153 = %scan3A_1 to %scan3A_3 step %scan3A_4  : i32 {
      %broadcast_in_dim3A = arith.constant 0.000000e+00 : f32
      %broadcast_in_dim3A_154 = vector.broadcast %broadcast_in_dim3A : f32 to vector<16xf32>
      %swap3A = arith.index_cast %scan3A_153 : i32 to index
      %swap3A_155 = arith.constant 0 : index
      %swap3A_156 = tpu.vector_load %arg13[%swap3A, %swap3A_155] {strides = array<i32>} : memref<80x128xf32, #tpu.memory_space<vmem>>, vector<1x16xf32>,
      %swap3A_157 = vector.shape_cast %swap3A_156 : vector<1x16xf32> to vector<16xf32>
      %swap3A_158 = vector.shape_cast %broadcast_in_dim3A_154 : vector<16xf32> to vector<1x16xf32>
      tpu.vector_store %arg13[%swap3A, %swap3A_155], %swap3A_158 {strides = array<i32>} : memref<80x128xf32, #tpu.memory_space<vmem>>, vector<1x16xf32>,
      %broadcast_in_dim3A_159 = arith.constant 0.000000e+00 : f32
      %broadcast_in_dim3A_160 = vector.broadcast %broadcast_in_dim3A_159 : f32 to vector<16xf32>
      %swap3A_161 = arith.index_cast %scan3A_153 : i32 to index
      %swap3A_162 = arith.constant 16 : index
      %swap3A_163 = tpu.vector_load %arg13[%swap3A_161, %swap3A_162] {strides = array<i32>} : memref<80x128xf32, #tpu.memory_space<vmem>>, vector<1x16xf32>,
      %swap3A_164 = vector.shape_cast %swap3A_163 : vector<1x16xf32> to vector<16xf32>
      %swap3A_165 = vector.shape_cast %broadcast_in_dim3A_160 : vector<16xf32> to vector<1x16xf32>
      tpu.vector_store %arg13[%swap3A_161, %swap3A_162], %swap3A_165 {strides = array<i32>} : memref<80x128xf32, #tpu.memory_space<vmem>>, vector<1x16xf32>,
      %broadcast_in_dim3A_166 = arith.constant 0.000000e+00 : f32
      %broadcast_in_dim3A_167 = vector.broadcast %broadcast_in_dim3A_166 : f32 to vector<16xf32>
      %swap3A_168 = arith.index_cast %scan3A_153 : i32 to index
      %swap3A_169 = arith.constant 32 : index
      %swap3A_170 = tpu.vector_load %arg13[%swap3A_168, %swap3A_169] {strides = array<i32>} : memref<80x128xf32, #tpu.memory_space<vmem>>, vector<1x16xf32>,
      %swap3A_171 = vector.shape_cast %swap3A_170 : vector<1x16xf32> to vector<16xf32>
      %swap3A_172 = vector.shape_cast %broadcast_in_dim3A_167 : vector<16xf32> to vector<1x16xf32>
      tpu.vector_store %arg13[%swap3A_168, %swap3A_169], %swap3A_172 {strides = array<i32>} : memref<80x128xf32, #tpu.memory_space<vmem>>, vector<1x16xf32>,
      %broadcast_in_dim3A_173 = arith.constant 0.000000e+00 : f32
      %broadcast_in_dim3A_174 = vector.broadcast %broadcast_in_dim3A_173 : f32 to vector<16xf32>
      %swap3A_175 = arith.index_cast %scan3A_153 : i32 to index
      %swap3A_176 = arith.constant 48 : index
      %swap3A_177 = tpu.vector_load %arg13[%swap3A_175, %swap3A_176] {strides = array<i32>} : memref<80x128xf32, #tpu.memory_space<vmem>>, vector<1x16xf32>,
      %swap3A_178 = vector.shape_cast %swap3A_177 : vector<1x16xf32> to vector<16xf32>
      %swap3A_179 = vector.shape_cast %broadcast_in_dim3A_174 : vector<16xf32> to vector<1x16xf32>
      tpu.vector_store %arg13[%swap3A_175, %swap3A_176], %swap3A_179 {strides = array<i32>} : memref<80x128xf32, #tpu.memory_space<vmem>>, vector<1x16xf32>,
      %broadcast_in_dim3A_180 = arith.constant 0.000000e+00 : f32
      %broadcast_in_dim3A_181 = vector.broadcast %broadcast_in_dim3A_180 : f32 to vector<16xf32>
      %swap3A_182 = arith.index_cast %scan3A_153 : i32 to index
      %swap3A_183 = arith.constant 64 : index
      %swap3A_184 = tpu.vector_load %arg13[%swap3A_182, %swap3A_183] {strides = array<i32>} : memref<80x128xf32, #tpu.memory_space<vmem>>, vector<1x16xf32>,
      %swap3A_185 = vector.shape_cast %swap3A_184 : vector<1x16xf32> to vector<16xf32>
      %swap3A_186 = vector.shape_cast %broadcast_in_dim3A_181 : vector<16xf32> to vector<1x16xf32>
      tpu.vector_store %arg13[%swap3A_182, %swap3A_183], %swap3A_186 {strides = array<i32>} : memref<80x128xf32, #tpu.memory_space<vmem>>, vector<1x16xf32>,
      %broadcast_in_dim3A_187 = arith.constant 0.000000e+00 : f32
      %broadcast_in_dim3A_188 = vector.broadcast %broadcast_in_dim3A_187 : f32 to vector<16xf32>
      %swap3A_189 = arith.index_cast %scan3A_153 : i32 to index
      %swap3A_190 = arith.constant 80 : index
      %swap3A_191 = tpu.vector_load %arg13[%swap3A_189, %swap3A_190] {strides = array<i32>} : memref<80x128xf32, #tpu.memory_space<vmem>>, vector<1x16xf32>,
      %swap3A_192 = vector.shape_cast %swap3A_191 : vector<1x16xf32> to vector<16xf32>
      %swap3A_193 = vector.shape_cast %broadcast_in_dim3A_188 : vector<16xf32> to vector<1x16xf32>
      tpu.vector_store %arg13[%swap3A_189, %swap3A_190], %swap3A_193 {strides = array<i32>} : memref<80x128xf32, #tpu.memory_space<vmem>>, vector<1x16xf32>,
      %broadcast_in_dim3A_194 = arith.constant 0.000000e+00 : f32
      %broadcast_in_dim3A_195 = vector.broadcast %broadcast_in_dim3A_194 : f32 to vector<16xf32>
      %swap3A_196 = arith.index_cast %scan3A_153 : i32 to index
      %swap3A_197 = arith.constant 96 : index
      %swap3A_198 = tpu.vector_load %arg13[%swap3A_196, %swap3A_197] {strides = array<i32>} : memref<80x128xf32, #tpu.memory_space<vmem>>, vector<1x16xf32>,
      %swap3A_199 = vector.shape_cast %swap3A_198 : vector<1x16xf32> to vector<16xf32>
      %swap3A_200 = vector.shape_cast %broadcast_in_dim3A_195 : vector<16xf32> to vector<1x16xf32>
      tpu.vector_store %arg13[%swap3A_196, %swap3A_197], %swap3A_200 {strides = array<i32>} : memref<80x128xf32, #tpu.memory_space<vmem>>, vector<1x16xf32>,
      %broadcast_in_dim3A_201 = arith.constant 0.000000e+00 : f32
      %broadcast_in_dim3A_202 = vector.broadcast %broadcast_in_dim3A_201 : f32 to vector<16xf32>
      %swap3A_203 = arith.index_cast %scan3A_153 : i32 to index
      %swap3A_204 = arith.constant 112 : index
      %swap3A_205 = tpu.vector_load %arg13[%swap3A_203, %swap3A_204] {strides = array<i32>} : memref<80x128xf32, #tpu.memory_space<vmem>>, vector<1x16xf32>,
      %swap3A_206 = vector.shape_cast %swap3A_205 : vector<1x16xf32> to vector<16xf32>
      %swap3A_207 = vector.shape_cast %broadcast_in_dim3A_202 : vector<16xf32> to vector<1x16xf32>
      tpu.vector_store %arg13[%swap3A_203, %swap3A_204], %swap3A_207 {strides = array<i32>} : memref<80x128xf32, #tpu.memory_space<vmem>>, vector<1x16xf32>,
    }
    %scan3A_5 = arith.constant 80 : i32
    %mul3A_6 = arith.constant 640 : i32
    %mul3A_7 = arith.muli %arg1, %mul3A_6 : i32
    %add3A_8 = arith.constant 0 : i32
    %add3A_9 = arith.addi %mul3A_7, %add3A_8 : i32
    "tpu.region"() ({
      %run_scoped3A = tpu.sem_alloc : memref<!tpu.dma_semaphore, #tpu.memory_space<semaphore_mem>>
      %dma_start3A_153 = arith.constant 0 : i32
      %dma_start3A_154 = tpu.memref_slice %arg17[%add3A_9, %dma_start3A_153] : memref<10240x128xf32, #tpu.memory_space<vmem_shared>> -> memref<80x128xf32, #tpu.memory_space<vmem_shared>>
      %dma_start3A_155 = arith.constant 0 : i32
      %dma_start3A_156 = tpu.memref_slice %arg17[%add3A_9, %dma_start3A_155] : memref<10240x128xf32, #tpu.memory_space<vmem_shared>> -> memref<80x128xf32, #tpu.memory_space<vmem_shared>>
      tpu.enqueue_dma source(%arg13 : memref<80x128xf32, #tpu.memory_space<vmem>>) target(%dma_start3A_156 : memref<80x128xf32, #tpu.memory_space<vmem_shared>>) target_semaphore(%run_scoped3A : memref<!tpu.dma_semaphore, #tpu.memory_space<semaphore_mem>>)
      %dma_wait3A_157 = arith.constant 0 : i32
      %dma_wait3A_158 = tpu.memref_slice %arg17[%add3A_9, %dma_wait3A_157] : memref<10240x128xf32, #tpu.memory_space<vmem_shared>> -> memref<80x128xf32, #tpu.memory_space<vmem_shared>>
      %dma_wait3A_159 = arith.constant 0 : i32
      %dma_wait3A_160 = tpu.memref_slice %arg17[%add3A_9, %dma_wait3A_159] : memref<10240x128xf32, #tpu.memory_space<vmem_shared>> -> memref<80x128xf32, #tpu.memory_space<vmem_shared>>
      tpu.wait_dma2 semaphore(%run_scoped3A : memref<!tpu.dma_semaphore, #tpu.memory_space<semaphore_mem>>) src(%arg13 : memref<80x128xf32, #tpu.memory_space<vmem>>) dst(%dma_wait3A_160 : memref<80x128xf32, #tpu.memory_space<vmem_shared>>)
      tpu.yield
    }) : () -> ()
    %mul3A_10 = arith.constant 640 : i32
    %mul3A_11 = arith.muli %arg1, %mul3A_10 : i32
    %add3A_12 = arith.constant 80 : i32
    %add3A_13 = arith.addi %mul3A_11, %add3A_12 : i32
    "tpu.region"() ({
      %run_scoped3A = tpu.sem_alloc : memref<!tpu.dma_semaphore, #tpu.memory_space<semaphore_mem>>
      %dma_start3A_153 = arith.constant 0 : i32
      %dma_start3A_154 = tpu.memref_slice %arg17[%add3A_13, %dma_start3A_153] : memref<10240x128xf32, #tpu.memory_space<vmem_shared>> -> memref<80x128xf32, #tpu.memory_space<vmem_shared>>
      %dma_start3A_155 = arith.constant 0 : i32
      %dma_start3A_156 = tpu.memref_slice %arg17[%add3A_13, %dma_start3A_155] : memref<10240x128xf32, #tpu.memory_space<vmem_shared>> -> memref<80x128xf32, #tpu.memory_space<vmem_shared>>
      tpu.enqueue_dma source(%arg13 : memref<80x128xf32, #tpu.memory_space<vmem>>) target(%dma_start3A_156 : memref<80x128xf32, #tpu.memory_space<vmem_shared>>) target_semaphore(%run_scoped3A : memref<!tpu.dma_semaphore, #tpu.memory_space<semaphore_mem>>)
      %dma_wait3A_157 = arith.constant 0 : i32
      %dma_wait3A_158 = tpu.memref_slice %arg17[%add3A_13, %dma_wait3A_157] : memref<10240x128xf32, #tpu.memory_space<vmem_shared>> -> memref<80x128xf32, #tpu.memory_space<vmem_shared>>
      %dma_wait3A_159 = arith.constant 0 : i32
      %dma_wait3A_160 = tpu.memref_slice %arg17[%add3A_13, %dma_wait3A_159] : memref<10240x128xf32, #tpu.memory_space<vmem_shared>> -> memref<80x128xf32, #tpu.memory_space<vmem_shared>>
      tpu.wait_dma2 semaphore(%run_scoped3A : memref<!tpu.dma_semaphore, #tpu.memory_space<semaphore_mem>>) src(%arg13 : memref<80x128xf32, #tpu.memory_space<vmem>>) dst(%dma_wait3A_160 : memref<80x128xf32, #tpu.memory_space<vmem_shared>>)
      tpu.yield
    }) : () -> ()
    %mul3A_14 = arith.constant 640 : i32
    %mul3A_15 = arith.muli %arg1, %mul3A_14 : i32
    %add3A_16 = arith.constant 160 : i32
    %add3A_17 = arith.addi %mul3A_15, %add3A_16 : i32
    "tpu.region"() ({
      %run_scoped3A = tpu.sem_alloc : memref<!tpu.dma_semaphore, #tpu.memory_space<semaphore_mem>>
      %dma_start3A_153 = arith.constant 0 : i32
      %dma_start3A_154 = tpu.memref_slice %arg17[%add3A_17, %dma_start3A_153] : memref<10240x128xf32, #tpu.memory_space<vmem_shared>> -> memref<80x128xf32, #tpu.memory_space<vmem_shared>>
      %dma_start3A_155 = arith.constant 0 : i32
      %dma_start3A_156 = tpu.memref_slice %arg17[%add3A_17, %dma_start3A_155] : memref<10240x128xf32, #tpu.memory_space<vmem_shared>> -> memref<80x128xf32, #tpu.memory_space<vmem_shared>>
      tpu.enqueue_dma source(%arg13 : memref<80x128xf32, #tpu.memory_space<vmem>>) target(%dma_start3A_156 : memref<80x128xf32, #tpu.memory_space<vmem_shared>>) target_semaphore(%run_scoped3A : memref<!tpu.dma_semaphore, #tpu.memory_space<semaphore_mem>>)
      %dma_wait3A_157 = arith.constant 0 : i32
      %dma_wait3A_158 = tpu.memref_slice %arg17[%add3A_17, %dma_wait3A_157] : memref<10240x128xf32, #tpu.memory_space<vmem_shared>> -> memref<80x128xf32, #tpu.memory_space<vmem_shared>>
      %dma_wait3A_159 = arith.constant 0 : i32
      %dma_wait3A_160 = tpu.memref_slice %arg17[%add3A_17, %dma_wait3A_159] : memref<10240x128xf32, #tpu.memory_space<vmem_shared>> -> memref<80x128xf32, #tpu.memory_space<vmem_shared>>
      tpu.wait_dma2 semaphore(%run_scoped3A : memref<!tpu.dma_semaphore, #tpu.memory_space<semaphore_mem>>) src(%arg13 : memref<80x128xf32, #tpu.memory_space<vmem>>) dst(%dma_wait3A_160 : memref<80x128xf32, #tpu.memory_space<vmem_shared>>)
      tpu.yield
    }) : () -> ()
    %mul3A_18 = arith.constant 640 : i32
    %mul3A_19 = arith.muli %arg1, %mul3A_18 : i32
    %add3A_20 = arith.constant 240 : i32
    %add3A_21 = arith.addi %mul3A_19, %add3A_20 : i32
    "tpu.region"() ({
      %run_scoped3A = tpu.sem_alloc : memref<!tpu.dma_semaphore, #tpu.memory_space<semaphore_mem>>
      %dma_start3A_153 = arith.constant 0 : i32
      %dma_start3A_154 = tpu.memref_slice %arg17[%add3A_21, %dma_start3A_153] : memref<10240x128xf32, #tpu.memory_space<vmem_shared>> -> memref<80x128xf32, #tpu.memory_space<vmem_shared>>
      %dma_start3A_155 = arith.constant 0 : i32
      %dma_start3A_156 = tpu.memref_slice %arg17[%add3A_21, %dma_start3A_155] : memref<10240x128xf32, #tpu.memory_space<vmem_shared>> -> memref<80x128xf32, #tpu.memory_space<vmem_shared>>
      tpu.enqueue_dma source(%arg13 : memref<80x128xf32, #tpu.memory_space<vmem>>) target(%dma_start3A_156 : memref<80x128xf32, #tpu.memory_space<vmem_shared>>) target_semaphore(%run_scoped3A : memref<!tpu.dma_semaphore, #tpu.memory_space<semaphore_mem>>)
      %dma_wait3A_157 = arith.constant 0 : i32
      %dma_wait3A_158 = tpu.memref_slice %arg17[%add3A_21, %dma_wait3A_157] : memref<10240x128xf32, #tpu.memory_space<vmem_shared>> -> memref<80x128xf32, #tpu.memory_space<vmem_shared>>
      %dma_wait3A_159 = arith.constant 0 : i32
      %dma_wait3A_160 = tpu.memref_slice %arg17[%add3A_21, %dma_wait3A_159] : memref<10240x128xf32, #tpu.memory_space<vmem_shared>> -> memref<80x128xf32, #tpu.memory_space<vmem_shared>>
      tpu.wait_dma2 semaphore(%run_scoped3A : memref<!tpu.dma_semaphore, #tpu.memory_space<semaphore_mem>>) src(%arg13 : memref<80x128xf32, #tpu.memory_space<vmem>>) dst(%dma_wait3A_160 : memref<80x128xf32, #tpu.memory_space<vmem_shared>>)
      tpu.yield
    }) : () -> ()
    %mul3A_22 = arith.constant 640 : i32
    %mul3A_23 = arith.muli %arg1, %mul3A_22 : i32
    %add3A_24 = arith.constant 320 : i32
    %add3A_25 = arith.addi %mul3A_23, %add3A_24 : i32
    "tpu.region"() ({
      %run_scoped3A = tpu.sem_alloc : memref<!tpu.dma_semaphore, #tpu.memory_space<semaphore_mem>>
      %dma_start3A_153 = arith.constant 0 : i32
      %dma_start3A_154 = tpu.memref_slice %arg17[%add3A_25, %dma_start3A_153] : memref<10240x128xf32, #tpu.memory_space<vmem_shared>> -> memref<80x128xf32, #tpu.memory_space<vmem_shared>>
      %dma_start3A_155 = arith.constant 0 : i32
      %dma_start3A_156 = tpu.memref_slice %arg17[%add3A_25, %dma_start3A_155] : memref<10240x128xf32, #tpu.memory_space<vmem_shared>> -> memref<80x128xf32, #tpu.memory_space<vmem_shared>>
      tpu.enqueue_dma source(%arg13 : memref<80x128xf32, #tpu.memory_space<vmem>>) target(%dma_start3A_156 : memref<80x128xf32, #tpu.memory_space<vmem_shared>>) target_semaphore(%run_scoped3A : memref<!tpu.dma_semaphore, #tpu.memory_space<semaphore_mem>>)
      %dma_wait3A_157 = arith.constant 0 : i32
      %dma_wait3A_158 = tpu.memref_slice %arg17[%add3A_25, %dma_wait3A_157] : memref<10240x128xf32, #tpu.memory_space<vmem_shared>> -> memref<80x128xf32, #tpu.memory_space<vmem_shared>>
      %dma_wait3A_159 = arith.constant 0 : i32
      %dma_wait3A_160 = tpu.memref_slice %arg17[%add3A_25, %dma_wait3A_159] : memref<10240x128xf32, #tpu.memory_space<vmem_shared>> -> memref<80x128xf32, #tpu.memory_space<vmem_shared>>
      tpu.wait_dma2 semaphore(%run_scoped3A : memref<!tpu.dma_semaphore, #tpu.memory_space<semaphore_mem>>) src(%arg13 : memref<80x128xf32, #tpu.memory_space<vmem>>) dst(%dma_wait3A_160 : memref<80x128xf32, #tpu.memory_space<vmem_shared>>)
      tpu.yield
    }) : () -> ()
    %mul3A_26 = arith.constant 640 : i32
    %mul3A_27 = arith.muli %arg1, %mul3A_26 : i32
    %add3A_28 = arith.constant 400 : i32
    %add3A_29 = arith.addi %mul3A_27, %add3A_28 : i32
    "tpu.region"() ({
      %run_scoped3A = tpu.sem_alloc : memref<!tpu.dma_semaphore, #tpu.memory_space<semaphore_mem>>
      %dma_start3A_153 = arith.constant 0 : i32
      %dma_start3A_154 = tpu.memref_slice %arg17[%add3A_29, %dma_start3A_153] : memref<10240x128xf32, #tpu.memory_space<vmem_shared>> -> memref<80x128xf32, #tpu.memory_space<vmem_shared>>
      %dma_start3A_155 = arith.constant 0 : i32
      %dma_start3A_156 = tpu.memref_slice %arg17[%add3A_29, %dma_start3A_155] : memref<10240x128xf32, #tpu.memory_space<vmem_shared>> -> memref<80x128xf32, #tpu.memory_space<vmem_shared>>
      tpu.enqueue_dma source(%arg13 : memref<80x128xf32, #tpu.memory_space<vmem>>) target(%dma_start3A_156 : memref<80x128xf32, #tpu.memory_space<vmem_shared>>) target_semaphore(%run_scoped3A : memref<!tpu.dma_semaphore, #tpu.memory_space<semaphore_mem>>)
      %dma_wait3A_157 = arith.constant 0 : i32
      %dma_wait3A_158 = tpu.memref_slice %arg17[%add3A_29, %dma_wait3A_157] : memref<10240x128xf32, #tpu.memory_space<vmem_shared>> -> memref<80x128xf32, #tpu.memory_space<vmem_shared>>
      %dma_wait3A_159 = arith.constant 0 : i32
      %dma_wait3A_160 = tpu.memref_slice %arg17[%add3A_29, %dma_wait3A_159] : memref<10240x128xf32, #tpu.memory_space<vmem_shared>> -> memref<80x128xf32, #tpu.memory_space<vmem_shared>>
      tpu.wait_dma2 semaphore(%run_scoped3A : memref<!tpu.dma_semaphore, #tpu.memory_space<semaphore_mem>>) src(%arg13 : memref<80x128xf32, #tpu.memory_space<vmem>>) dst(%dma_wait3A_160 : memref<80x128xf32, #tpu.memory_space<vmem_shared>>)
      tpu.yield
    }) : () -> ()
    %mul3A_30 = arith.constant 640 : i32
    %mul3A_31 = arith.muli %arg1, %mul3A_30 : i32
    %add3A_32 = arith.constant 480 : i32
    %add3A_33 = arith.addi %mul3A_31, %add3A_32 : i32
    "tpu.region"() ({
      %run_scoped3A = tpu.sem_alloc : memref<!tpu.dma_semaphore, #tpu.memory_space<semaphore_mem>>
      %dma_start3A_153 = arith.constant 0 : i32
      %dma_start3A_154 = tpu.memref_slice %arg17[%add3A_33, %dma_start3A_153] : memref<10240x128xf32, #tpu.memory_space<vmem_shared>> -> memref<80x128xf32, #tpu.memory_space<vmem_shared>>
      %dma_start3A_155 = arith.constant 0 : i32
      %dma_start3A_156 = tpu.memref_slice %arg17[%add3A_33, %dma_start3A_155] : memref<10240x128xf32, #tpu.memory_space<vmem_shared>> -> memref<80x128xf32, #tpu.memory_space<vmem_shared>>
      tpu.enqueue_dma source(%arg13 : memref<80x128xf32, #tpu.memory_space<vmem>>) target(%dma_start3A_156 : memref<80x128xf32, #tpu.memory_space<vmem_shared>>) target_semaphore(%run_scoped3A : memref<!tpu.dma_semaphore, #tpu.memory_space<semaphore_mem>>)
      %dma_wait3A_157 = arith.constant 0 : i32
      %dma_wait3A_158 = tpu.memref_slice %arg17[%add3A_33, %dma_wait3A_157] : memref<10240x128xf32, #tpu.memory_space<vmem_shared>> -> memref<80x128xf32, #tpu.memory_space<vmem_shared>>
      %dma_wait3A_159 = arith.constant 0 : i32
      %dma_wait3A_160 = tpu.memref_slice %arg17[%add3A_33, %dma_wait3A_159] : memref<10240x128xf32, #tpu.memory_space<vmem_shared>> -> memref<80x128xf32, #tpu.memory_space<vmem_shared>>
      tpu.wait_dma2 semaphore(%run_scoped3A : memref<!tpu.dma_semaphore, #tpu.memory_space<semaphore_mem>>) src(%arg13 : memref<80x128xf32, #tpu.memory_space<vmem>>) dst(%dma_wait3A_160 : memref<80x128xf32, #tpu.memory_space<vmem_shared>>)
      tpu.yield
    }) : () -> ()
    %mul3A_34 = arith.constant 640 : i32
    %mul3A_35 = arith.muli %arg1, %mul3A_34 : i32
    %add3A_36 = arith.constant 560 : i32
    %add3A_37 = arith.addi %mul3A_35, %add3A_36 : i32
    "tpu.region"() ({
      %run_scoped3A = tpu.sem_alloc : memref<!tpu.dma_semaphore, #tpu.memory_space<semaphore_mem>>
      %dma_start3A_153 = arith.constant 0 : i32
      %dma_start3A_154 = tpu.memref_slice %arg17[%add3A_37, %dma_start3A_153] : memref<10240x128xf32, #tpu.memory_space<vmem_shared>> -> memref<80x128xf32, #tpu.memory_space<vmem_shared>>
      %dma_start3A_155 = arith.constant 0 : i32
      %dma_start3A_156 = tpu.memref_slice %arg17[%add3A_37, %dma_start3A_155] : memref<10240x128xf32, #tpu.memory_space<vmem_shared>> -> memref<80x128xf32, #tpu.memory_space<vmem_shared>>
      tpu.enqueue_dma source(%arg13 : memref<80x128xf32, #tpu.memory_space<vmem>>) target(%dma_start3A_156 : memref<80x128xf32, #tpu.memory_space<vmem_shared>>) target_semaphore(%run_scoped3A : memref<!tpu.dma_semaphore, #tpu.memory_space<semaphore_mem>>)
      %dma_wait3A_157 = arith.constant 0 : i32
      %dma_wait3A_158 = tpu.memref_slice %arg17[%add3A_37, %dma_wait3A_157] : memref<10240x128xf32, #tpu.memory_space<vmem_shared>> -> memref<80x128xf32, #tpu.memory_space<vmem_shared>>
      %dma_wait3A_159 = arith.constant 0 : i32
      %dma_wait3A_160 = tpu.memref_slice %arg17[%add3A_37, %dma_wait3A_159] : memref<10240x128xf32, #tpu.memory_space<vmem_shared>> -> memref<80x128xf32, #tpu.memory_space<vmem_shared>>
      tpu.wait_dma2 semaphore(%run_scoped3A : memref<!tpu.dma_semaphore, #tpu.memory_space<semaphore_mem>>) src(%arg13 : memref<80x128xf32, #tpu.memory_space<vmem>>) dst(%dma_wait3A_160 : memref<80x128xf32, #tpu.memory_space<vmem_shared>>)
      tpu.yield
    }) : () -> ()
    %mul3A_38 = arith.constant 10000 : i32
    %mul3A_39 = arith.muli %add3A, %mul3A_38 : i32
    %add3A_40 = arith.constant 0 : i32
    %add3A_41 = arith.addi %add3A_40, %mul3A_39 : i32
    %add3A_42 = arith.constant 0 : i32
    %add3A_43 = arith.addi %add3A_41, %add3A_42 : i32
    %dma_start3A = tpu.memref_slice %arg3[%add3A_43] : memref<640000xi32, #tpu.memory_space<hbm>> -> memref<80xi32, #tpu.memory_space<hbm>>
    %dma_start3A_44 = tpu.memref_slice %arg3[%add3A_43] : memref<640000xi32, #tpu.memory_space<hbm>> -> memref<80xi32, #tpu.memory_space<hbm>>
    tpu.enqueue_dma source(%dma_start3A_44 : memref<80xi32, #tpu.memory_space<hbm>>) target(%arg5 : memref<80xi32, #tpu.memory_space<vmem>>) target_semaphore(%arg18 : memref<!tpu.dma_semaphore, #tpu.memory_space<semaphore_mem>>)
    %add3A_45 = arith.constant 320000 : i32
    %add3A_46 = arith.addi %add3A_45, %mul3A_39 : i32
    %add3A_47 = arith.constant 0 : i32
    %add3A_48 = arith.addi %add3A_46, %add3A_47 : i32
    %dma_start3A_49 = tpu.memref_slice %arg3[%add3A_48] : memref<640000xi32, #tpu.memory_space<hbm>> -> memref<80xi32, #tpu.memory_space<hbm>>
    %dma_start3A_50 = tpu.memref_slice %arg3[%add3A_48] : memref<640000xi32, #tpu.memory_space<hbm>> -> memref<80xi32, #tpu.memory_space<hbm>>
    tpu.enqueue_dma source(%dma_start3A_50 : memref<80xi32, #tpu.memory_space<hbm>>) target(%arg9 : memref<80xi32, #tpu.memory_space<vmem>>) target_semaphore(%arg22 : memref<!tpu.dma_semaphore, #tpu.memory_space<semaphore_mem>>)
    %add3A_51 = arith.constant 0 : i32
    %add3A_52 = arith.addi %add3A_51, %mul3A_39 : i32
    %add3A_53 = arith.constant 80 : i32
    %add3A_54 = arith.addi %add3A_52, %add3A_53 : i32
    %dma_start3A_55 = tpu.memref_slice %arg3[%add3A_54] : memref<640000xi32, #tpu.memory_space<hbm>> -> memref<80xi32, #tpu.memory_space<hbm>>
    %dma_start3A_56 = tpu.memref_slice %arg3[%add3A_54] : memref<640000xi32, #tpu.memory_space<hbm>> -> memref<80xi32, #tpu.memory_space<hbm>>
    tpu.enqueue_dma source(%dma_start3A_56 : memref<80xi32, #tpu.memory_space<hbm>>) target(%arg6 : memref<80xi32, #tpu.memory_space<vmem>>) target_semaphore(%arg19 : memref<!tpu.dma_semaphore, #tpu.memory_space<semaphore_mem>>)
    %add3A_57 = arith.constant 320000 : i32
    %add3A_58 = arith.addi %add3A_57, %mul3A_39 : i32
    %add3A_59 = arith.constant 80 : i32
    %add3A_60 = arith.addi %add3A_58, %add3A_59 : i32
    %dma_start3A_61 = tpu.memref_slice %arg3[%add3A_60] : memref<640000xi32, #tpu.memory_space<hbm>> -> memref<80xi32, #tpu.memory_space<hbm>>
    %dma_start3A_62 = tpu.memref_slice %arg3[%add3A_60] : memref<640000xi32, #tpu.memory_space<hbm>> -> memref<80xi32, #tpu.memory_space<hbm>>
    tpu.enqueue_dma source(%dma_start3A_62 : memref<80xi32, #tpu.memory_space<hbm>>) target(%arg10 : memref<80xi32, #tpu.memory_space<vmem>>) target_semaphore(%arg23 : memref<!tpu.dma_semaphore, #tpu.memory_space<semaphore_mem>>)
    %add3A_63 = arith.constant 0 : i32
    %add3A_64 = arith.addi %add3A_63, %mul3A_39 : i32
    %add3A_65 = arith.constant 160 : i32
    %add3A_66 = arith.addi %add3A_64, %add3A_65 : i32
    %dma_start3A_67 = tpu.memref_slice %arg3[%add3A_66] : memref<640000xi32, #tpu.memory_space<hbm>> -> memref<80xi32, #tpu.memory_space<hbm>>
    %dma_start3A_68 = tpu.memref_slice %arg3[%add3A_66] : memref<640000xi32, #tpu.memory_space<hbm>> -> memref<80xi32, #tpu.memory_space<hbm>>
    tpu.enqueue_dma source(%dma_start3A_68 : memref<80xi32, #tpu.memory_space<hbm>>) target(%arg7 : memref<80xi32, #tpu.memory_space<vmem>>) target_semaphore(%arg20 : memref<!tpu.dma_semaphore, #tpu.memory_space<semaphore_mem>>)
    %add3A_69 = arith.constant 320000 : i32
    %add3A_70 = arith.addi %add3A_69, %mul3A_39 : i32
    %add3A_71 = arith.constant 160 : i32
    %add3A_72 = arith.addi %add3A_70, %add3A_71 : i32
    %dma_start3A_73 = tpu.memref_slice %arg3[%add3A_72] : memref<640000xi32, #tpu.memory_space<hbm>> -> memref<80xi32, #tpu.memory_space<hbm>>
    %dma_start3A_74 = tpu.memref_slice %arg3[%add3A_72] : memref<640000xi32, #tpu.memory_space<hbm>> -> memref<80xi32, #tpu.memory_space<hbm>>
    tpu.enqueue_dma source(%dma_start3A_74 : memref<80xi32, #tpu.memory_space<hbm>>) target(%arg11 : memref<80xi32, #tpu.memory_space<vmem>>) target_semaphore(%arg24 : memref<!tpu.dma_semaphore, #tpu.memory_space<semaphore_mem>>)
    %add3A_75 = arith.constant 0 : i32
    %add3A_76 = arith.addi %add3A_75, %mul3A_39 : i32
    %add3A_77 = arith.constant 240 : i32
    %add3A_78 = arith.addi %add3A_76, %add3A_77 : i32
    %dma_start3A_79 = tpu.memref_slice %arg3[%add3A_78] : memref<640000xi32, #tpu.memory_space<hbm>> -> memref<80xi32, #tpu.memory_space<hbm>>
    %dma_start3A_80 = tpu.memref_slice %arg3[%add3A_78] : memref<640000xi32, #tpu.memory_space<hbm>> -> memref<80xi32, #tpu.memory_space<hbm>>
    tpu.enqueue_dma source(%dma_start3A_80 : memref<80xi32, #tpu.memory_space<hbm>>) target(%arg8 : memref<80xi32, #tpu.memory_space<vmem>>) target_semaphore(%arg21 : memref<!tpu.dma_semaphore, #tpu.memory_space<semaphore_mem>>)
    %add3A_81 = arith.constant 320000 : i32
    %add3A_82 = arith.addi %add3A_81, %mul3A_39 : i32
    %add3A_83 = arith.constant 240 : i32
    %add3A_84 = arith.addi %add3A_82, %add3A_83 : i32
    %dma_start3A_85 = tpu.memref_slice %arg3[%add3A_84] : memref<640000xi32, #tpu.memory_space<hbm>> -> memref<80xi32, #tpu.memory_space<hbm>>
    %dma_start3A_86 = tpu.memref_slice %arg3[%add3A_84] : memref<640000xi32, #tpu.memory_space<hbm>> -> memref<80xi32, #tpu.memory_space<hbm>>
    tpu.enqueue_dma source(%dma_start3A_86 : memref<80xi32, #tpu.memory_space<hbm>>) target(%arg12 : memref<80xi32, #tpu.memory_space<vmem>>) target_semaphore(%arg25 : memref<!tpu.dma_semaphore, #tpu.memory_space<semaphore_mem>>)
    %barrier3A = arith.constant 0 : index
    tpu.barrier barrier_id(%barrier3A)
    %dma_wait3A = arith.constant 0 : i32
    %dma_wait3A_87 = tpu.memref_slice %arg3[%dma_wait3A] : memref<640000xi32, #tpu.memory_space<hbm>> -> memref<80xi32, #tpu.memory_space<hbm>>
    %dma_wait3A_88 = arith.constant 0 : i32
    %dma_wait3A_89 = tpu.memref_slice %arg3[%dma_wait3A_88] : memref<640000xi32, #tpu.memory_space<hbm>> -> memref<80xi32, #tpu.memory_space<hbm>>
    tpu.wait_dma2 semaphore(%arg18 : memref<!tpu.dma_semaphore, #tpu.memory_space<semaphore_mem>>) src(%dma_wait3A_89 : memref<80xi32, #tpu.memory_space<hbm>>) dst(%arg5 : memref<80xi32, #tpu.memory_space<vmem>>)
    %dma_start3A_90 = arith.constant 0 : i32
    %dma_start3A_91 = arith.constant 0 : i32
    %dma_start3A_92 = tpu.memref_slice %arg2[%dma_start3A_90, %dma_start3A_91] : memref<10000x128xf32, #tpu.memory_space<hbm>> -> memref<10000x128xf32, #tpu.memory_space<hbm>>
    tpu.enqueue_indirect_dma source(%dma_start3A_92 : memref<10000x128xf32, #tpu.memory_space<hbm>>) target(%arg13 : memref<80x128xf32, #tpu.memory_space<vmem>>) offsets(%arg5 : memref<80xi32, #tpu.memory_space<vmem>>) semaphore(%arg26 : memref<!tpu.dma_semaphore, #tpu.memory_space<semaphore_mem>>)
    %dma_wait3A_93 = arith.constant 0 : i32
    %dma_wait3A_94 = tpu.memref_slice %arg3[%dma_wait3A_93] : memref<640000xi32, #tpu.memory_space<hbm>> -> memref<80xi32, #tpu.memory_space<hbm>>
    %dma_wait3A_95 = arith.constant 0 : i32
    %dma_wait3A_96 = tpu.memref_slice %arg3[%dma_wait3A_95] : memref<640000xi32, #tpu.memory_space<hbm>> -> memref<80xi32, #tpu.memory_space<hbm>>
    tpu.wait_dma2 semaphore(%arg19 : memref<!tpu.dma_semaphore, #tpu.memory_space<semaphore_mem>>) src(%dma_wait3A_96 : memref<80xi32, #tpu.memory_space<hbm>>) dst(%arg6 : memref<80xi32, #tpu.memory_space<vmem>>)
    %dma_start3A_97 = arith.constant 0 : i32
    %dma_start3A_98 = arith.constant 0 : i32
    %dma_start3A_99 = tpu.memref_slice %arg2[%dma_start3A_97, %dma_start3A_98] : memref<10000x128xf32, #tpu.memory_space<hbm>> -> memref<10000x128xf32, #tpu.memory_space<hbm>>
    tpu.enqueue_indirect_dma source(%dma_start3A_99 : memref<10000x128xf32, #tpu.memory_space<hbm>>) target(%arg14 : memref<80x128xf32, #tpu.memory_space<vmem>>) offsets(%arg6 : memref<80xi32, #tpu.memory_space<vmem>>) semaphore(%arg27 : memref<!tpu.dma_semaphore, #tpu.memory_space<semaphore_mem>>)
    %dma_wait3A_100 = arith.constant 0 : i32
    %dma_wait3A_101 = tpu.memref_slice %arg3[%dma_wait3A_100] : memref<640000xi32, #tpu.memory_space<hbm>> -> memref<80xi32, #tpu.memory_space<hbm>>
    %dma_wait3A_102 = arith.constant 0 : i32
    %dma_wait3A_103 = tpu.memref_slice %arg3[%dma_wait3A_102] : memref<640000xi32, #tpu.memory_space<hbm>> -> memref<80xi32, #tpu.memory_space<hbm>>
    tpu.wait_dma2 semaphore(%arg20 : memref<!tpu.dma_semaphore, #tpu.memory_space<semaphore_mem>>) src(%dma_wait3A_103 : memref<80xi32, #tpu.memory_space<hbm>>) dst(%arg7 : memref<80xi32, #tpu.memory_space<vmem>>)
    %dma_start3A_104 = arith.constant 0 : i32
    %dma_start3A_105 = arith.constant 0 : i32
    %dma_start3A_106 = tpu.memref_slice %arg2[%dma_start3A_104, %dma_start3A_105] : memref<10000x128xf32, #tpu.memory_space<hbm>> -> memref<10000x128xf32, #tpu.memory_space<hbm>>
    tpu.enqueue_indirect_dma source(%dma_start3A_106 : memref<10000x128xf32, #tpu.memory_space<hbm>>) target(%arg15 : memref<80x128xf32, #tpu.memory_space<vmem>>) offsets(%arg7 : memref<80xi32, #tpu.memory_space<vmem>>) semaphore(%arg28 : memref<!tpu.dma_semaphore, #tpu.memory_space<semaphore_mem>>)
    %dma_wait3A_107 = arith.constant 0 : i32
    %dma_wait3A_108 = tpu.memref_slice %arg3[%dma_wait3A_107] : memref<640000xi32, #tpu.memory_space<hbm>> -> memref<80xi32, #tpu.memory_space<hbm>>
    %dma_wait3A_109 = arith.constant 0 : i32
    %dma_wait3A_110 = tpu.memref_slice %arg3[%dma_wait3A_109] : memref<640000xi32, #tpu.memory_space<hbm>> -> memref<80xi32, #tpu.memory_space<hbm>>
    tpu.wait_dma2 semaphore(%arg21 : memref<!tpu.dma_semaphore, #tpu.memory_space<semaphore_mem>>) src(%dma_wait3A_110 : memref<80xi32, #tpu.memory_space<hbm>>) dst(%arg8 : memref<80xi32, #tpu.memory_space<vmem>>)
    %dma_start3A_111 = arith.constant 0 : i32
    %dma_start3A_112 = arith.constant 0 : i32
    %dma_start3A_113 = tpu.memref_slice %arg2[%dma_start3A_111, %dma_start3A_112] : memref<10000x128xf32, #tpu.memory_space<hbm>> -> memref<10000x128xf32, #tpu.memory_space<hbm>>
    tpu.enqueue_indirect_dma source(%dma_start3A_113 : memref<10000x128xf32, #tpu.memory_space<hbm>>) target(%arg16 : memref<80x128xf32, #tpu.memory_space<vmem>>) offsets(%arg8 : memref<80xi32, #tpu.memory_space<vmem>>) semaphore(%arg29 : memref<!tpu.dma_semaphore, #tpu.memory_space<semaphore_mem>>)
    %scan3A_114 = arith.constant 0 : i32
    %scan3A_115 = arith.constant 0 : i32
    %scan3A_116 = arith.constant 31 : i32
    %scan3A_117 = arith.addi %scan3A_115, %scan3A_116 : i32
    %scan3A_118 = arith.constant 1 : i32
    scf.for %scan3A_153 = %scan3A_115 to %scan3A_117 step %scan3A_118  : i32 {
      %mul3A_154 = arith.constant 4 : i32
      %mul3A_155 = arith.muli %mul3A_154, %scan3A_153 : i32
      %add3A_156 = arith.constant 4 : i32
      %add3A_157 = arith.addi %mul3A_155, %add3A_156 : i32
      %add3A_158 = arith.constant 0 : i32
      %add3A_159 = arith.addi %add3A_157, %add3A_158 : i32
      %min3A = arith.constant 124 : i32
      %min3A_160 = arith.minsi %add3A_159, %min3A : i32
      %dma_wait3A_161 = arith.constant 0 : i32
      %dma_wait3A_162 = tpu.memref_slice %arg3[%dma_wait3A_161] : memref<640000xi32, #tpu.memory_space<hbm>> -> memref<80xi32, #tpu.memory_space<hbm>>
      %dma_wait3A_163 = arith.constant 0 : i32
      %dma_wait3A_164 = tpu.memref_slice %arg3[%dma_wait3A_163] : memref<640000xi32, #tpu.memory_space<hbm>> -> memref<80xi32, #tpu.memory_space<hbm>>
      tpu.wait_dma2 semaphore(%arg22 : memref<!tpu.dma_semaphore, #tpu.memory_space<semaphore_mem>>) src(%dma_wait3A_164 : memref<80xi32, #tpu.memory_space<hbm>>) dst(%arg9 : memref<80xi32, #tpu.memory_space<vmem>>)
      %dma_wait3A_165 = arith.constant 0 : i32
      %dma_wait3A_166 = arith.constant 0 : i32
      %dma_wait3A_167 = tpu.memref_slice %arg2[%dma_wait3A_165, %dma_wait3A_166] : memref<10000x128xf32, #tpu.memory_space<hbm>> -> memref<10000x128xf32, #tpu.memory_space<hbm>>
      tpu.wait_indirect_dma semaphore(%arg26 : memref<!tpu.dma_semaphore, #tpu.memory_space<semaphore_mem>>) src(%dma_wait3A_167 : memref<10000x128xf32, #tpu.memory_space<hbm>>) dst(%arg13 : memref<80x128xf32, #tpu.memory_space<vmem>>)
      %dma_start3A_168 = arith.constant 0 : i32
      %dma_start3A_169 = arith.constant 0 : i32
      %dma_start3A_170 = tpu.memref_slice %arg17[%dma_start3A_168, %dma_start3A_169] : memref<10240x128xf32, #tpu.memory_space<vmem_shared>> -> memref<10240x128xf32, #tpu.memory_space<vmem_shared>>
      tpu.enqueue_indirect_dma source(%arg13 : memref<80x128xf32, #tpu.memory_space<vmem>>) target(%dma_start3A_170 : memref<10240x128xf32, #tpu.memory_space<vmem_shared>>) offsets(%arg9 : memref<80xi32, #tpu.memory_space<vmem>>) semaphore(%arg30 : memref<!tpu.dma_semaphore, #tpu.memory_space<semaphore_mem>>) {add = true}
      %add3A_171 = arith.constant 0 : i32
      %add3A_172 = arith.addi %add3A_171, %mul3A_39 : i32
      %mul3A_173 = arith.constant 80 : i32
      %mul3A_174 = arith.muli %min3A_160, %mul3A_173 : i32
      %add3A_175 = arith.addi %add3A_172, %mul3A_174 : i32
      %dma_start3A_176 = tpu.memref_slice %arg3[%add3A_175] : memref<640000xi32, #tpu.memory_space<hbm>> -> memref<80xi32, #tpu.memory_space<hbm>>
      %dma_start3A_177 = tpu.memref_slice %arg3[%add3A_175] : memref<640000xi32, #tpu.memory_space<hbm>> -> memref<80xi32, #tpu.memory_space<hbm>>
      tpu.enqueue_dma source(%dma_start3A_177 : memref<80xi32, #tpu.memory_space<hbm>>) target(%arg5 : memref<80xi32, #tpu.memory_space<vmem>>) target_semaphore(%arg18 : memref<!tpu.dma_semaphore, #tpu.memory_space<semaphore_mem>>)
      %mul3A_178 = arith.constant 4 : i32
      %mul3A_179 = arith.muli %mul3A_178, %scan3A_153 : i32
      %add3A_180 = arith.constant 4 : i32
      %add3A_181 = arith.addi %mul3A_179, %add3A_180 : i32
      %add3A_182 = arith.constant 1 : i32
      %add3A_183 = arith.addi %add3A_181, %add3A_182 : i32
      %min3A_184 = arith.constant 124 : i32
      %min3A_185 = arith.minsi %add3A_183, %min3A_184 : i32
      %dma_wait3A_186 = arith.constant 0 : i32
      %dma_wait3A_187 = tpu.memref_slice %arg3[%dma_wait3A_186] : memref<640000xi32, #tpu.memory_space<hbm>> -> memref<80xi32, #tpu.memory_space<hbm>>
      %dma_wait3A_188 = arith.constant 0 : i32
      %dma_wait3A_189 = tpu.memref_slice %arg3[%dma_wait3A_188] : memref<640000xi32, #tpu.memory_space<hbm>> -> memref<80xi32, #tpu.memory_space<hbm>>
      tpu.wait_dma2 semaphore(%arg23 : memref<!tpu.dma_semaphore, #tpu.memory_space<semaphore_mem>>) src(%dma_wait3A_189 : memref<80xi32, #tpu.memory_space<hbm>>) dst(%arg10 : memref<80xi32, #tpu.memory_space<vmem>>)
      %dma_wait3A_190 = arith.constant 0 : i32
      %dma_wait3A_191 = arith.constant 0 : i32
      %dma_wait3A_192 = tpu.memref_slice %arg2[%dma_wait3A_190, %dma_wait3A_191] : memref<10000x128xf32, #tpu.memory_space<hbm>> -> memref<10000x128xf32, #tpu.memory_space<hbm>>
      tpu.wait_indirect_dma semaphore(%arg27 : memref<!tpu.dma_semaphore, #tpu.memory_space<semaphore_mem>>) src(%dma_wait3A_192 : memref<10000x128xf32, #tpu.memory_space<hbm>>) dst(%arg14 : memref<80x128xf32, #tpu.memory_space<vmem>>)
      %dma_start3A_193 = arith.constant 0 : i32
      %dma_start3A_194 = arith.constant 0 : i32
      %dma_start3A_195 = tpu.memref_slice %arg17[%dma_start3A_193, %dma_start3A_194] : memref<10240x128xf32, #tpu.memory_space<vmem_shared>> -> memref<10240x128xf32, #tpu.memory_space<vmem_shared>>
      tpu.enqueue_indirect_dma source(%arg14 : memref<80x128xf32, #tpu.memory_space<vmem>>) target(%dma_start3A_195 : memref<10240x128xf32, #tpu.memory_space<vmem_shared>>) offsets(%arg10 : memref<80xi32, #tpu.memory_space<vmem>>) semaphore(%arg31 : memref<!tpu.dma_semaphore, #tpu.memory_space<semaphore_mem>>) {add = true}
      %add3A_196 = arith.constant 0 : i32
      %add3A_197 = arith.addi %add3A_196, %mul3A_39 : i32
      %mul3A_198 = arith.constant 80 : i32
      %mul3A_199 = arith.muli %min3A_185, %mul3A_198 : i32
      %add3A_200 = arith.addi %add3A_197, %mul3A_199 : i32
      %dma_start3A_201 = tpu.memref_slice %arg3[%add3A_200] : memref<640000xi32, #tpu.memory_space<hbm>> -> memref<80xi32, #tpu.memory_space<hbm>>
      %dma_start3A_202 = tpu.memref_slice %arg3[%add3A_200] : memref<640000xi32, #tpu.memory_space<hbm>> -> memref<80xi32, #tpu.memory_space<hbm>>
      tpu.enqueue_dma source(%dma_start3A_202 : memref<80xi32, #tpu.memory_space<hbm>>) target(%arg6 : memref<80xi32, #tpu.memory_space<vmem>>) target_semaphore(%arg19 : memref<!tpu.dma_semaphore, #tpu.memory_space<semaphore_mem>>)
      %mul3A_203 = arith.constant 4 : i32
      %mul3A_204 = arith.muli %mul3A_203, %scan3A_153 : i32
      %add3A_205 = arith.constant 4 : i32
      %add3A_206 = arith.addi %mul3A_204, %add3A_205 : i32
      %add3A_207 = arith.constant 2 : i32
      %add3A_208 = arith.addi %add3A_206, %add3A_207 : i32
      %min3A_209 = arith.constant 124 : i32
      %min3A_210 = arith.minsi %add3A_208, %min3A_209 : i32
      %dma_wait3A_211 = arith.constant 0 : i32
      %dma_wait3A_212 = tpu.memref_slice %arg3[%dma_wait3A_211] : memref<640000xi32, #tpu.memory_space<hbm>> -> memref<80xi32, #tpu.memory_space<hbm>>
      %dma_wait3A_213 = arith.constant 0 : i32
      %dma_wait3A_214 = tpu.memref_slice %arg3[%dma_wait3A_213] : memref<640000xi32, #tpu.memory_space<hbm>> -> memref<80xi32, #tpu.memory_space<hbm>>
      tpu.wait_dma2 semaphore(%arg24 : memref<!tpu.dma_semaphore, #tpu.memory_space<semaphore_mem>>) src(%dma_wait3A_214 : memref<80xi32, #tpu.memory_space<hbm>>) dst(%arg11 : memref<80xi32, #tpu.memory_space<vmem>>)
      %dma_wait3A_215 = arith.constant 0 : i32
      %dma_wait3A_216 = arith.constant 0 : i32
      %dma_wait3A_217 = tpu.memref_slice %arg2[%dma_wait3A_215, %dma_wait3A_216] : memref<10000x128xf32, #tpu.memory_space<hbm>> -> memref<10000x128xf32, #tpu.memory_space<hbm>>
      tpu.wait_indirect_dma semaphore(%arg28 : memref<!tpu.dma_semaphore, #tpu.memory_space<semaphore_mem>>) src(%dma_wait3A_217 : memref<10000x128xf32, #tpu.memory_space<hbm>>) dst(%arg15 : memref<80x128xf32, #tpu.memory_space<vmem>>)
      %dma_start3A_218 = arith.constant 0 : i32
      %dma_start3A_219 = arith.constant 0 : i32
      %dma_start3A_220 = tpu.memref_slice %arg17[%dma_start3A_218, %dma_start3A_219] : memref<10240x128xf32, #tpu.memory_space<vmem_shared>> -> memref<10240x128xf32, #tpu.memory_space<vmem_shared>>
      tpu.enqueue_indirect_dma source(%arg15 : memref<80x128xf32, #tpu.memory_space<vmem>>) target(%dma_start3A_220 : memref<10240x128xf32, #tpu.memory_space<vmem_shared>>) offsets(%arg11 : memref<80xi32, #tpu.memory_space<vmem>>) semaphore(%arg32 : memref<!tpu.dma_semaphore, #tpu.memory_space<semaphore_mem>>) {add = true}
      %add3A_221 = arith.constant 0 : i32
      %add3A_222 = arith.addi %add3A_221, %mul3A_39 : i32
      %mul3A_223 = arith.constant 80 : i32
      %mul3A_224 = arith.muli %min3A_210, %mul3A_223 : i32
      %add3A_225 = arith.addi %add3A_222, %mul3A_224 : i32
      %dma_start3A_226 = tpu.memref_slice %arg3[%add3A_225] : memref<640000xi32, #tpu.memory_space<hbm>> -> memref<80xi32, #tpu.memory_space<hbm>>
      %dma_start3A_227 = tpu.memref_slice %arg3[%add3A_225] : memref<640000xi32, #tpu.memory_space<hbm>> -> memref<80xi32, #tpu.memory_space<hbm>>
      tpu.enqueue_dma source(%dma_start3A_227 : memref<80xi32, #tpu.memory_space<hbm>>) target(%arg7 : memref<80xi32, #tpu.memory_space<vmem>>) target_semaphore(%arg20 : memref<!tpu.dma_semaphore, #tpu.memory_space<semaphore_mem>>)
      %mul3A_228 = arith.constant 4 : i32
      %mul3A_229 = arith.muli %mul3A_228, %scan3A_153 : i32
      %add3A_230 = arith.constant 4 : i32
      %add3A_231 = arith.addi %mul3A_229, %add3A_230 : i32
      %add3A_232 = arith.constant 3 : i32
      %add3A_233 = arith.addi %add3A_231, %add3A_232 : i32
      %min3A_234 = arith.constant 124 : i32
      %min3A_235 = arith.minsi %add3A_233, %min3A_234 : i32
      %dma_wait3A_236 = arith.constant 0 : i32
      %dma_wait3A_237 = tpu.memref_slice %arg3[%dma_wait3A_236] : memref<640000xi32, #tpu.memory_space<hbm>> -> memref<80xi32, #tpu.memory_space<hbm>>
      %dma_wait3A_238 = arith.constant 0 : i32
      %dma_wait3A_239 = tpu.memref_slice %arg3[%dma_wait3A_238] : memref<640000xi32, #tpu.memory_space<hbm>> -> memref<80xi32, #tpu.memory_space<hbm>>
      tpu.wait_dma2 semaphore(%arg25 : memref<!tpu.dma_semaphore, #tpu.memory_space<semaphore_mem>>) src(%dma_wait3A_239 : memref<80xi32, #tpu.memory_space<hbm>>) dst(%arg12 : memref<80xi32, #tpu.memory_space<vmem>>)
      %dma_wait3A_240 = arith.constant 0 : i32
      %dma_wait3A_241 = arith.constant 0 : i32
      %dma_wait3A_242 = tpu.memref_slice %arg2[%dma_wait3A_240, %dma_wait3A_241] : memref<10000x128xf32, #tpu.memory_space<hbm>> -> memref<10000x128xf32, #tpu.memory_space<hbm>>
      tpu.wait_indirect_dma semaphore(%arg29 : memref<!tpu.dma_semaphore, #tpu.memory_space<semaphore_mem>>) src(%dma_wait3A_242 : memref<10000x128xf32, #tpu.memory_space<hbm>>) dst(%arg16 : memref<80x128xf32, #tpu.memory_space<vmem>>)
      %dma_start3A_243 = arith.constant 0 : i32
      %dma_start3A_244 = arith.constant 0 : i32
      %dma_start3A_245 = tpu.memref_slice %arg17[%dma_start3A_243, %dma_start3A_244] : memref<10240x128xf32, #tpu.memory_space<vmem_shared>> -> memref<10240x128xf32, #tpu.memory_space<vmem_shared>>
      tpu.enqueue_indirect_dma source(%arg16 : memref<80x128xf32, #tpu.memory_space<vmem>>) target(%dma_start3A_245 : memref<10240x128xf32, #tpu.memory_space<vmem_shared>>) offsets(%arg12 : memref<80xi32, #tpu.memory_space<vmem>>) semaphore(%arg33 : memref<!tpu.dma_semaphore, #tpu.memory_space<semaphore_mem>>) {add = true}
      %add3A_246 = arith.constant 0 : i32
      %add3A_247 = arith.addi %add3A_246, %mul3A_39 : i32
      %mul3A_248 = arith.constant 80 : i32
      %mul3A_249 = arith.muli %min3A_235, %mul3A_248 : i32
      %add3A_250 = arith.addi %add3A_247, %mul3A_249 : i32
      %dma_start3A_251 = tpu.memref_slice %arg3[%add3A_250] : memref<640000xi32, #tpu.memory_space<hbm>> -> memref<80xi32, #tpu.memory_space<hbm>>
      %dma_start3A_252 = tpu.memref_slice %arg3[%add3A_250] : memref<640000xi32, #tpu.memory_space<hbm>> -> memref<80xi32, #tpu.memory_space<hbm>>
      tpu.enqueue_dma source(%dma_start3A_252 : memref<80xi32, #tpu.memory_space<hbm>>) target(%arg8 : memref<80xi32, #tpu.memory_space<vmem>>) target_semaphore(%arg21 : memref<!tpu.dma_semaphore, #tpu.memory_space<semaphore_mem>>)
      %mul3A_253 = arith.constant 4 : i32
      %mul3A_254 = arith.muli %mul3A_253, %scan3A_153 : i32
      %add3A_255 = arith.constant 4 : i32
      %add3A_256 = arith.addi %mul3A_254, %add3A_255 : i32
      %add3A_257 = arith.constant 0 : i32
      %add3A_258 = arith.addi %add3A_256, %add3A_257 : i32
      %min3A_259 = arith.constant 124 : i32
      %min3A_260 = arith.minsi %add3A_258, %min3A_259 : i32
      %dma_wait3A_261 = arith.constant 0 : i32
      %dma_wait3A_262 = arith.constant 0 : i32
      %dma_wait3A_263 = tpu.memref_slice %arg17[%dma_wait3A_261, %dma_wait3A_262] : memref<10240x128xf32, #tpu.memory_space<vmem_shared>> -> memref<10240x128xf32, #tpu.memory_space<vmem_shared>>
      tpu.wait_indirect_dma semaphore(%arg30 : memref<!tpu.dma_semaphore, #tpu.memory_space<semaphore_mem>>) src(%arg13 : memref<80x128xf32, #tpu.memory_space<vmem>>) dst(%dma_wait3A_263 : memref<10240x128xf32, #tpu.memory_space<vmem_shared>>)
      %add3A_264 = arith.constant 320000 : i32
      %add3A_265 = arith.addi %add3A_264, %mul3A_39 : i32
      %mul3A_266 = arith.constant 80 : i32
      %mul3A_267 = arith.muli %min3A_260, %mul3A_266 : i32
      %add3A_268 = arith.addi %add3A_265, %mul3A_267 : i32
      %dma_start3A_269 = tpu.memref_slice %arg3[%add3A_268] : memref<640000xi32, #tpu.memory_space<hbm>> -> memref<80xi32, #tpu.memory_space<hbm>>
      %dma_start3A_270 = tpu.memref_slice %arg3[%add3A_268] : memref<640000xi32, #tpu.memory_space<hbm>> -> memref<80xi32, #tpu.memory_space<hbm>>
      tpu.enqueue_dma source(%dma_start3A_270 : memref<80xi32, #tpu.memory_space<hbm>>) target(%arg9 : memref<80xi32, #tpu.memory_space<vmem>>) target_semaphore(%arg22 : memref<!tpu.dma_semaphore, #tpu.memory_space<semaphore_mem>>)
      %dma_wait3A_271 = arith.constant 0 : i32
      %dma_wait3A_272 = tpu.memref_slice %arg3[%dma_wait3A_271] : memref<640000xi32, #tpu.memory_space<hbm>> -> memref<80xi32, #tpu.memory_space<hbm>>
      %dma_wait3A_273 = arith.constant 0 : i32
      %dma_wait3A_274 = tpu.memref_slice %arg3[%dma_wait3A_273] : memref<640000xi32, #tpu.memory_space<hbm>> -> memref<80xi32, #tpu.memory_space<hbm>>
      tpu.wait_dma2 semaphore(%arg18 : memref<!tpu.dma_semaphore, #tpu.memory_space<semaphore_mem>>) src(%dma_wait3A_274 : memref<80xi32, #tpu.memory_space<hbm>>) dst(%arg5 : memref<80xi32, #tpu.memory_space<vmem>>)
      %dma_start3A_275 = arith.constant 0 : i32
      %dma_start3A_276 = arith.constant 0 : i32
      %dma_start3A_277 = tpu.memref_slice %arg2[%dma_start3A_275, %dma_start3A_276] : memref<10000x128xf32, #tpu.memory_space<hbm>> -> memref<10000x128xf32, #tpu.memory_space<hbm>>
      tpu.enqueue_indirect_dma source(%dma_start3A_277 : memref<10000x128xf32, #tpu.memory_space<hbm>>) target(%arg13 : memref<80x128xf32, #tpu.memory_space<vmem>>) offsets(%arg5 : memref<80xi32, #tpu.memory_space<vmem>>) semaphore(%arg26 : memref<!tpu.dma_semaphore, #tpu.memory_space<semaphore_mem>>)
      %mul3A_278 = arith.constant 4 : i32
      %mul3A_279 = arith.muli %mul3A_278, %scan3A_153 : i32
      %add3A_280 = arith.constant 4 : i32
      %add3A_281 = arith.addi %mul3A_279, %add3A_280 : i32
      %add3A_282 = arith.constant 1 : i32
      %add3A_283 = arith.addi %add3A_281, %add3A_282 : i32
      %min3A_284 = arith.constant 124 : i32
      %min3A_285 = arith.minsi %add3A_283, %min3A_284 : i32
      %dma_wait3A_286 = arith.constant 0 : i32
      %dma_wait3A_287 = arith.constant 0 : i32
      %dma_wait3A_288 = tpu.memref_slice %arg17[%dma_wait3A_286, %dma_wait3A_287] : memref<10240x128xf32, #tpu.memory_space<vmem_shared>> -> memref<10240x128xf32, #tpu.memory_space<vmem_shared>>
      tpu.wait_indirect_dma semaphore(%arg31 : memref<!tpu.dma_semaphore, #tpu.memory_space<semaphore_mem>>) src(%arg14 : memref<80x128xf32, #tpu.memory_space<vmem>>) dst(%dma_wait3A_288 : memref<10240x128xf32, #tpu.memory_space<vmem_shared>>)
      %add3A_289 = arith.constant 320000 : i32
      %add3A_290 = arith.addi %add3A_289, %mul3A_39 : i32
      %mul3A_291 = arith.constant 80 : i32
      %mul3A_292 = arith.muli %min3A_285, %mul3A_291 : i32
      %add3A_293 = arith.addi %add3A_290, %mul3A_292 : i32
      %dma_start3A_294 = tpu.memref_slice %arg3[%add3A_293] : memref<640000xi32, #tpu.memory_space<hbm>> -> memref<80xi32, #tpu.memory_space<hbm>>
      %dma_start3A_295 = tpu.memref_slice %arg3[%add3A_293] : memref<640000xi32, #tpu.memory_space<hbm>> -> memref<80xi32, #tpu.memory_space<hbm>>
      tpu.enqueue_dma source(%dma_start3A_295 : memref<80xi32, #tpu.memory_space<hbm>>) target(%arg10 : memref<80xi32, #tpu.memory_space<vmem>>) target_semaphore(%arg23 : memref<!tpu.dma_semaphore, #tpu.memory_space<semaphore_mem>>)
      %dma_wait3A_296 = arith.constant 0 : i32
      %dma_wait3A_297 = tpu.memref_slice %arg3[%dma_wait3A_296] : memref<640000xi32, #tpu.memory_space<hbm>> -> memref<80xi32, #tpu.memory_space<hbm>>
      %dma_wait3A_298 = arith.constant 0 : i32
      %dma_wait3A_299 = tpu.memref_slice %arg3[%dma_wait3A_298] : memref<640000xi32, #tpu.memory_space<hbm>> -> memref<80xi32, #tpu.memory_space<hbm>>
      tpu.wait_dma2 semaphore(%arg19 : memref<!tpu.dma_semaphore, #tpu.memory_space<semaphore_mem>>) src(%dma_wait3A_299 : memref<80xi32, #tpu.memory_space<hbm>>) dst(%arg6 : memref<80xi32, #tpu.memory_space<vmem>>)
      %dma_start3A_300 = arith.constant 0 : i32
      %dma_start3A_301 = arith.constant 0 : i32
      %dma_start3A_302 = tpu.memref_slice %arg2[%dma_start3A_300, %dma_start3A_301] : memref<10000x128xf32, #tpu.memory_space<hbm>> -> memref<10000x128xf32, #tpu.memory_space<hbm>>
      tpu.enqueue_indirect_dma source(%dma_start3A_302 : memref<10000x128xf32, #tpu.memory_space<hbm>>) target(%arg14 : memref<80x128xf32, #tpu.memory_space<vmem>>) offsets(%arg6 : memref<80xi32, #tpu.memory_space<vmem>>) semaphore(%arg27 : memref<!tpu.dma_semaphore, #tpu.memory_space<semaphore_mem>>)
      %mul3A_303 = arith.constant 4 : i32
      %mul3A_304 = arith.muli %mul3A_303, %scan3A_153 : i32
      %add3A_305 = arith.constant 4 : i32
      %add3A_306 = arith.addi %mul3A_304, %add3A_305 : i32
      %add3A_307 = arith.constant 2 : i32
      %add3A_308 = arith.addi %add3A_306, %add3A_307 : i32
      %min3A_309 = arith.constant 124 : i32
      %min3A_310 = arith.minsi %add3A_308, %min3A_309 : i32
      %dma_wait3A_311 = arith.constant 0 : i32
      %dma_wait3A_312 = arith.constant 0 : i32
      %dma_wait3A_313 = tpu.memref_slice %arg17[%dma_wait3A_311, %dma_wait3A_312] : memref<10240x128xf32, #tpu.memory_space<vmem_shared>> -> memref<10240x128xf32, #tpu.memory_space<vmem_shared>>
      tpu.wait_indirect_dma semaphore(%arg32 : memref<!tpu.dma_semaphore, #tpu.memory_space<semaphore_mem>>) src(%arg15 : memref<80x128xf32, #tpu.memory_space<vmem>>) dst(%dma_wait3A_313 : memref<10240x128xf32, #tpu.memory_space<vmem_shared>>)
      %add3A_314 = arith.constant 320000 : i32
      %add3A_315 = arith.addi %add3A_314, %mul3A_39 : i32
      %mul3A_316 = arith.constant 80 : i32
      %mul3A_317 = arith.muli %min3A_310, %mul3A_316 : i32
      %add3A_318 = arith.addi %add3A_315, %mul3A_317 : i32
      %dma_start3A_319 = tpu.memref_slice %arg3[%add3A_318] : memref<640000xi32, #tpu.memory_space<hbm>> -> memref<80xi32, #tpu.memory_space<hbm>>
      %dma_start3A_320 = tpu.memref_slice %arg3[%add3A_318] : memref<640000xi32, #tpu.memory_space<hbm>> -> memref<80xi32, #tpu.memory_space<hbm>>
      tpu.enqueue_dma source(%dma_start3A_320 : memref<80xi32, #tpu.memory_space<hbm>>) target(%arg11 : memref<80xi32, #tpu.memory_space<vmem>>) target_semaphore(%arg24 : memref<!tpu.dma_semaphore, #tpu.memory_space<semaphore_mem>>)
      %dma_wait3A_321 = arith.constant 0 : i32
      %dma_wait3A_322 = tpu.memref_slice %arg3[%dma_wait3A_321] : memref<640000xi32, #tpu.memory_space<hbm>> -> memref<80xi32, #tpu.memory_space<hbm>>
      %dma_wait3A_323 = arith.constant 0 : i32
      %dma_wait3A_324 = tpu.memref_slice %arg3[%dma_wait3A_323] : memref<640000xi32, #tpu.memory_space<hbm>> -> memref<80xi32, #tpu.memory_space<hbm>>
      tpu.wait_dma2 semaphore(%arg20 : memref<!tpu.dma_semaphore, #tpu.memory_space<semaphore_mem>>) src(%dma_wait3A_324 : memref<80xi32, #tpu.memory_space<hbm>>) dst(%arg7 : memref<80xi32, #tpu.memory_space<vmem>>)
      %dma_start3A_325 = arith.constant 0 : i32
      %dma_start3A_326 = arith.constant 0 : i32
      %dma_start3A_327 = tpu.memref_slice %arg2[%dma_start3A_325, %dma_start3A_326] : memref<10000x128xf32, #tpu.memory_space<hbm>> -> memref<10000x128xf32, #tpu.memory_space<hbm>>
      tpu.enqueue_indirect_dma source(%dma_start3A_327 : memref<10000x128xf32, #tpu.memory_space<hbm>>) target(%arg15 : memref<80x128xf32, #tpu.memory_space<vmem>>) offsets(%arg7 : memref<80xi32, #tpu.memory_space<vmem>>) semaphore(%arg28 : memref<!tpu.dma_semaphore, #tpu.memory_space<semaphore_mem>>)
      %mul3A_328 = arith.constant 4 : i32
      %mul3A_329 = arith.muli %mul3A_328, %scan3A_153 : i32
      %add3A_330 = arith.constant 4 : i32
      %add3A_331 = arith.addi %mul3A_329, %add3A_330 : i32
      %add3A_332 = arith.constant 3 : i32
      %add3A_333 = arith.addi %add3A_331, %add3A_332 : i32
      %min3A_334 = arith.constant 124 : i32
      %min3A_335 = arith.minsi %add3A_333, %min3A_334 : i32
      %dma_wait3A_336 = arith.constant 0 : i32
      %dma_wait3A_337 = arith.constant 0 : i32
      %dma_wait3A_338 = tpu.memref_slice %arg17[%dma_wait3A_336, %dma_wait3A_337] : memref<10240x128xf32, #tpu.memory_space<vmem_shared>> -> memref<10240x128xf32, #tpu.memory_space<vmem_shared>>
      tpu.wait_indirect_dma semaphore(%arg33 : memref<!tpu.dma_semaphore, #tpu.memory_space<semaphore_mem>>) src(%arg16 : memref<80x128xf32, #tpu.memory_space<vmem>>) dst(%dma_wait3A_338 : memref<10240x128xf32, #tpu.memory_space<vmem_shared>>)
      %add3A_339 = arith.constant 320000 : i32
      %add3A_340 = arith.addi %add3A_339, %mul3A_39 : i32
      %mul3A_341 = arith.constant 80 : i32
      %mul3A_342 = arith.muli %min3A_335, %mul3A_341 : i32
      %add3A_343 = arith.addi %add3A_340, %mul3A_342 : i32
      %dma_start3A_344 = tpu.memref_slice %arg3[%add3A_343] : memref<640000xi32, #tpu.memory_space<hbm>> -> memref<80xi32, #tpu.memory_space<hbm>>
      %dma_start3A_345 = tpu.memref_slice %arg3[%add3A_343] : memref<640000xi32, #tpu.memory_space<hbm>> -> memref<80xi32, #tpu.memory_space<hbm>>
      tpu.enqueue_dma source(%dma_start3A_345 : memref<80xi32, #tpu.memory_space<hbm>>) target(%arg12 : memref<80xi32, #tpu.memory_space<vmem>>) target_semaphore(%arg25 : memref<!tpu.dma_semaphore, #tpu.memory_space<semaphore_mem>>)
      %dma_wait3A_346 = arith.constant 0 : i32
      %dma_wait3A_347 = tpu.memref_slice %arg3[%dma_wait3A_346] : memref<640000xi32, #tpu.memory_space<hbm>> -> memref<80xi32, #tpu.memory_space<hbm>>
      %dma_wait3A_348 = arith.constant 0 : i32
      %dma_wait3A_349 = tpu.memref_slice %arg3[%dma_wait3A_348] : memref<640000xi32, #tpu.memory_space<hbm>> -> memref<80xi32, #tpu.memory_space<hbm>>
      tpu.wait_dma2 semaphore(%arg21 : memref<!tpu.dma_semaphore, #tpu.memory_space<semaphore_mem>>) src(%dma_wait3A_349 : memref<80xi32, #tpu.memory_space<hbm>>) dst(%arg8 : memref<80xi32, #tpu.memory_space<vmem>>)
      %dma_start3A_350 = arith.constant 0 : i32
      %dma_start3A_351 = arith.constant 0 : i32
      %dma_start3A_352 = tpu.memref_slice %arg2[%dma_start3A_350, %dma_start3A_351] : memref<10000x128xf32, #tpu.memory_space<hbm>> -> memref<10000x128xf32, #tpu.memory_space<hbm>>
      tpu.enqueue_indirect_dma source(%dma_start3A_352 : memref<10000x128xf32, #tpu.memory_space<hbm>>) target(%arg16 : memref<80x128xf32, #tpu.memory_space<vmem>>) offsets(%arg8 : memref<80xi32, #tpu.memory_space<vmem>>) semaphore(%arg29 : memref<!tpu.dma_semaphore, #tpu.memory_space<semaphore_mem>>)
    }
    %scan3A_119 = arith.constant 31 : i32
    %dma_wait3A_120 = arith.constant 0 : i32
    %dma_wait3A_121 = tpu.memref_slice %arg3[%dma_wait3A_120] : memref<640000xi32, #tpu.memory_space<hbm>> -> memref<80xi32, #tpu.memory_space<hbm>>
    %dma_wait3A_122 = arith.constant 0 : i32
    %dma_wait3A_123 = tpu.memref_slice %arg3[%dma_wait3A_122] : memref<640000xi32, #tpu.memory_space<hbm>> -> memref<80xi32, #tpu.memory_space<hbm>>
    tpu.wait_dma2 semaphore(%arg22 : memref<!tpu.dma_semaphore, #tpu.memory_space<semaphore_mem>>) src(%dma_wait3A_123 : memref<80xi32, #tpu.memory_space<hbm>>) dst(%arg9 : memref<80xi32, #tpu.memory_space<vmem>>)
    %dma_wait3A_124 = arith.constant 0 : i32
    %dma_wait3A_125 = arith.constant 0 : i32
    %dma_wait3A_126 = tpu.memref_slice %arg2[%dma_wait3A_124, %dma_wait3A_125] : memref<10000x128xf32, #tpu.memory_space<hbm>> -> memref<10000x128xf32, #tpu.memory_space<hbm>>
    tpu.wait_indirect_dma semaphore(%arg26 : memref<!tpu.dma_semaphore, #tpu.memory_space<semaphore_mem>>) src(%dma_wait3A_126 : memref<10000x128xf32, #tpu.memory_space<hbm>>) dst(%arg13 : memref<80x128xf32, #tpu.memory_space<vmem>>)
    "tpu.region"() ({
      %run_scoped3A = tpu.sem_alloc : memref<!tpu.dma_semaphore, #tpu.memory_space<semaphore_mem>>
      %dma_start3A_153 = arith.constant 0 : i32
      %dma_start3A_154 = arith.constant 0 : i32
      %dma_start3A_155 = tpu.memref_slice %arg17[%dma_start3A_153, %dma_start3A_154] : memref<10240x128xf32, #tpu.memory_space<vmem_shared>> -> memref<10240x128xf32, #tpu.memory_space<vmem_shared>>
      tpu.enqueue_indirect_dma source(%arg13 : memref<80x128xf32, #tpu.memory_space<vmem>>) target(%dma_start3A_155 : memref<10240x128xf32, #tpu.memory_space<vmem_shared>>) offsets(%arg9 : memref<80xi32, #tpu.memory_space<vmem>>) semaphore(%run_scoped3A : memref<!tpu.dma_semaphore, #tpu.memory_space<semaphore_mem>>) {add = true}
      %dma_wait3A_156 = arith.constant 0 : i32
      %dma_wait3A_157 = arith.constant 0 : i32
      %dma_wait3A_158 = tpu.memref_slice %arg17[%dma_wait3A_156, %dma_wait3A_157] : memref<10240x128xf32, #tpu.memory_space<vmem_shared>> -> memref<10240x128xf32, #tpu.memory_space<vmem_shared>>
      tpu.wait_indirect_dma semaphore(%run_scoped3A : memref<!tpu.dma_semaphore, #tpu.memory_space<semaphore_mem>>) src(%arg13 : memref<80x128xf32, #tpu.memory_space<vmem>>) dst(%dma_wait3A_158 : memref<10240x128xf32, #tpu.memory_space<vmem_shared>>)
      tpu.yield
    }) : () -> ()
    %dma_wait3A_127 = arith.constant 0 : i32
    %dma_wait3A_128 = tpu.memref_slice %arg3[%dma_wait3A_127] : memref<640000xi32, #tpu.memory_space<hbm>> -> memref<80xi32, #tpu.memory_space<hbm>>
    %dma_wait3A_129 = arith.constant 0 : i32
    %dma_wait3A_130 = tpu.memref_slice %arg3[%dma_wait3A_129] : memref<640000xi32, #tpu.memory_space<hbm>> -> memref<80xi32, #tpu.memory_space<hbm>>
    tpu.wait_dma2 semaphore(%arg23 : memref<!tpu.dma_semaphore, #tpu.memory_space<semaphore_mem>>) src(%dma_wait3A_130 : memref<80xi32, #tpu.memory_space<hbm>>) dst(%arg10 : memref<80xi32, #tpu.memory_space<vmem>>)
    %dma_wait3A_131 = arith.constant 0 : i32
    %dma_wait3A_132 = arith.constant 0 : i32
    %dma_wait3A_133 = tpu.memref_slice %arg2[%dma_wait3A_131, %dma_wait3A_132] : memref<10000x128xf32, #tpu.memory_space<hbm>> -> memref<10000x128xf32, #tpu.memory_space<hbm>>
    tpu.wait_indirect_dma semaphore(%arg27 : memref<!tpu.dma_semaphore, #tpu.memory_space<semaphore_mem>>) src(%dma_wait3A_133 : memref<10000x128xf32, #tpu.memory_space<hbm>>) dst(%arg14 : memref<80x128xf32, #tpu.memory_space<vmem>>)
    %dma_wait3A_134 = arith.constant 0 : i32
    %dma_wait3A_135 = tpu.memref_slice %arg3[%dma_wait3A_134] : memref<640000xi32, #tpu.memory_space<hbm>> -> memref<80xi32, #tpu.memory_space<hbm>>
    %dma_wait3A_136 = arith.constant 0 : i32
    %dma_wait3A_137 = tpu.memref_slice %arg3[%dma_wait3A_136] : memref<640000xi32, #tpu.memory_space<hbm>> -> memref<80xi32, #tpu.memory_space<hbm>>
    tpu.wait_dma2 semaphore(%arg24 : memref<!tpu.dma_semaphore, #tpu.memory_space<semaphore_mem>>) src(%dma_wait3A_137 : memref<80xi32, #tpu.memory_space<hbm>>) dst(%arg11 : memref<80xi32, #tpu.memory_space<vmem>>)
    %dma_wait3A_138 = arith.constant 0 : i32
    %dma_wait3A_139 = arith.constant 0 : i32
    %dma_wait3A_140 = tpu.memref_slice %arg2[%dma_wait3A_138, %dma_wait3A_139] : memref<10000x128xf32, #tpu.memory_space<hbm>> -> memref<10000x128xf32, #tpu.memory_space<hbm>>
    tpu.wait_indirect_dma semaphore(%arg28 : memref<!tpu.dma_semaphore, #tpu.memory_space<semaphore_mem>>) src(%dma_wait3A_140 : memref<10000x128xf32, #tpu.memory_space<hbm>>) dst(%arg15 : memref<80x128xf32, #tpu.memory_space<vmem>>)
    %dma_wait3A_141 = arith.constant 0 : i32
    %dma_wait3A_142 = tpu.memref_slice %arg3[%dma_wait3A_141] : memref<640000xi32, #tpu.memory_space<hbm>> -> memref<80xi32, #tpu.memory_space<hbm>>
    %dma_wait3A_143 = arith.constant 0 : i32
    %dma_wait3A_144 = tpu.memref_slice %arg3[%dma_wait3A_143] : memref<640000xi32, #tpu.memory_space<hbm>> -> memref<80xi32, #tpu.memory_space<hbm>>
    tpu.wait_dma2 semaphore(%arg25 : memref<!tpu.dma_semaphore, #tpu.memory_space<semaphore_mem>>) src(%dma_wait3A_144 : memref<80xi32, #tpu.memory_space<hbm>>) dst(%arg12 : memref<80xi32, #tpu.memory_space<vmem>>)
    %dma_wait3A_145 = arith.constant 0 : i32
    %dma_wait3A_146 = arith.constant 0 : i32
    %dma_wait3A_147 = tpu.memref_slice %arg2[%dma_wait3A_145, %dma_wait3A_146] : memref<10000x128xf32, #tpu.memory_space<hbm>> -> memref<10000x128xf32, #tpu.memory_space<hbm>>
    tpu.wait_indirect_dma semaphore(%arg29 : memref<!tpu.dma_semaphore, #tpu.memory_space<semaphore_mem>>) src(%dma_wait3A_147 : memref<10000x128xf32, #tpu.memory_space<hbm>>) dst(%arg16 : memref<80x128xf32, #tpu.memory_space<vmem>>)
    %barrier3A_148 = arith.constant 0 : index
    tpu.barrier barrier_id(%barrier3A_148)
    %mul3A_149 = arith.constant 640 : i32
    %mul3A_150 = arith.muli %arg1, %mul3A_149 : i32
    %mul3A_151 = arith.constant 640 : i32
    %mul3A_152 = arith.muli %arg1, %mul3A_151 : i32
    "tpu.region"() ({
      %run_scoped3A = tpu.sem_alloc : memref<!tpu.dma_semaphore, #tpu.memory_space<semaphore_mem>>
      %dma_start3A_153 = arith.constant 0 : i32
      %dma_start3A_154 = tpu.memref_slice %arg4[%arg0, %mul3A_152, %dma_start3A_153] : memref<2x10240x128xf32, #tpu.memory_space<hbm>> -> memref<1x640x128xf32, #tpu.memory_space<hbm>>
      %dma_start3A_155 = tpu.memref_squeeze %dma_start3A_154 : memref<1x640x128xf32, #tpu.memory_space<hbm>> -> memref<640x128xf32, #tpu.memory_space<hbm>>
      %dma_start3A_156 = arith.constant 0 : i32
      %dma_start3A_157 = tpu.memref_slice %arg17[%mul3A_150, %dma_start3A_156] : memref<10240x128xf32, #tpu.memory_space<vmem_shared>> -> memref<640x128xf32, #tpu.memory_space<vmem_shared>>
      tpu.enqueue_dma source(%dma_start3A_157 : memref<640x128xf32, #tpu.memory_space<vmem_shared>>) target(%dma_start3A_155 : memref<640x128xf32, #tpu.memory_space<hbm>>) target_semaphore(%run_scoped3A : memref<!tpu.dma_semaphore, #tpu.memory_space<semaphore_mem>>)
      %dma_wait3A_158 = arith.constant 0 : i32
      %dma_wait3A_159 = tpu.memref_slice %arg4[%arg0, %mul3A_152, %dma_wait3A_158] : memref<2x10240x128xf32, #tpu.memory_space<hbm>> -> memref<1x640x128xf32, #tpu.memory_space<hbm>>
      %dma_wait3A_160 = tpu.memref_squeeze %dma_wait3A_159 : memref<1x640x128xf32, #tpu.memory_space<hbm>> -> memref<640x128xf32, #tpu.memory_space<hbm>>
      %dma_wait3A_161 = arith.constant 0 : i32
      %dma_wait3A_162 = tpu.memref_slice %arg17[%mul3A_150, %dma_wait3A_161] : memref<10240x128xf32, #tpu.memory_space<vmem_shared>> -> memref<640x128xf32, #tpu.memory_space<vmem_shared>>
      tpu.wait_dma2 semaphore(%run_scoped3A : memref<!tpu.dma_semaphore, #tpu.memory_space<semaphore_mem>>) src(%dma_wait3A_162 : memref<640x128xf32, #tpu.memory_space<vmem_shared>>) dst(%dma_wait3A_160 : memref<640x128xf32, #tpu.memory_space<hbm>>)
      tpu.yield
    }) : () -> ()
    return
  }
}

module attributes {stable_mosaic.version = 14 : i64} {
  func.func @_tc1a_body(%arg0: i32, %arg1: memref<1000x128xf32, #tpu.memory_space<vmem>>, %arg2: memref<128x128xf32, #tpu.memory_space<vmem>>, %arg3: memref<1000x128xf32, #tpu.memory_space<vmem>>) attributes {dimension_semantics = [#tpu.dimension_semantics<arbitrary>], iteration_bounds = array<i64: 10>, scalar_prefetch = 0 : i64, scratch_operands = 0 : i64, tpu.core_type = #tpu.core_type<tc>, window_params = [{transform_indices = @transform_0, window_bounds = array<i64: 1000, 128>}, {pipeline_mode = #tpu.pipeline_mode<synchronous>, transform_indices = @transform_1, window_bounds = array<i64: 128, 128>}, {transform_indices = @transform_2, window_bounds = array<i64: 1000, 128>}]} {
    %get3A = arith.constant 0 : index
    %get3A_0 = arith.constant 0 : index
    %get3A_1 = vector.load %arg1[%get3A, %get3A_0] : memref<1000x128xf32, #tpu.memory_space<vmem>>, vector<1000x128xf32>
    %get3A_2 = arith.constant 0 : index
    %get3A_3 = arith.constant 0 : index
    %get3A_4 = vector.load %arg2[%get3A_2, %get3A_3] : memref<128x128xf32, #tpu.memory_space<vmem>>, vector<128x128xf32>
    %dot_general3A = arith.constant dense<0.000000e+00> : vector<1000x128xf32>
    %dot_general3A_5 = tpu.matmul %get3A_1, %get3A_4, %dot_general3A {dimension_numbers = #tpu.dot_dimension_numbers<[1], [0], [0], [1], [0, 0, 1, 1], [], []>, transpose_lhs_hint = false} : vector<1000x128xf32>, vector<128x128xf32>, vector<1000x128xf32> -> vector<1000x128xf32>
    %swap3A = arith.constant 0 : index
    %swap3A_6 = arith.constant 0 : index
    %swap3A_7 = vector.load %arg3[%swap3A, %swap3A_6] : memref<1000x128xf32, #tpu.memory_space<vmem>>, vector<1000x128xf32>
    tpu.vector_store %arg3[%swap3A, %swap3A_6], %dot_general3A_5 {strides = array<i32>} : memref<1000x128xf32, #tpu.memory_space<vmem>>, vector<1000x128xf32>,
    return
  }
  func.func @transform_0(%arg0: i32) -> (i32, i32) {
    %c0_i32 = arith.constant 0 : i32
    %c0_i32_0 = arith.constant 0 : i32
    return %arg0, %c0_i32 : i32, i32
  }
  func.func @transform_1(%arg0: i32) -> (i32, i32) {
    %c0_i32 = arith.constant 0 : i32
    %c0_i32_0 = arith.constant 0 : i32
    %c0_i32_1 = arith.constant 0 : i32
    return %c0_i32, %c0_i32_0 : i32, i32
  }
  func.func @transform_2(%arg0: i32) -> (i32, i32) {
    %c0_i32 = arith.constant 0 : i32
    %c0_i32_0 = arith.constant 0 : i32
    return %arg0, %c0_i32 : i32, i32
  }
}

module attributes {stable_mosaic.version = 14 : i64} {
  func.func @_tc1b_body(%arg0: i32, %arg1: memref<1024x128xf32, #tpu.memory_space<vmem>>, %arg2: memref<2x8x128xf32, #tpu.memory_space<vmem>>, %arg3: memref<1024x128xf32, #tpu.memory_space<vmem>>) attributes {dimension_semantics = [#tpu.dimension_semantics<arbitrary>], iteration_bounds = array<i64: 10>, scalar_prefetch = 0 : i64, scratch_operands = 0 : i64, tpu.core_type = #tpu.core_type<tc>, window_params = [{transform_indices = @transform_0, window_bounds = array<i64: 1024, 128>}, {transform_indices = @transform_1, window_bounds = array<i64: 2, 8, 128>}, {transform_indices = @transform_2, window_bounds = array<i64: 1024, 128>}]} {
    %get3A = arith.constant 0 : index
    %get3A_0 = arith.constant 0 : index
    %get3A_1 = vector.load %arg1[%get3A, %get3A_0] : memref<1024x128xf32, #tpu.memory_space<vmem>>, vector<1024x128xf32>
    %get3A_2 = arith.constant 0 : index
    %get3A_3 = arith.constant 0 : index
    %get3A_4 = arith.constant 0 : index
    %get3A_5 = vector.load %arg2[%get3A_2, %get3A_3, %get3A_4] : memref<2x8x128xf32, #tpu.memory_space<vmem>>, vector<2x8x128xf32>
    %slice3A = vector.extract_strided_slice %get3A_5 {offsets = [0, 0, 0], sizes = [1, 8, 128], strides = [1, 1, 1]} : vector<2x8x128xf32> to vector<1x8x128xf32>
    %squeeze3A = vector.shape_cast %slice3A : vector<1x8x128xf32> to vector<8x128xf32>
    %slice3A_6 = vector.extract_strided_slice %get3A_5 {offsets = [1, 0, 0], sizes = [1, 8, 128], strides = [1, 1, 1]} : vector<2x8x128xf32> to vector<1x8x128xf32>
    %squeeze3A_7 = vector.shape_cast %slice3A_6 : vector<1x8x128xf32> to vector<8x128xf32>
    %add3A = arith.addf %squeeze3A, %squeeze3A_7 : vector<8x128xf32>
    %add3A_8 = arith.constant 1.000000e+00 : f32
    %add3A_9 = vector.broadcast %add3A_8 : f32 to vector<8x128xf32>
    %add3A_10 = arith.addf %add3A, %add3A_9 : vector<8x128xf32>
    %rsqrt3A = math.rsqrt %add3A_10 : vector<8x128xf32>
    %iota3A = tpu.iota {dimensions = array<i32: 0>} : vector<128x128xi32>
    %iota3A_11 = tpu.iota {dimensions = array<i32: 1>} : vector<128x128xi32>
    %eq3A = arith.cmpi eq, %iota3A, %iota3A_11 : vector<128x128xi32>
    %slice3A_12 = vector.extract_strided_slice %rsqrt3A {offsets = [0, 0], sizes = [1, 128], strides = [1, 1]} : vector<8x128xf32> to vector<1x128xf32>
    %broadcast_in_dim3A = vector.shape_cast %slice3A_12 : vector<1x128xf32> to vector<1x128xf32>
    %broadcast_in_dim3A_13 = vector.broadcast %broadcast_in_dim3A : vector<1x128xf32> to vector<128x128xf32>
    %jit3A = arith.constant 0.000000e+00 : f32
    %broadcast_in_dim3A_14 = vector.broadcast %jit3A : f32 to vector<128x128xf32>
    %select_n3A = arith.select %eq3A, %broadcast_in_dim3A_13, %broadcast_in_dim3A_14 : vector<128x128xi1>, vector<128x128xf32>
    %reduce_sum3A = arith.constant dense<0.000000e+00> : vector<128xf32>
    %reduce_sum3A_15 = vector.multi_reduction <add>, %select_n3A, %reduce_sum3A [1] : vector<128x128xf32> to vector<128xf32>
    %broadcast_in_dim3A_16 = vector.shape_cast %reduce_sum3A_15 : vector<128xf32> to vector<128x1xf32>
    %broadcast_in_dim3A_17 = vector.shape_cast %broadcast_in_dim3A_16 : vector<128x1xf32> to vector<128x1xf32>
    %broadcast_in_dim3A_18 = vector.broadcast %broadcast_in_dim3A_17 : vector<128x1xf32> to vector<128x128xf32>
    %slice3A_19 = vector.extract_strided_slice %rsqrt3A {offsets = [1, 0], sizes = [1, 128], strides = [1, 1]} : vector<8x128xf32> to vector<1x128xf32>
    %broadcast_in_dim3A_20 = vector.shape_cast %slice3A_19 : vector<1x128xf32> to vector<1x128xf32>
    %broadcast_in_dim3A_21 = vector.broadcast %broadcast_in_dim3A_20 : vector<1x128xf32> to vector<128x128xf32>
    %jit3A_22 = arith.constant 0.000000e+00 : f32
    %broadcast_in_dim3A_23 = vector.broadcast %jit3A_22 : f32 to vector<128x128xf32>
    %select_n3A_24 = arith.select %eq3A, %broadcast_in_dim3A_21, %broadcast_in_dim3A_23 : vector<128x128xi1>, vector<128x128xf32>
    %reduce_sum3A_25 = arith.constant dense<0.000000e+00> : vector<128xf32>
    %reduce_sum3A_26 = vector.multi_reduction <add>, %select_n3A_24, %reduce_sum3A_25 [1] : vector<128x128xf32> to vector<128xf32>
    %broadcast_in_dim3A_27 = vector.shape_cast %reduce_sum3A_26 : vector<128xf32> to vector<128x1xf32>
    %broadcast_in_dim3A_28 = vector.shape_cast %broadcast_in_dim3A_27 : vector<128x1xf32> to vector<128x1xf32>
    %broadcast_in_dim3A_29 = vector.broadcast %broadcast_in_dim3A_28 : vector<128x1xf32> to vector<128x128xf32>
    %slice3A_30 = vector.extract_strided_slice %rsqrt3A {offsets = [2, 0], sizes = [1, 128], strides = [1, 1]} : vector<8x128xf32> to vector<1x128xf32>
    %broadcast_in_dim3A_31 = vector.shape_cast %slice3A_30 : vector<1x128xf32> to vector<1x128xf32>
    %broadcast_in_dim3A_32 = vector.broadcast %broadcast_in_dim3A_31 : vector<1x128xf32> to vector<128x128xf32>
    %jit3A_33 = arith.constant 0.000000e+00 : f32
    %broadcast_in_dim3A_34 = vector.broadcast %jit3A_33 : f32 to vector<128x128xf32>
    %select_n3A_35 = arith.select %eq3A, %broadcast_in_dim3A_32, %broadcast_in_dim3A_34 : vector<128x128xi1>, vector<128x128xf32>
    %reduce_sum3A_36 = arith.constant dense<0.000000e+00> : vector<128xf32>
    %reduce_sum3A_37 = vector.multi_reduction <add>, %select_n3A_35, %reduce_sum3A_36 [1] : vector<128x128xf32> to vector<128xf32>
    %broadcast_in_dim3A_38 = vector.shape_cast %reduce_sum3A_37 : vector<128xf32> to vector<128x1xf32>
    %broadcast_in_dim3A_39 = vector.shape_cast %broadcast_in_dim3A_38 : vector<128x1xf32> to vector<128x1xf32>
    %broadcast_in_dim3A_40 = vector.broadcast %broadcast_in_dim3A_39 : vector<128x1xf32> to vector<128x128xf32>
    %slice3A_41 = vector.extract_strided_slice %rsqrt3A {offsets = [3, 0], sizes = [1, 128], strides = [1, 1]} : vector<8x128xf32> to vector<1x128xf32>
    %broadcast_in_dim3A_42 = vector.shape_cast %slice3A_41 : vector<1x128xf32> to vector<1x128xf32>
    %broadcast_in_dim3A_43 = vector.broadcast %broadcast_in_dim3A_42 : vector<1x128xf32> to vector<128x128xf32>
    %jit3A_44 = arith.constant 0.000000e+00 : f32
    %broadcast_in_dim3A_45 = vector.broadcast %jit3A_44 : f32 to vector<128x128xf32>
    %select_n3A_46 = arith.select %eq3A, %broadcast_in_dim3A_43, %broadcast_in_dim3A_45 : vector<128x128xi1>, vector<128x128xf32>
    %reduce_sum3A_47 = arith.constant dense<0.000000e+00> : vector<128xf32>
    %reduce_sum3A_48 = vector.multi_reduction <add>, %select_n3A_46, %reduce_sum3A_47 [1] : vector<128x128xf32> to vector<128xf32>
    %broadcast_in_dim3A_49 = vector.shape_cast %reduce_sum3A_48 : vector<128xf32> to vector<128x1xf32>
    %broadcast_in_dim3A_50 = vector.shape_cast %broadcast_in_dim3A_49 : vector<128x1xf32> to vector<128x1xf32>
    %broadcast_in_dim3A_51 = vector.broadcast %broadcast_in_dim3A_50 : vector<128x1xf32> to vector<128x128xf32>
    %slice3A_52 = vector.extract_strided_slice %rsqrt3A {offsets = [4, 0], sizes = [1, 128], strides = [1, 1]} : vector<8x128xf32> to vector<1x128xf32>
    %broadcast_in_dim3A_53 = vector.shape_cast %slice3A_52 : vector<1x128xf32> to vector<1x128xf32>
    %broadcast_in_dim3A_54 = vector.broadcast %broadcast_in_dim3A_53 : vector<1x128xf32> to vector<128x128xf32>
    %jit3A_55 = arith.constant 0.000000e+00 : f32
    %broadcast_in_dim3A_56 = vector.broadcast %jit3A_55 : f32 to vector<128x128xf32>
    %select_n3A_57 = arith.select %eq3A, %broadcast_in_dim3A_54, %broadcast_in_dim3A_56 : vector<128x128xi1>, vector<128x128xf32>
    %reduce_sum3A_58 = arith.constant dense<0.000000e+00> : vector<128xf32>
    %reduce_sum3A_59 = vector.multi_reduction <add>, %select_n3A_57, %reduce_sum3A_58 [1] : vector<128x128xf32> to vector<128xf32>
    %broadcast_in_dim3A_60 = vector.shape_cast %reduce_sum3A_59 : vector<128xf32> to vector<128x1xf32>
    %broadcast_in_dim3A_61 = vector.shape_cast %broadcast_in_dim3A_60 : vector<128x1xf32> to vector<128x1xf32>
    %broadcast_in_dim3A_62 = vector.broadcast %broadcast_in_dim3A_61 : vector<128x1xf32> to vector<128x128xf32>
    %slice3A_63 = vector.extract_strided_slice %rsqrt3A {offsets = [5, 0], sizes = [1, 128], strides = [1, 1]} : vector<8x128xf32> to vector<1x128xf32>
    %broadcast_in_dim3A_64 = vector.shape_cast %slice3A_63 : vector<1x128xf32> to vector<1x128xf32>
    %broadcast_in_dim3A_65 = vector.broadcast %broadcast_in_dim3A_64 : vector<1x128xf32> to vector<128x128xf32>
    %jit3A_66 = arith.constant 0.000000e+00 : f32
    %broadcast_in_dim3A_67 = vector.broadcast %jit3A_66 : f32 to vector<128x128xf32>
    %select_n3A_68 = arith.select %eq3A, %broadcast_in_dim3A_65, %broadcast_in_dim3A_67 : vector<128x128xi1>, vector<128x128xf32>
    %reduce_sum3A_69 = arith.constant dense<0.000000e+00> : vector<128xf32>
    %reduce_sum3A_70 = vector.multi_reduction <add>, %select_n3A_68, %reduce_sum3A_69 [1] : vector<128x128xf32> to vector<128xf32>
    %broadcast_in_dim3A_71 = vector.shape_cast %reduce_sum3A_70 : vector<128xf32> to vector<128x1xf32>
    %broadcast_in_dim3A_72 = vector.shape_cast %broadcast_in_dim3A_71 : vector<128x1xf32> to vector<128x1xf32>
    %broadcast_in_dim3A_73 = vector.broadcast %broadcast_in_dim3A_72 : vector<128x1xf32> to vector<128x128xf32>
    %slice3A_74 = vector.extract_strided_slice %rsqrt3A {offsets = [6, 0], sizes = [1, 128], strides = [1, 1]} : vector<8x128xf32> to vector<1x128xf32>
    %broadcast_in_dim3A_75 = vector.shape_cast %slice3A_74 : vector<1x128xf32> to vector<1x128xf32>
    %broadcast_in_dim3A_76 = vector.broadcast %broadcast_in_dim3A_75 : vector<1x128xf32> to vector<128x128xf32>
    %jit3A_77 = arith.constant 0.000000e+00 : f32
    %broadcast_in_dim3A_78 = vector.broadcast %jit3A_77 : f32 to vector<128x128xf32>
    %select_n3A_79 = arith.select %eq3A, %broadcast_in_dim3A_76, %broadcast_in_dim3A_78 : vector<128x128xi1>, vector<128x128xf32>
    %reduce_sum3A_80 = arith.constant dense<0.000000e+00> : vector<128xf32>
    %reduce_sum3A_81 = vector.multi_reduction <add>, %select_n3A_79, %reduce_sum3A_80 [1] : vector<128x128xf32> to vector<128xf32>
    %broadcast_in_dim3A_82 = vector.shape_cast %reduce_sum3A_81 : vector<128xf32> to vector<128x1xf32>
    %broadcast_in_dim3A_83 = vector.shape_cast %broadcast_in_dim3A_82 : vector<128x1xf32> to vector<128x1xf32>
    %broadcast_in_dim3A_84 = vector.broadcast %broadcast_in_dim3A_83 : vector<128x1xf32> to vector<128x128xf32>
    %slice3A_85 = vector.extract_strided_slice %rsqrt3A {offsets = [7, 0], sizes = [1, 128], strides = [1, 1]} : vector<8x128xf32> to vector<1x128xf32>
    %broadcast_in_dim3A_86 = vector.shape_cast %slice3A_85 : vector<1x128xf32> to vector<1x128xf32>
    %broadcast_in_dim3A_87 = vector.broadcast %broadcast_in_dim3A_86 : vector<1x128xf32> to vector<128x128xf32>
    %jit3A_88 = arith.constant 0.000000e+00 : f32
    %broadcast_in_dim3A_89 = vector.broadcast %jit3A_88 : f32 to vector<128x128xf32>
    %select_n3A_90 = arith.select %eq3A, %broadcast_in_dim3A_87, %broadcast_in_dim3A_89 : vector<128x128xi1>, vector<128x128xf32>
    %reduce_sum3A_91 = arith.constant dense<0.000000e+00> : vector<128xf32>
    %reduce_sum3A_92 = vector.multi_reduction <add>, %select_n3A_90, %reduce_sum3A_91 [1] : vector<128x128xf32> to vector<128xf32>
    %broadcast_in_dim3A_93 = vector.shape_cast %reduce_sum3A_92 : vector<128xf32> to vector<128x1xf32>
    %broadcast_in_dim3A_94 = vector.shape_cast %broadcast_in_dim3A_93 : vector<128x1xf32> to vector<128x1xf32>
    %broadcast_in_dim3A_95 = vector.broadcast %broadcast_in_dim3A_94 : vector<128x1xf32> to vector<128x128xf32>
    %concatenate3A = tpu.concatenate %broadcast_in_dim3A_18, %broadcast_in_dim3A_29, %broadcast_in_dim3A_40, %broadcast_in_dim3A_51, %broadcast_in_dim3A_62, %broadcast_in_dim3A_73, %broadcast_in_dim3A_84, %broadcast_in_dim3A_95 in 0 : vector<128x128xf32>, vector<128x128xf32>, vector<128x128xf32>, vector<128x128xf32>, vector<128x128xf32>, vector<128x128xf32>, vector<128x128xf32>, vector<128x128xf32> -> vector<1024x128xf32>
    %mul3A = arith.mulf %get3A_1, %concatenate3A : vector<1024x128xf32>
    %swap3A = arith.constant 0 : index
    %swap3A_96 = arith.constant 0 : index
    %swap3A_97 = vector.load %arg3[%swap3A, %swap3A_96] : memref<1024x128xf32, #tpu.memory_space<vmem>>, vector<1024x128xf32>
    tpu.vector_store %arg3[%swap3A, %swap3A_96], %mul3A {strides = array<i32>} : memref<1024x128xf32, #tpu.memory_space<vmem>>, vector<1024x128xf32>,
    return
  }
  func.func @transform_0(%arg0: i32) -> (i32, i32) {
    %c0_i32 = arith.constant 0 : i32
    %c0_i32_0 = arith.constant 0 : i32
    return %arg0, %c0_i32 : i32, i32
  }
  func.func @transform_1(%arg0: i32) -> (i32, i32, i32) {
    %c0_i32 = arith.constant 0 : i32
    %c0_i32_0 = arith.constant 0 : i32
    %c0_i32_1 = arith.constant 0 : i32
    return %c0_i32, %arg0, %c0_i32_0 : i32, i32, i32
  }
  func.func @transform_2(%arg0: i32) -> (i32, i32) {
    %c0_i32 = arith.constant 0 : i32
    %c0_i32_0 = arith.constant 0 : i32
    return %arg0, %c0_i32 : i32, i32
  }
}

module attributes {stable_mosaic.version = 14 : i64} {
  func.func @_tc2_body(%arg0: i32, %arg1: memref<2x1024x128xf32, #tpu.memory_space<vmem>>, %arg2: memref<1024x128xf32, #tpu.memory_space<vmem>>, %arg3: memref<2x8x128xf32, #tpu.memory_space<vmem>>, %arg4: memref<1x128xf32, #tpu.memory_space<vmem>>, %arg5: memref<1024x128xf32, #tpu.memory_space<vmem>>, %arg6: memref<128x128xf32, #tpu.memory_space<vmem>>, %arg7: memref<1024x128xf32, #tpu.memory_space<vmem>>, %arg8: memref<1024x128xf32, #tpu.memory_space<vmem>>) attributes {dimension_semantics = [#tpu.dimension_semantics<arbitrary>], iteration_bounds = array<i64: 10>, scalar_prefetch = 0 : i64, scratch_operands = 0 : i64, tpu.core_type = #tpu.core_type<tc>, window_params = [{transform_indices = @transform_0, window_bounds = array<i64: 2, 1024, 128>}, {transform_indices = @transform_1, window_bounds = array<i64: 1024, 128>}, {transform_indices = @transform_2, window_bounds = array<i64: 2, 8, 128>}, {pipeline_mode = #tpu.pipeline_mode<synchronous>, transform_indices = @transform_3, window_bounds = array<i64: 1, 128>}, {transform_indices = @transform_4, window_bounds = array<i64: 1024, 128>}, {pipeline_mode = #tpu.pipeline_mode<synchronous>, transform_indices = @transform_5, window_bounds = array<i64: 128, 128>}, {transform_indices = @transform_6, window_bounds = array<i64: 1024, 128>}, {transform_indices = @transform_7, window_bounds = array<i64: 1024, 128>}]} {
    %get3A = arith.constant 0 : index
    %get3A_0 = arith.constant 0 : index
    %get3A_1 = arith.constant 0 : index
    %get3A_2 = vector.load %arg3[%get3A, %get3A_0, %get3A_1] : memref<2x8x128xf32, #tpu.memory_space<vmem>>, vector<2x8x128xf32>
    %slice3A = vector.extract_strided_slice %get3A_2 {offsets = [0, 0, 0], sizes = [1, 8, 128], strides = [1, 1, 1]} : vector<2x8x128xf32> to vector<1x8x128xf32>
    %squeeze3A = vector.shape_cast %slice3A : vector<1x8x128xf32> to vector<8x128xf32>
    %slice3A_3 = vector.extract_strided_slice %get3A_2 {offsets = [1, 0, 0], sizes = [1, 8, 128], strides = [1, 1, 1]} : vector<2x8x128xf32> to vector<1x8x128xf32>
    %squeeze3A_4 = vector.shape_cast %slice3A_3 : vector<1x8x128xf32> to vector<8x128xf32>
    %add3A = arith.addf %squeeze3A, %squeeze3A_4 : vector<8x128xf32>
    %add3A_5 = arith.constant 1.000000e+00 : f32
    %add3A_6 = vector.broadcast %add3A_5 : f32 to vector<8x128xf32>
    %add3A_7 = arith.addf %add3A, %add3A_6 : vector<8x128xf32>
    %rsqrt3A = math.rsqrt %add3A_7 : vector<8x128xf32>
    %iota3A = tpu.iota {dimensions = array<i32: 0>} : vector<128x128xi32>
    %iota3A_8 = tpu.iota {dimensions = array<i32: 1>} : vector<128x128xi32>
    %eq3A = arith.cmpi eq, %iota3A, %iota3A_8 : vector<128x128xi32>
    %slice3A_9 = vector.extract_strided_slice %rsqrt3A {offsets = [0, 0], sizes = [1, 128], strides = [1, 1]} : vector<8x128xf32> to vector<1x128xf32>
    %broadcast_in_dim3A = vector.shape_cast %slice3A_9 : vector<1x128xf32> to vector<1x128xf32>
    %broadcast_in_dim3A_10 = vector.broadcast %broadcast_in_dim3A : vector<1x128xf32> to vector<128x128xf32>
    %jit3A = arith.constant 0.000000e+00 : f32
    %broadcast_in_dim3A_11 = vector.broadcast %jit3A : f32 to vector<128x128xf32>
    %select_n3A = arith.select %eq3A, %broadcast_in_dim3A_10, %broadcast_in_dim3A_11 : vector<128x128xi1>, vector<128x128xf32>
    %reduce_sum3A = arith.constant dense<0.000000e+00> : vector<128xf32>
    %reduce_sum3A_12 = vector.multi_reduction <add>, %select_n3A, %reduce_sum3A [1] : vector<128x128xf32> to vector<128xf32>
    %broadcast_in_dim3A_13 = vector.shape_cast %reduce_sum3A_12 : vector<128xf32> to vector<128x1xf32>
    %broadcast_in_dim3A_14 = vector.shape_cast %broadcast_in_dim3A_13 : vector<128x1xf32> to vector<128x1xf32>
    %broadcast_in_dim3A_15 = vector.broadcast %broadcast_in_dim3A_14 : vector<128x1xf32> to vector<128x128xf32>
    %slice3A_16 = vector.extract_strided_slice %rsqrt3A {offsets = [1, 0], sizes = [1, 128], strides = [1, 1]} : vector<8x128xf32> to vector<1x128xf32>
    %broadcast_in_dim3A_17 = vector.shape_cast %slice3A_16 : vector<1x128xf32> to vector<1x128xf32>
    %broadcast_in_dim3A_18 = vector.broadcast %broadcast_in_dim3A_17 : vector<1x128xf32> to vector<128x128xf32>
    %jit3A_19 = arith.constant 0.000000e+00 : f32
    %broadcast_in_dim3A_20 = vector.broadcast %jit3A_19 : f32 to vector<128x128xf32>
    %select_n3A_21 = arith.select %eq3A, %broadcast_in_dim3A_18, %broadcast_in_dim3A_20 : vector<128x128xi1>, vector<128x128xf32>
    %reduce_sum3A_22 = arith.constant dense<0.000000e+00> : vector<128xf32>
    %reduce_sum3A_23 = vector.multi_reduction <add>, %select_n3A_21, %reduce_sum3A_22 [1] : vector<128x128xf32> to vector<128xf32>
    %broadcast_in_dim3A_24 = vector.shape_cast %reduce_sum3A_23 : vector<128xf32> to vector<128x1xf32>
    %broadcast_in_dim3A_25 = vector.shape_cast %broadcast_in_dim3A_24 : vector<128x1xf32> to vector<128x1xf32>
    %broadcast_in_dim3A_26 = vector.broadcast %broadcast_in_dim3A_25 : vector<128x1xf32> to vector<128x128xf32>
    %slice3A_27 = vector.extract_strided_slice %rsqrt3A {offsets = [2, 0], sizes = [1, 128], strides = [1, 1]} : vector<8x128xf32> to vector<1x128xf32>
    %broadcast_in_dim3A_28 = vector.shape_cast %slice3A_27 : vector<1x128xf32> to vector<1x128xf32>
    %broadcast_in_dim3A_29 = vector.broadcast %broadcast_in_dim3A_28 : vector<1x128xf32> to vector<128x128xf32>
    %jit3A_30 = arith.constant 0.000000e+00 : f32
    %broadcast_in_dim3A_31 = vector.broadcast %jit3A_30 : f32 to vector<128x128xf32>
    %select_n3A_32 = arith.select %eq3A, %broadcast_in_dim3A_29, %broadcast_in_dim3A_31 : vector<128x128xi1>, vector<128x128xf32>
    %reduce_sum3A_33 = arith.constant dense<0.000000e+00> : vector<128xf32>
    %reduce_sum3A_34 = vector.multi_reduction <add>, %select_n3A_32, %reduce_sum3A_33 [1] : vector<128x128xf32> to vector<128xf32>
    %broadcast_in_dim3A_35 = vector.shape_cast %reduce_sum3A_34 : vector<128xf32> to vector<128x1xf32>
    %broadcast_in_dim3A_36 = vector.shape_cast %broadcast_in_dim3A_35 : vector<128x1xf32> to vector<128x1xf32>
    %broadcast_in_dim3A_37 = vector.broadcast %broadcast_in_dim3A_36 : vector<128x1xf32> to vector<128x128xf32>
    %slice3A_38 = vector.extract_strided_slice %rsqrt3A {offsets = [3, 0], sizes = [1, 128], strides = [1, 1]} : vector<8x128xf32> to vector<1x128xf32>
    %broadcast_in_dim3A_39 = vector.shape_cast %slice3A_38 : vector<1x128xf32> to vector<1x128xf32>
    %broadcast_in_dim3A_40 = vector.broadcast %broadcast_in_dim3A_39 : vector<1x128xf32> to vector<128x128xf32>
    %jit3A_41 = arith.constant 0.000000e+00 : f32
    %broadcast_in_dim3A_42 = vector.broadcast %jit3A_41 : f32 to vector<128x128xf32>
    %select_n3A_43 = arith.select %eq3A, %broadcast_in_dim3A_40, %broadcast_in_dim3A_42 : vector<128x128xi1>, vector<128x128xf32>
    %reduce_sum3A_44 = arith.constant dense<0.000000e+00> : vector<128xf32>
    %reduce_sum3A_45 = vector.multi_reduction <add>, %select_n3A_43, %reduce_sum3A_44 [1] : vector<128x128xf32> to vector<128xf32>
    %broadcast_in_dim3A_46 = vector.shape_cast %reduce_sum3A_45 : vector<128xf32> to vector<128x1xf32>
    %broadcast_in_dim3A_47 = vector.shape_cast %broadcast_in_dim3A_46 : vector<128x1xf32> to vector<128x1xf32>
    %broadcast_in_dim3A_48 = vector.broadcast %broadcast_in_dim3A_47 : vector<128x1xf32> to vector<128x128xf32>
    %slice3A_49 = vector.extract_strided_slice %rsqrt3A {offsets = [4, 0], sizes = [1, 128], strides = [1, 1]} : vector<8x128xf32> to vector<1x128xf32>
    %broadcast_in_dim3A_50 = vector.shape_cast %slice3A_49 : vector<1x128xf32> to vector<1x128xf32>
    %broadcast_in_dim3A_51 = vector.broadcast %broadcast_in_dim3A_50 : vector<1x128xf32> to vector<128x128xf32>
    %jit3A_52 = arith.constant 0.000000e+00 : f32
    %broadcast_in_dim3A_53 = vector.broadcast %jit3A_52 : f32 to vector<128x128xf32>
    %select_n3A_54 = arith.select %eq3A, %broadcast_in_dim3A_51, %broadcast_in_dim3A_53 : vector<128x128xi1>, vector<128x128xf32>
    %reduce_sum3A_55 = arith.constant dense<0.000000e+00> : vector<128xf32>
    %reduce_sum3A_56 = vector.multi_reduction <add>, %select_n3A_54, %reduce_sum3A_55 [1] : vector<128x128xf32> to vector<128xf32>
    %broadcast_in_dim3A_57 = vector.shape_cast %reduce_sum3A_56 : vector<128xf32> to vector<128x1xf32>
    %broadcast_in_dim3A_58 = vector.shape_cast %broadcast_in_dim3A_57 : vector<128x1xf32> to vector<128x1xf32>
    %broadcast_in_dim3A_59 = vector.broadcast %broadcast_in_dim3A_58 : vector<128x1xf32> to vector<128x128xf32>
    %slice3A_60 = vector.extract_strided_slice %rsqrt3A {offsets = [5, 0], sizes = [1, 128], strides = [1, 1]} : vector<8x128xf32> to vector<1x128xf32>
    %broadcast_in_dim3A_61 = vector.shape_cast %slice3A_60 : vector<1x128xf32> to vector<1x128xf32>
    %broadcast_in_dim3A_62 = vector.broadcast %broadcast_in_dim3A_61 : vector<1x128xf32> to vector<128x128xf32>
    %jit3A_63 = arith.constant 0.000000e+00 : f32
    %broadcast_in_dim3A_64 = vector.broadcast %jit3A_63 : f32 to vector<128x128xf32>
    %select_n3A_65 = arith.select %eq3A, %broadcast_in_dim3A_62, %broadcast_in_dim3A_64 : vector<128x128xi1>, vector<128x128xf32>
    %reduce_sum3A_66 = arith.constant dense<0.000000e+00> : vector<128xf32>
    %reduce_sum3A_67 = vector.multi_reduction <add>, %select_n3A_65, %reduce_sum3A_66 [1] : vector<128x128xf32> to vector<128xf32>
    %broadcast_in_dim3A_68 = vector.shape_cast %reduce_sum3A_67 : vector<128xf32> to vector<128x1xf32>
    %broadcast_in_dim3A_69 = vector.shape_cast %broadcast_in_dim3A_68 : vector<128x1xf32> to vector<128x1xf32>
    %broadcast_in_dim3A_70 = vector.broadcast %broadcast_in_dim3A_69 : vector<128x1xf32> to vector<128x128xf32>
    %slice3A_71 = vector.extract_strided_slice %rsqrt3A {offsets = [6, 0], sizes = [1, 128], strides = [1, 1]} : vector<8x128xf32> to vector<1x128xf32>
    %broadcast_in_dim3A_72 = vector.shape_cast %slice3A_71 : vector<1x128xf32> to vector<1x128xf32>
    %broadcast_in_dim3A_73 = vector.broadcast %broadcast_in_dim3A_72 : vector<1x128xf32> to vector<128x128xf32>
    %jit3A_74 = arith.constant 0.000000e+00 : f32
    %broadcast_in_dim3A_75 = vector.broadcast %jit3A_74 : f32 to vector<128x128xf32>
    %select_n3A_76 = arith.select %eq3A, %broadcast_in_dim3A_73, %broadcast_in_dim3A_75 : vector<128x128xi1>, vector<128x128xf32>
    %reduce_sum3A_77 = arith.constant dense<0.000000e+00> : vector<128xf32>
    %reduce_sum3A_78 = vector.multi_reduction <add>, %select_n3A_76, %reduce_sum3A_77 [1] : vector<128x128xf32> to vector<128xf32>
    %broadcast_in_dim3A_79 = vector.shape_cast %reduce_sum3A_78 : vector<128xf32> to vector<128x1xf32>
    %broadcast_in_dim3A_80 = vector.shape_cast %broadcast_in_dim3A_79 : vector<128x1xf32> to vector<128x1xf32>
    %broadcast_in_dim3A_81 = vector.broadcast %broadcast_in_dim3A_80 : vector<128x1xf32> to vector<128x128xf32>
    %slice3A_82 = vector.extract_strided_slice %rsqrt3A {offsets = [7, 0], sizes = [1, 128], strides = [1, 1]} : vector<8x128xf32> to vector<1x128xf32>
    %broadcast_in_dim3A_83 = vector.shape_cast %slice3A_82 : vector<1x128xf32> to vector<1x128xf32>
    %broadcast_in_dim3A_84 = vector.broadcast %broadcast_in_dim3A_83 : vector<1x128xf32> to vector<128x128xf32>
    %jit3A_85 = arith.constant 0.000000e+00 : f32
    %broadcast_in_dim3A_86 = vector.broadcast %jit3A_85 : f32 to vector<128x128xf32>
    %select_n3A_87 = arith.select %eq3A, %broadcast_in_dim3A_84, %broadcast_in_dim3A_86 : vector<128x128xi1>, vector<128x128xf32>
    %reduce_sum3A_88 = arith.constant dense<0.000000e+00> : vector<128xf32>
    %reduce_sum3A_89 = vector.multi_reduction <add>, %select_n3A_87, %reduce_sum3A_88 [1] : vector<128x128xf32> to vector<128xf32>
    %broadcast_in_dim3A_90 = vector.shape_cast %reduce_sum3A_89 : vector<128xf32> to vector<128x1xf32>
    %broadcast_in_dim3A_91 = vector.shape_cast %broadcast_in_dim3A_90 : vector<128x1xf32> to vector<128x1xf32>
    %broadcast_in_dim3A_92 = vector.broadcast %broadcast_in_dim3A_91 : vector<128x1xf32> to vector<128x128xf32>
    %concatenate3A = tpu.concatenate %broadcast_in_dim3A_15, %broadcast_in_dim3A_26, %broadcast_in_dim3A_37, %broadcast_in_dim3A_48, %broadcast_in_dim3A_59, %broadcast_in_dim3A_70, %broadcast_in_dim3A_81, %broadcast_in_dim3A_92 in 0 : vector<128x128xf32>, vector<128x128xf32>, vector<128x128xf32>, vector<128x128xf32>, vector<128x128xf32>, vector<128x128xf32>, vector<128x128xf32>, vector<128x128xf32> -> vector<1024x128xf32>
    %get3A_93 = arith.constant 0 : index
    %get3A_94 = arith.constant 0 : index
    %get3A_95 = arith.constant 0 : index
    %get3A_96 = vector.load %arg1[%get3A_93, %get3A_94, %get3A_95] : memref<2x1024x128xf32, #tpu.memory_space<vmem>>, vector<1x1024x128xf32>
    %get3A_97 = vector.shape_cast %get3A_96 : vector<1x1024x128xf32> to vector<1024x128xf32>
    %get3A_98 = arith.constant 1 : index
    %get3A_99 = arith.constant 0 : index
    %get3A_100 = arith.constant 0 : index
    %get3A_101 = vector.load %arg1[%get3A_98, %get3A_99, %get3A_100] : memref<2x1024x128xf32, #tpu.memory_space<vmem>>, vector<1x1024x128xf32>
    %get3A_102 = vector.shape_cast %get3A_101 : vector<1x1024x128xf32> to vector<1024x128xf32>
    %add3A_103 = arith.addf %get3A_97, %get3A_102 : vector<1024x128xf32>
    %get3A_104 = arith.constant 0 : index
    %get3A_105 = arith.constant 0 : index
    %get3A_106 = vector.load %arg2[%get3A_104, %get3A_105] : memref<1024x128xf32, #tpu.memory_space<vmem>>, vector<1024x128xf32>
    %add3A_107 = arith.addf %add3A_103, %get3A_106 : vector<1024x128xf32>
    %mul3A = arith.mulf %concatenate3A, %add3A_107 : vector<1024x128xf32>
    %get3A_108 = arith.constant 0 : index
    %get3A_109 = arith.constant 0 : index
    %get3A_110 = vector.load %arg4[%get3A_108, %get3A_109] : memref<1x128xf32, #tpu.memory_space<vmem>>, vector<1x128xf32>
    %add3A_111 = vector.broadcast %get3A_110 : vector<1x128xf32> to vector<1024x128xf32>
    %add3A_112 = arith.addf %mul3A, %add3A_111 : vector<1024x128xf32>
    %max3A = arith.constant 0.000000e+00 : f32
    %max3A_113 = vector.broadcast %max3A : f32 to vector<1024x128xf32>
    %max3A_114 = arith.maximumf %add3A_112, %max3A_113 : vector<1024x128xf32>
    %get3A_115 = arith.constant 0 : index
    %get3A_116 = arith.constant 0 : index
    %get3A_117 = vector.load %arg5[%get3A_115, %get3A_116] : memref<1024x128xf32, #tpu.memory_space<vmem>>, vector<1024x128xf32>
    %add3A_118 = arith.addf %max3A_114, %get3A_117 : vector<1024x128xf32>
    %swap3A = arith.constant 0 : index
    %swap3A_119 = arith.constant 0 : index
    %swap3A_120 = vector.load %arg7[%swap3A, %swap3A_119] : memref<1024x128xf32, #tpu.memory_space<vmem>>, vector<1024x128xf32>
    tpu.vector_store %arg7[%swap3A, %swap3A_119], %add3A_118 {strides = array<i32>} : memref<1024x128xf32, #tpu.memory_space<vmem>>, vector<1024x128xf32>,
    %get3A_121 = arith.constant 0 : index
    %get3A_122 = arith.constant 0 : index
    %get3A_123 = vector.load %arg6[%get3A_121, %get3A_122] : memref<128x128xf32, #tpu.memory_space<vmem>>, vector<128x128xf32>
    %dot_general3A = arith.constant dense<0.000000e+00> : vector<1024x128xf32>
    %dot_general3A_124 = tpu.matmul %add3A_118, %get3A_123, %dot_general3A {dimension_numbers = #tpu.dot_dimension_numbers<[1], [0], [0], [1], [0, 0, 1, 1], [], []>, transpose_lhs_hint = false} : vector<1024x128xf32>, vector<128x128xf32>, vector<1024x128xf32> -> vector<1024x128xf32>
    %mul3A_125 = arith.mulf %dot_general3A_124, %concatenate3A : vector<1024x128xf32>
    %swap3A_126 = arith.constant 0 : index
    %swap3A_127 = arith.constant 0 : index
    %swap3A_128 = vector.load %arg8[%swap3A_126, %swap3A_127] : memref<1024x128xf32, #tpu.memory_space<vmem>>, vector<1024x128xf32>
    tpu.vector_store %arg8[%swap3A_126, %swap3A_127], %mul3A_125 {strides = array<i32>} : memref<1024x128xf32, #tpu.memory_space<vmem>>, vector<1024x128xf32>,
    return
  }
  func.func @transform_0(%arg0: i32) -> (i32, i32, i32) {
    %c0_i32 = arith.constant 0 : i32
    %c0_i32_0 = arith.constant 0 : i32
    %c0_i32_1 = arith.constant 0 : i32
    return %c0_i32, %arg0, %c0_i32_0 : i32, i32, i32
  }
  func.func @transform_1(%arg0: i32) -> (i32, i32) {
    %c0_i32 = arith.constant 0 : i32
    %c0_i32_0 = arith.constant 0 : i32
    return %arg0, %c0_i32 : i32, i32
  }
  func.func @transform_2(%arg0: i32) -> (i32, i32, i32) {
    %c0_i32 = arith.constant 0 : i32
    %c0_i32_0 = arith.constant 0 : i32
    %c0_i32_1 = arith.constant 0 : i32
    return %c0_i32, %arg0, %c0_i32_0 : i32, i32, i32
  }
  func.func @transform_3(%arg0: i32) -> (i32, i32) {
    %c0_i32 = arith.constant 0 : i32
    %c0_i32_0 = arith.constant 0 : i32
    %c0_i32_1 = arith.constant 0 : i32
    return %c0_i32, %c0_i32_0 : i32, i32
  }
  func.func @transform_4(%arg0: i32) -> (i32, i32) {
    %c0_i32 = arith.constant 0 : i32
    %c0_i32_0 = arith.constant 0 : i32
    return %arg0, %c0_i32 : i32, i32
  }
  func.func @transform_5(%arg0: i32) -> (i32, i32) {
    %c0_i32 = arith.constant 0 : i32
    %c0_i32_0 = arith.constant 0 : i32
    %c0_i32_1 = arith.constant 0 : i32
    return %c0_i32, %c0_i32_0 : i32, i32
  }
  func.func @transform_6(%arg0: i32) -> (i32, i32) {
    %c0_i32 = arith.constant 0 : i32
    %c0_i32_0 = arith.constant 0 : i32
    return %arg0, %c0_i32 : i32, i32
  }
  func.func @transform_7(%arg0: i32) -> (i32, i32) {
    %c0_i32 = arith.constant 0 : i32
    %c0_i32_0 = arith.constant 0 : i32
    return %arg0, %c0_i32 : i32, i32
  }
}

module attributes {stable_mosaic.version = 14 : i64} {
  func.func @_tc3_body(%arg0: i32, %arg1: memref<2x1024x128xf32, #tpu.memory_space<vmem>>, %arg2: memref<1024x128xf32, #tpu.memory_space<vmem>>, %arg3: memref<2x8x128xf32, #tpu.memory_space<vmem>>, %arg4: memref<1x128xf32, #tpu.memory_space<vmem>>, %arg5: memref<1024x128xf32, #tpu.memory_space<vmem>>, %arg6: memref<128x128xf32, #tpu.memory_space<vmem>>, %arg7: memref<1x128xf32, #tpu.memory_space<vmem>>, %arg8: memref<1024x128xf32, #tpu.memory_space<vmem>>) attributes {dimension_semantics = [#tpu.dimension_semantics<arbitrary>], iteration_bounds = array<i64: 10>, scalar_prefetch = 0 : i64, scratch_operands = 0 : i64, tpu.core_type = #tpu.core_type<tc>, window_params = [{transform_indices = @transform_0, window_bounds = array<i64: 2, 1024, 128>}, {transform_indices = @transform_1, window_bounds = array<i64: 1024, 128>}, {transform_indices = @transform_2, window_bounds = array<i64: 2, 8, 128>}, {pipeline_mode = #tpu.pipeline_mode<synchronous>, transform_indices = @transform_3, window_bounds = array<i64: 1, 128>}, {transform_indices = @transform_4, window_bounds = array<i64: 1024, 128>}, {pipeline_mode = #tpu.pipeline_mode<synchronous>, transform_indices = @transform_5, window_bounds = array<i64: 128, 128>}, {pipeline_mode = #tpu.pipeline_mode<synchronous>, transform_indices = @transform_6, window_bounds = array<i64: 1, 128>}, {transform_indices = @transform_7, window_bounds = array<i64: 1024, 128>}]} {
    %get3A = arith.constant 0 : index
    %get3A_0 = arith.constant 0 : index
    %get3A_1 = arith.constant 0 : index
    %get3A_2 = vector.load %arg3[%get3A, %get3A_0, %get3A_1] : memref<2x8x128xf32, #tpu.memory_space<vmem>>, vector<2x8x128xf32>
    %slice3A = vector.extract_strided_slice %get3A_2 {offsets = [0, 0, 0], sizes = [1, 8, 128], strides = [1, 1, 1]} : vector<2x8x128xf32> to vector<1x8x128xf32>
    %squeeze3A = vector.shape_cast %slice3A : vector<1x8x128xf32> to vector<8x128xf32>
    %slice3A_3 = vector.extract_strided_slice %get3A_2 {offsets = [1, 0, 0], sizes = [1, 8, 128], strides = [1, 1, 1]} : vector<2x8x128xf32> to vector<1x8x128xf32>
    %squeeze3A_4 = vector.shape_cast %slice3A_3 : vector<1x8x128xf32> to vector<8x128xf32>
    %add3A = arith.addf %squeeze3A, %squeeze3A_4 : vector<8x128xf32>
    %add3A_5 = arith.constant 1.000000e+00 : f32
    %add3A_6 = vector.broadcast %add3A_5 : f32 to vector<8x128xf32>
    %add3A_7 = arith.addf %add3A, %add3A_6 : vector<8x128xf32>
    %rsqrt3A = math.rsqrt %add3A_7 : vector<8x128xf32>
    %iota3A = tpu.iota {dimensions = array<i32: 0>} : vector<128x128xi32>
    %iota3A_8 = tpu.iota {dimensions = array<i32: 1>} : vector<128x128xi32>
    %eq3A = arith.cmpi eq, %iota3A, %iota3A_8 : vector<128x128xi32>
    %slice3A_9 = vector.extract_strided_slice %rsqrt3A {offsets = [0, 0], sizes = [1, 128], strides = [1, 1]} : vector<8x128xf32> to vector<1x128xf32>
    %broadcast_in_dim3A = vector.shape_cast %slice3A_9 : vector<1x128xf32> to vector<1x128xf32>
    %broadcast_in_dim3A_10 = vector.broadcast %broadcast_in_dim3A : vector<1x128xf32> to vector<128x128xf32>
    %jit3A = arith.constant 0.000000e+00 : f32
    %broadcast_in_dim3A_11 = vector.broadcast %jit3A : f32 to vector<128x128xf32>
    %select_n3A = arith.select %eq3A, %broadcast_in_dim3A_10, %broadcast_in_dim3A_11 : vector<128x128xi1>, vector<128x128xf32>
    %reduce_sum3A = arith.constant dense<0.000000e+00> : vector<128xf32>
    %reduce_sum3A_12 = vector.multi_reduction <add>, %select_n3A, %reduce_sum3A [1] : vector<128x128xf32> to vector<128xf32>
    %broadcast_in_dim3A_13 = vector.shape_cast %reduce_sum3A_12 : vector<128xf32> to vector<128x1xf32>
    %broadcast_in_dim3A_14 = vector.shape_cast %broadcast_in_dim3A_13 : vector<128x1xf32> to vector<128x1xf32>
    %broadcast_in_dim3A_15 = vector.broadcast %broadcast_in_dim3A_14 : vector<128x1xf32> to vector<128x128xf32>
    %slice3A_16 = vector.extract_strided_slice %rsqrt3A {offsets = [1, 0], sizes = [1, 128], strides = [1, 1]} : vector<8x128xf32> to vector<1x128xf32>
    %broadcast_in_dim3A_17 = vector.shape_cast %slice3A_16 : vector<1x128xf32> to vector<1x128xf32>
    %broadcast_in_dim3A_18 = vector.broadcast %broadcast_in_dim3A_17 : vector<1x128xf32> to vector<128x128xf32>
    %jit3A_19 = arith.constant 0.000000e+00 : f32
    %broadcast_in_dim3A_20 = vector.broadcast %jit3A_19 : f32 to vector<128x128xf32>
    %select_n3A_21 = arith.select %eq3A, %broadcast_in_dim3A_18, %broadcast_in_dim3A_20 : vector<128x128xi1>, vector<128x128xf32>
    %reduce_sum3A_22 = arith.constant dense<0.000000e+00> : vector<128xf32>
    %reduce_sum3A_23 = vector.multi_reduction <add>, %select_n3A_21, %reduce_sum3A_22 [1] : vector<128x128xf32> to vector<128xf32>
    %broadcast_in_dim3A_24 = vector.shape_cast %reduce_sum3A_23 : vector<128xf32> to vector<128x1xf32>
    %broadcast_in_dim3A_25 = vector.shape_cast %broadcast_in_dim3A_24 : vector<128x1xf32> to vector<128x1xf32>
    %broadcast_in_dim3A_26 = vector.broadcast %broadcast_in_dim3A_25 : vector<128x1xf32> to vector<128x128xf32>
    %slice3A_27 = vector.extract_strided_slice %rsqrt3A {offsets = [2, 0], sizes = [1, 128], strides = [1, 1]} : vector<8x128xf32> to vector<1x128xf32>
    %broadcast_in_dim3A_28 = vector.shape_cast %slice3A_27 : vector<1x128xf32> to vector<1x128xf32>
    %broadcast_in_dim3A_29 = vector.broadcast %broadcast_in_dim3A_28 : vector<1x128xf32> to vector<128x128xf32>
    %jit3A_30 = arith.constant 0.000000e+00 : f32
    %broadcast_in_dim3A_31 = vector.broadcast %jit3A_30 : f32 to vector<128x128xf32>
    %select_n3A_32 = arith.select %eq3A, %broadcast_in_dim3A_29, %broadcast_in_dim3A_31 : vector<128x128xi1>, vector<128x128xf32>
    %reduce_sum3A_33 = arith.constant dense<0.000000e+00> : vector<128xf32>
    %reduce_sum3A_34 = vector.multi_reduction <add>, %select_n3A_32, %reduce_sum3A_33 [1] : vector<128x128xf32> to vector<128xf32>
    %broadcast_in_dim3A_35 = vector.shape_cast %reduce_sum3A_34 : vector<128xf32> to vector<128x1xf32>
    %broadcast_in_dim3A_36 = vector.shape_cast %broadcast_in_dim3A_35 : vector<128x1xf32> to vector<128x1xf32>
    %broadcast_in_dim3A_37 = vector.broadcast %broadcast_in_dim3A_36 : vector<128x1xf32> to vector<128x128xf32>
    %slice3A_38 = vector.extract_strided_slice %rsqrt3A {offsets = [3, 0], sizes = [1, 128], strides = [1, 1]} : vector<8x128xf32> to vector<1x128xf32>
    %broadcast_in_dim3A_39 = vector.shape_cast %slice3A_38 : vector<1x128xf32> to vector<1x128xf32>
    %broadcast_in_dim3A_40 = vector.broadcast %broadcast_in_dim3A_39 : vector<1x128xf32> to vector<128x128xf32>
    %jit3A_41 = arith.constant 0.000000e+00 : f32
    %broadcast_in_dim3A_42 = vector.broadcast %jit3A_41 : f32 to vector<128x128xf32>
    %select_n3A_43 = arith.select %eq3A, %broadcast_in_dim3A_40, %broadcast_in_dim3A_42 : vector<128x128xi1>, vector<128x128xf32>
    %reduce_sum3A_44 = arith.constant dense<0.000000e+00> : vector<128xf32>
    %reduce_sum3A_45 = vector.multi_reduction <add>, %select_n3A_43, %reduce_sum3A_44 [1] : vector<128x128xf32> to vector<128xf32>
    %broadcast_in_dim3A_46 = vector.shape_cast %reduce_sum3A_45 : vector<128xf32> to vector<128x1xf32>
    %broadcast_in_dim3A_47 = vector.shape_cast %broadcast_in_dim3A_46 : vector<128x1xf32> to vector<128x1xf32>
    %broadcast_in_dim3A_48 = vector.broadcast %broadcast_in_dim3A_47 : vector<128x1xf32> to vector<128x128xf32>
    %slice3A_49 = vector.extract_strided_slice %rsqrt3A {offsets = [4, 0], sizes = [1, 128], strides = [1, 1]} : vector<8x128xf32> to vector<1x128xf32>
    %broadcast_in_dim3A_50 = vector.shape_cast %slice3A_49 : vector<1x128xf32> to vector<1x128xf32>
    %broadcast_in_dim3A_51 = vector.broadcast %broadcast_in_dim3A_50 : vector<1x128xf32> to vector<128x128xf32>
    %jit3A_52 = arith.constant 0.000000e+00 : f32
    %broadcast_in_dim3A_53 = vector.broadcast %jit3A_52 : f32 to vector<128x128xf32>
    %select_n3A_54 = arith.select %eq3A, %broadcast_in_dim3A_51, %broadcast_in_dim3A_53 : vector<128x128xi1>, vector<128x128xf32>
    %reduce_sum3A_55 = arith.constant dense<0.000000e+00> : vector<128xf32>
    %reduce_sum3A_56 = vector.multi_reduction <add>, %select_n3A_54, %reduce_sum3A_55 [1] : vector<128x128xf32> to vector<128xf32>
    %broadcast_in_dim3A_57 = vector.shape_cast %reduce_sum3A_56 : vector<128xf32> to vector<128x1xf32>
    %broadcast_in_dim3A_58 = vector.shape_cast %broadcast_in_dim3A_57 : vector<128x1xf32> to vector<128x1xf32>
    %broadcast_in_dim3A_59 = vector.broadcast %broadcast_in_dim3A_58 : vector<128x1xf32> to vector<128x128xf32>
    %slice3A_60 = vector.extract_strided_slice %rsqrt3A {offsets = [5, 0], sizes = [1, 128], strides = [1, 1]} : vector<8x128xf32> to vector<1x128xf32>
    %broadcast_in_dim3A_61 = vector.shape_cast %slice3A_60 : vector<1x128xf32> to vector<1x128xf32>
    %broadcast_in_dim3A_62 = vector.broadcast %broadcast_in_dim3A_61 : vector<1x128xf32> to vector<128x128xf32>
    %jit3A_63 = arith.constant 0.000000e+00 : f32
    %broadcast_in_dim3A_64 = vector.broadcast %jit3A_63 : f32 to vector<128x128xf32>
    %select_n3A_65 = arith.select %eq3A, %broadcast_in_dim3A_62, %broadcast_in_dim3A_64 : vector<128x128xi1>, vector<128x128xf32>
    %reduce_sum3A_66 = arith.constant dense<0.000000e+00> : vector<128xf32>
    %reduce_sum3A_67 = vector.multi_reduction <add>, %select_n3A_65, %reduce_sum3A_66 [1] : vector<128x128xf32> to vector<128xf32>
    %broadcast_in_dim3A_68 = vector.shape_cast %reduce_sum3A_67 : vector<128xf32> to vector<128x1xf32>
    %broadcast_in_dim3A_69 = vector.shape_cast %broadcast_in_dim3A_68 : vector<128x1xf32> to vector<128x1xf32>
    %broadcast_in_dim3A_70 = vector.broadcast %broadcast_in_dim3A_69 : vector<128x1xf32> to vector<128x128xf32>
    %slice3A_71 = vector.extract_strided_slice %rsqrt3A {offsets = [6, 0], sizes = [1, 128], strides = [1, 1]} : vector<8x128xf32> to vector<1x128xf32>
    %broadcast_in_dim3A_72 = vector.shape_cast %slice3A_71 : vector<1x128xf32> to vector<1x128xf32>
    %broadcast_in_dim3A_73 = vector.broadcast %broadcast_in_dim3A_72 : vector<1x128xf32> to vector<128x128xf32>
    %jit3A_74 = arith.constant 0.000000e+00 : f32
    %broadcast_in_dim3A_75 = vector.broadcast %jit3A_74 : f32 to vector<128x128xf32>
    %select_n3A_76 = arith.select %eq3A, %broadcast_in_dim3A_73, %broadcast_in_dim3A_75 : vector<128x128xi1>, vector<128x128xf32>
    %reduce_sum3A_77 = arith.constant dense<0.000000e+00> : vector<128xf32>
    %reduce_sum3A_78 = vector.multi_reduction <add>, %select_n3A_76, %reduce_sum3A_77 [1] : vector<128x128xf32> to vector<128xf32>
    %broadcast_in_dim3A_79 = vector.shape_cast %reduce_sum3A_78 : vector<128xf32> to vector<128x1xf32>
    %broadcast_in_dim3A_80 = vector.shape_cast %broadcast_in_dim3A_79 : vector<128x1xf32> to vector<128x1xf32>
    %broadcast_in_dim3A_81 = vector.broadcast %broadcast_in_dim3A_80 : vector<128x1xf32> to vector<128x128xf32>
    %slice3A_82 = vector.extract_strided_slice %rsqrt3A {offsets = [7, 0], sizes = [1, 128], strides = [1, 1]} : vector<8x128xf32> to vector<1x128xf32>
    %broadcast_in_dim3A_83 = vector.shape_cast %slice3A_82 : vector<1x128xf32> to vector<1x128xf32>
    %broadcast_in_dim3A_84 = vector.broadcast %broadcast_in_dim3A_83 : vector<1x128xf32> to vector<128x128xf32>
    %jit3A_85 = arith.constant 0.000000e+00 : f32
    %broadcast_in_dim3A_86 = vector.broadcast %jit3A_85 : f32 to vector<128x128xf32>
    %select_n3A_87 = arith.select %eq3A, %broadcast_in_dim3A_84, %broadcast_in_dim3A_86 : vector<128x128xi1>, vector<128x128xf32>
    %reduce_sum3A_88 = arith.constant dense<0.000000e+00> : vector<128xf32>
    %reduce_sum3A_89 = vector.multi_reduction <add>, %select_n3A_87, %reduce_sum3A_88 [1] : vector<128x128xf32> to vector<128xf32>
    %broadcast_in_dim3A_90 = vector.shape_cast %reduce_sum3A_89 : vector<128xf32> to vector<128x1xf32>
    %broadcast_in_dim3A_91 = vector.shape_cast %broadcast_in_dim3A_90 : vector<128x1xf32> to vector<128x1xf32>
    %broadcast_in_dim3A_92 = vector.broadcast %broadcast_in_dim3A_91 : vector<128x1xf32> to vector<128x128xf32>
    %concatenate3A = tpu.concatenate %broadcast_in_dim3A_15, %broadcast_in_dim3A_26, %broadcast_in_dim3A_37, %broadcast_in_dim3A_48, %broadcast_in_dim3A_59, %broadcast_in_dim3A_70, %broadcast_in_dim3A_81, %broadcast_in_dim3A_92 in 0 : vector<128x128xf32>, vector<128x128xf32>, vector<128x128xf32>, vector<128x128xf32>, vector<128x128xf32>, vector<128x128xf32>, vector<128x128xf32>, vector<128x128xf32> -> vector<1024x128xf32>
    %get3A_93 = arith.constant 0 : index
    %get3A_94 = arith.constant 0 : index
    %get3A_95 = arith.constant 0 : index
    %get3A_96 = vector.load %arg1[%get3A_93, %get3A_94, %get3A_95] : memref<2x1024x128xf32, #tpu.memory_space<vmem>>, vector<1x1024x128xf32>
    %get3A_97 = vector.shape_cast %get3A_96 : vector<1x1024x128xf32> to vector<1024x128xf32>
    %get3A_98 = arith.constant 1 : index
    %get3A_99 = arith.constant 0 : index
    %get3A_100 = arith.constant 0 : index
    %get3A_101 = vector.load %arg1[%get3A_98, %get3A_99, %get3A_100] : memref<2x1024x128xf32, #tpu.memory_space<vmem>>, vector<1x1024x128xf32>
    %get3A_102 = vector.shape_cast %get3A_101 : vector<1x1024x128xf32> to vector<1024x128xf32>
    %add3A_103 = arith.addf %get3A_97, %get3A_102 : vector<1024x128xf32>
    %get3A_104 = arith.constant 0 : index
    %get3A_105 = arith.constant 0 : index
    %get3A_106 = vector.load %arg2[%get3A_104, %get3A_105] : memref<1024x128xf32, #tpu.memory_space<vmem>>, vector<1024x128xf32>
    %add3A_107 = arith.addf %add3A_103, %get3A_106 : vector<1024x128xf32>
    %mul3A = arith.mulf %concatenate3A, %add3A_107 : vector<1024x128xf32>
    %get3A_108 = arith.constant 0 : index
    %get3A_109 = arith.constant 0 : index
    %get3A_110 = vector.load %arg4[%get3A_108, %get3A_109] : memref<1x128xf32, #tpu.memory_space<vmem>>, vector<1x128xf32>
    %add3A_111 = vector.broadcast %get3A_110 : vector<1x128xf32> to vector<1024x128xf32>
    %add3A_112 = arith.addf %mul3A, %add3A_111 : vector<1024x128xf32>
    %max3A = arith.constant 0.000000e+00 : f32
    %max3A_113 = vector.broadcast %max3A : f32 to vector<1024x128xf32>
    %max3A_114 = arith.maximumf %add3A_112, %max3A_113 : vector<1024x128xf32>
    %get3A_115 = arith.constant 0 : index
    %get3A_116 = arith.constant 0 : index
    %get3A_117 = vector.load %arg5[%get3A_115, %get3A_116] : memref<1024x128xf32, #tpu.memory_space<vmem>>, vector<1024x128xf32>
    %add3A_118 = arith.addf %max3A_114, %get3A_117 : vector<1024x128xf32>
    %get3A_119 = arith.constant 0 : index
    %get3A_120 = arith.constant 0 : index
    %get3A_121 = vector.load %arg6[%get3A_119, %get3A_120] : memref<128x128xf32, #tpu.memory_space<vmem>>, vector<128x128xf32>
    %dot_general3A = arith.constant dense<0.000000e+00> : vector<1024x128xf32>
    %dot_general3A_122 = tpu.matmul %add3A_118, %get3A_121, %dot_general3A {dimension_numbers = #tpu.dot_dimension_numbers<[1], [0], [0], [1], [0, 0, 1, 1], [], []>, transpose_lhs_hint = false} : vector<1024x128xf32>, vector<128x128xf32>, vector<1024x128xf32> -> vector<1024x128xf32>
    %get3A_123 = arith.constant 0 : index
    %get3A_124 = arith.constant 0 : index
    %get3A_125 = vector.load %arg7[%get3A_123, %get3A_124] : memref<1x128xf32, #tpu.memory_space<vmem>>, vector<1x128xf32>
    %add3A_126 = vector.broadcast %get3A_125 : vector<1x128xf32> to vector<1024x128xf32>
    %add3A_127 = arith.addf %dot_general3A_122, %add3A_126 : vector<1024x128xf32>
    %swap3A = arith.constant 0 : index
    %swap3A_128 = arith.constant 0 : index
    %swap3A_129 = vector.load %arg8[%swap3A, %swap3A_128] : memref<1024x128xf32, #tpu.memory_space<vmem>>, vector<1024x128xf32>
    tpu.vector_store %arg8[%swap3A, %swap3A_128], %add3A_127 {strides = array<i32>} : memref<1024x128xf32, #tpu.memory_space<vmem>>, vector<1024x128xf32>,
    return
  }
  func.func @transform_0(%arg0: i32) -> (i32, i32, i32) {
    %c0_i32 = arith.constant 0 : i32
    %c0_i32_0 = arith.constant 0 : i32
    %c0_i32_1 = arith.constant 0 : i32
    return %c0_i32, %arg0, %c0_i32_0 : i32, i32, i32
  }
  func.func @transform_1(%arg0: i32) -> (i32, i32) {
    %c0_i32 = arith.constant 0 : i32
    %c0_i32_0 = arith.constant 0 : i32
    return %arg0, %c0_i32 : i32, i32
  }
  func.func @transform_2(%arg0: i32) -> (i32, i32, i32) {
    %c0_i32 = arith.constant 0 : i32
    %c0_i32_0 = arith.constant 0 : i32
    %c0_i32_1 = arith.constant 0 : i32
    return %c0_i32, %arg0, %c0_i32_0 : i32, i32, i32
  }
  func.func @transform_3(%arg0: i32) -> (i32, i32) {
    %c0_i32 = arith.constant 0 : i32
    %c0_i32_0 = arith.constant 0 : i32
    %c0_i32_1 = arith.constant 0 : i32
    return %c0_i32, %c0_i32_0 : i32, i32
  }
  func.func @transform_4(%arg0: i32) -> (i32, i32) {
    %c0_i32 = arith.constant 0 : i32
    %c0_i32_0 = arith.constant 0 : i32
    return %arg0, %c0_i32 : i32, i32
  }
  func.func @transform_5(%arg0: i32) -> (i32, i32) {
    %c0_i32 = arith.constant 0 : i32
    %c0_i32_0 = arith.constant 0 : i32
    %c0_i32_1 = arith.constant 0 : i32
    return %c0_i32, %c0_i32_0 : i32, i32
  }
  func.func @transform_6(%arg0: i32) -> (i32, i32) {
    %c0_i32 = arith.constant 0 : i32
    %c0_i32_0 = arith.constant 0 : i32
    %c0_i32_1 = arith.constant 0 : i32
    return %c0_i32, %c0_i32_0 : i32, i32
  }
  func.func @transform_7(%arg0: i32) -> (i32, i32) {
    %c0_i32 = arith.constant 0 : i32
    %c0_i32_0 = arith.constant 0 : i32
    return %arg0, %c0_i32 : i32, i32
  }
}

</mosaic_0001>

<sc_bundles>
// kernel: kernel.12.cloned.1.call-start
scs
__scs_entry_jumppad:
0x0: {  	(pc) =	sbr.rel $0x88, $3  }
0x1: {  	(tag) =	ssettag $0x0;
	lr =	simm.s32 $0x1  }
0x2: {  	[smem:$0x3F99] =	sst lr;
	_ =	strace $0xD0000000  }
0x3: {  	_ = 	snop  }
0x4: {  	_ = 	snop  }
0x5: {  	_ = 	snop  }
0x6: {  	_ = 	snop  }
0x7: {  	_ = 	snop  }
__scs_overlays_trampoline_lowered:
0x8: {  	[smem:$0x3FA8] =	sst s0  }
0x9: {  	[smem:$0x3FA9] =	sst s1  }
0xa: {  	[smem:$0x3FAA] =	sst s2  }
0xb: {  	[smem:$0x3FAB] =	sst s3  }
0xc: {  	[smem:$0x3FAC] =	sst s4  }
0xd: {  	[smem:$0x3FAD] =	sst s5  }
0xe: {  	[smem:$0x3FAE] =	sst s6  }
0xf: {  	[smem:$0x3FAF] =	sst s7  }
0x10: {  	[smem:$0x3FB0] =	sst s8  }
0x11: {  	[smem:$0x3FB1] =	sst s9;
	s0 =	simm.s32 @!p0 $0x0  }
0x12: {  	s1 =	sld [smem:$0x3F97];
	s0 =	simm.s32 @p0 $0x1  }
0x13: {  	[smem:$0x3FB2] =	sst s0;
	s0 =	simm.s32 @!p1 $0x0  }
0x14: {  	s2 =	sld [smem:$0x3F96];
	s0 =	simm.s32 @p1 $0x1  }
0x15: {  	[smem:$0x3FB3] =	sst s0;
	s0 =	simm.s32 @!p2 $0x0  }
0x16: {  	s3 =	sld [smem:$0x3FDB];
	s0 =	simm.s32 @p2 $0x1  }
0x17: {  	s4 =	simm.s32 $0x1BF5;
	[smem:$0x3FB5] =	sst s0  }
0x18: {  	s0 =	sld [smem:$0x3F98];
	_ =	swait.ge [sflag:s4], $0x0  }
0x19: {  	s7 =	sld [smem:$0x3F99]  }
0x1a: {  	s8 =	sadd.s32 $0xFFFFE003, lr  }
0x1b: {  	s9 =	sadd.s32 $0xFFFFFEF7, lr;
	s5 =	simm.s32 $0xFFFFFFFF;
	p2 =	slt.u32 s8, $0xFFFFF086  }
0x1c: {  	p1 =	slt.u32 s9, $0xF7A;
	s5 =	simm.s32 @!p2 $0x0  }
0x1d: {  	s5 =	simm.s32 @p1 $0x1;
	p0 =	seq.s32 s7, s2  }
0x1e: {  	s7 =	smul.u32 @!p0 $0xF7A, s2;
	p2 =	seq.s32 @!p0 s5, $0x0  }
0x1f: {  	s9 =	smul.u32 $0xF7A, s1;
	s8 =	simm.s32 @!p0 $0x1BF5;
	p2 =	por !p2, p0  }
0x20: {  	[sflag:s8] =	ssyncset.s32 @!p0 $0xFFFFF086;
	s6 =	sadd.s32 @!p0 s3, s7;
	s7 =	simm.s32 @!p0 $0x108  }
0x21: {  	s3 =	sadd.s32 s3, s9;
	s6 =	sadd.s32 @!p0 $0x88, s6;
	s7 =	simm.s32 @p2 $0x1082  }
0x22: {  	[simem:s7], [sflag:s8] =	dma.local @!p0 [hbm:s6], $0xF7A  }
0x23: {  	s9 =	sor.u32 $0xD0000000, s2;
	s6 =	simm.s32 $0x108;
	_ =	swait.ge @!p0 [sflag:s8], $0x0  }
0x24: {  	s3 =	sadd.s32 $0x88, s3;
	s6 =	simm.s32 @!p1 $0x1082;
	[sflag:s4] =	ssyncset.s32 $0xFFFFF086  }
0x25: {  	[simem:s6], [sflag:s4] =	dma.local [hbm:s3], $0xF7A  }
0x26: {  	[smem:$0x3F99] =	sst s1;
	(tag) =	ssettag s2;
	_ =	strace s9  }
0x27: {  	s1 =	sld [smem:$0x3FA9]  }
0x28: {  	s2 =	sld [smem:$0x3FAA]  }
0x29: {  	s4 =	sld [smem:$0x3FAC]  }
0x2a: {  	p0 =	seq.s32 s5, $0x0;
	s5 =	sld [smem:$0x3FAD]  }
0x2b: {  	s6 =	sld [smem:$0x3FAE]  }
0x2c: {  	s7 =	sld [smem:$0x3FAF]  }
0x2d: {  	s3 =	simm.s32 $0x108;
	s8 =	sld [smem:$0x3FB0]  }
0x2e: {  	s3 =	simm.s32 @!p0 $0x1082;
	s9 =	sld [smem:$0x3FB1]  }
0x2f: {  	lr =	sadd.s32 s0, s3;
	s0 =	sld [smem:$0x3FA8]  }
0x30: {  	s3 =	sld [smem:$0x3FAB]  }
0x31: {  	[smem:$0x3FB4] =	sst s10  }
0x32: {  	s10 =	sld [smem:$0x3FB2];
	_ =	sdelay $0x3  }
0x33: {  	p0 =	seq.s32 s10, $0x1;
	s10 =	sld [smem:$0x3FB4];
	_ =	sdelay $0x3  }
0x34: {  	[smem:$0x3FB4] =	sst s10  }
0x35: {  	s10 =	sld [smem:$0x3FB3];
	_ =	sdelay $0x3  }
0x36: {  	p1 =	seq.s32 s10, $0x1;
	s10 =	sld [smem:$0x3FB4];
	_ =	sdelay $0x3  }
0x37: {  	[smem:$0x3FB4] =	sst s10  }
0x38: {  	s10 =	sld [smem:$0x3FB5]  }
0x39: {  	_ = 	snop;
	(pc) =	sbr.ind lr, $3  }
0x3a: {  	_ = 	snop  }
0x3b: {  	_ = 	snop  }
0x3c: {  	p2 =	seq.s32 s10, $0x1;
	s10 =	sld [smem:$0x3FB4]  }
0x3d: {  	_ =	shalt  }
0x3e: {  	_ =	shalt  }
0x3f: {  	_ =	shalt  }
0x40: {  	_ =	shalt  }
0x41: {  	_ =	shalt  }
0x42: {  	_ =	shalt  }
0x43: {  	_ =	shalt  }
0x44: {  	_ =	shalt  }
0x45: {  	_ =	shalt  }
0x46: {  	_ =	shalt  }
0x47: {  	_ =	shalt  }
0x48: {  	_ =	shalt  }
0x49: {  	_ =	shalt  }
0x4a: {  	_ =	shalt  }
0x4b: {  	_ =	shalt  }
0x4c: {  	_ =	shalt  }
0x4d: {  	_ =	shalt  }
0x4e: {  	_ =	shalt  }
0x4f: {  	_ =	shalt  }
0x50: {  	_ =	shalt  }
0x51: {  	_ =	shalt  }
0x52: {  	_ =	shalt  }
0x53: {  	_ =	shalt  }
0x54: {  	_ =	shalt  }
0x55: {  	_ =	shalt  }
0x56: {  	_ =	shalt  }
0x57: {  	_ =	shalt  }
0x58: {  	_ =	shalt  }
0x59: {  	_ =	shalt  }
0x5a: {  	_ =	shalt  }
0x5b: {  	_ =	shalt  }
0x5c: {  	_ =	shalt  }
0x5d: {  	_ =	shalt  }
0x5e: {  	_ =	shalt  }
0x5f: {  	_ =	shalt  }
0x60: {  	_ =	shalt  }
0x61: {  	_ =	shalt  }
0x62: {  	_ =	shalt  }
0x63: {  	_ =	shalt  }
0x64: {  	_ =	shalt  }
0x65: {  	_ =	shalt  }
0x66: {  	_ =	shalt  }
0x67: {  	_ =	shalt  }
0x68: {  	_ =	shalt  }
0x69: {  	_ =	shalt  }
0x6a: {  	_ =	shalt  }
0x6b: {  	_ =	shalt  }
0x6c: {  	_ =	shalt  }
0x6d: {  	_ =	shalt  }
0x6e: {  	_ =	shalt  }
0x6f: {  	_ =	shalt  }
0x70: {  	_ =	shalt  }
0x71: {  	_ =	shalt  }
0x72: {  	_ =	shalt  }
0x73: {  	_ =	shalt  }
0x74: {  	_ =	shalt  }
0x75: {  	_ =	shalt  }
0x76: {  	_ =	shalt  }
0x77: {  	_ =	shalt  }
0x78: {  	_ =	shalt  }
0x79: {  	_ =	shalt  }
0x7a: {  	_ =	shalt  }
0x7b: {  	_ =	shalt  }
0x7c: {  	_ =	shalt  }
0x7d: {  	_ =	shalt  }
0x7e: {  	_ =	shalt  }
0x7f: {  	_ =	shalt  }
0x80: {  	_ =	shalt  }
0x81: {  	_ =	shalt  }
0x82: {  	_ =	shalt  }
0x83: {  	_ =	shalt  }
0x84: {  	_ =	shalt  }
0x85: {  	_ =	shalt  }
0x86: {  	_ =	shalt  }
0x87: {  	_ =	shalt  }
.Lfunc_end0:
.L_simem_size_0:
called_computation.1_lowered:
.L_overlay_start_0:
0x88: {  	s2 =	sld [smem:$0x3FD9]  }
0x89: {  	s3 =	sld [smem:$0x3FFE];
	_ =	sdelay $0x1  }
0x8a: {  	s1 =	srdreg.scid  }
0x8b: {  	s0 =	sand.u32 $0x1, s1  }
0x8c: {  	s17 =	sshll.u32 s0, $0xA;
	s2 =	sadd.s32 s3, s2  }
0x8d: {  	s2 =	sadd.s32 s2, s17  }
0x8e: {  	[smem:$0x3FC0] =	sst s2  }
0x8f: {  	_ = 	snop  }
0x90: {  	s2 =	sld [smem:$0x3FD0];
	(tm) =	ssettm $0x1  }
0x91: {  	s18 =	sld [smem:$0x3FFB];
	_ =	sdelay $0x3  }
0x92: {  	_ =	strace s18  }
0x93: {  	s3 =	sld [smem:$0x3FFC];
	_ =	sdelay $0x3  }
0x94: {  	_ =	strace s3  }
0x95: {  	s3 =	sld [smem:$0x3FFD];
	_ =	sdelay $0x3  }
0x96: {  	_ =	strace s3  }
0x97: {  	_ =	strace $0x8FFFFFFF  }
0x98: {  	s19 =	sld [smem:$0x3FDB];
	_ =	sdelay $0x1  }
0x99: {  	s4 =	simm.s32 $_scs_section_size  }
0x9a: {  	s5 =	simm.s32 $_size__tile_overlayer_lowered;
	s6 =	simm.s32 $_tile_overlayer_lowered  }
0x9b: {  	s22 =	simm.s32 $0x1BFF;
	s21 =	sshll.u32 s6, $0x1;
	s3 =	sadd.s32 s4, s19  }
0x9c: {  	s7 =	simm.s32 $0x0;
	s20 =	sshll.u32 s5, $0x1;
	s5 =	sadd.s32 s21, s3  }
0x9d: {  	[timem:s7], [sflag:s22] =	dma.local [hbm:s5], s20  }
0x9e: {  	_ =	swait.ge [sflag:s22], s20  }
0x9f: {  	s4 =	ssub.s32 $0x0, s20;
	[sflag:s22] =	ssyncset.done $0x0  }
0xa0: {  	[sflag:s22] =	ssyncadd.s32 s4;
	_ =	sdelay $0x1  }
0xa1: {  	s23 =	simm.s32 $0x1B8B  }
0xa2: {  	_ =	swait.ge [sflag:s23], $0x1  }
0xa3: {  	[sflag:s23] =	ssyncset.done $0x0  }
0xa4: {  	s25 =	simm.s32 $0x1B8E;
	s24 =	sld [smem:$0x3FFE];
	[sflag:s23] =	ssyncadd.s32 $0xFFFFFFFF  }
0xa5: {  	s26 =	simm.s32 $execute0_lowered;
	[smem:$0x3FD2] =	sst s25  }
0xa6: {  	s5 =	sshll.u32 s26, $0x1;
	_ =	strace $0x80000049;
	[dreg:$0x1] =	wrdreg $0xFFFFFFFF  }
0xa7: {  	s28 =	simm.s32 $_size_execute0_lowered;
	s3 =	sadd.s32 s3, s5;
	[dreg:$0x0] =	wrdreg $0x0  }
0xa8: {  	s5 =	sshll.u32 s28, $0x1;
	[dreg:$0x2] =	wrdreg s3  }
0xa9: {  	[dreg:$0x3] =	wrdreg s5  }
0xaa: {  	[dreg:$0x4] =	wrdreg $0xC0  }
0xab: {  	_ =	task [dreg:s7], $0x5FFFF  }
0xac: {  	[dreg:$0x1] =	wrdreg $0xFFFFFFFF  }
0xad: {  	[dreg:$0x0] =	wrdreg $0x60  }
0xae: {  	[dreg:$0x2] =	wrdreg s2  }
0xaf: {  	[dreg:$0x3] =	wrdreg s24  }
0xb0: {  	[dreg:$0x4] =	wrdreg $0xA4000  }
0xb1: {  	[dreg:$0x5] =	wrdreg $0x9  }
0xb2: {  	_ =	task.clear_ibuf [dreg:s7], $0x6FFFF;
	_ =	strace $0x90000049  }
0xb3: {  	s29 =	simm.s32 $0x9;
	_ =	strace $0x8000004B  }
0xb4: {  	_ =	swait.ge [sflag:s29], $0x1  }
0xb5: {  	[sflag:s29] =	ssyncadd.s32 $0xFFFFFFFF  }
0xb6: {  	_ =	strace $0x9000004B  }
0xb7: {  	_ =	sfence  }
0xb8: {  	s30 =	sld [smem:$0x0];
	_ =	sdelay $0x2  }
0xb9: {  	s31 =	sshll.u32 s1, $0xD;
	s1 =	sshrl.u32 s1, $0x2  }
0xba: {  	s3 =	sand.u32 $0x4000, s31;
	s1 =	sadd.s32 s1, s30  }
0xbb: {  	s0 =	sor.u32 s3, s0;
	s1 =	sshll.u32 s1, $0x11  }
0xbc: {  	s0 =	sor.u32 s1, s0  }
0xbd: {  	s0 =	sadd.s32 $0x8F2B, s0  }
0xbe: {  	[sflag:s0] =	ssyncadd.remote.s32 $0x1  }
0xbf: {  	_ =	sfence.sel $0xFFFF  }
0xc0: {  	[dreg:$0x0] =	wrdreg $0xFFFFFFFF;
	(pc) =	sbr.abs _section_cstart, $3  }
0xc1: {  	[dreg:$0x1] =	wrdreg $0xFFFFFFFF  }
0xc2: {  	_ =	task.clear_ibuf [dreg:s7], $0x2FFFF;
	_ =	strace $0x9FFFFFFF  }
0xc3: {  	(tm) =	ssettm $0x7FFFFFFF  }
tec
execute0_lowered:
.L_overlay_start_1:
0x0: {  	(tag) =	ssettag $0x1  }
0x1: {  	s0 =	srdreg.scid  }
0x2: {  	s2 =	rddreg [dreg:$0x1];
	s11 =	stileid.u32  }
0x3: {  	s20 =	rddreg [dreg:$0x2];
	s4 =	simm.s32 $0x0;
	s6 =	smul.u32 $0x14000, s11  }
0x4: {  	s28 =	simm.s32 $0x9;
	s31 =	simm.s32 $0x300;
	s7 =	smul.u32 $0x50000, s11  }
0x5: {  	s0 =	sand.u32 $0x1, s0;
	[smem:$0x7FF] =	sst s4;
	s18 =	smul.u32 $0x2710, s11  }
0x6: {  	s5 =	smul.u32 $0x140000, s0;
	_ =	strace $0x8000004A;
	s26 =	ssub.s32 $0x2, s0  }
0x7: {  	s9 =	sshll.u32 s0, $0x4;
	s0 =	smul.u32 $0x27100, s0;
	s7 =	sshrl.u32 s7, $0x2  }
0x8: {  	s8 =	sshrl.u32 s26, $0x1;
	s29 =	sor.u32 s11, s9;
	s11 =	simm.s32 $0x80  }
0x9: {  	s6 =	sadd.s32 s6, s5;
	s5 =	sadd.s32 $0x3A00, s2;
	s17 =	sadd.s32 s7, s20  }
0xa: {  	s10 =	smul.u32 $0x2710, s29;
	s0 =	sadd.s32 s18, s0;
	s18 =	simm.s32 $0x300  }
0xb: {  	s6 =	sshrl.u32 s6, $0x3;
	s30 =	sadd.s32 $0x2800, s17;
	[dreg:$0x4] =	wrdreg s17  }
0xc: {  	s1 =	sadd.s32 $0x5000, s17;
	s3 =	sadd.s32 $0x7800, s17;
	[dreg:$0x5] =	wrdreg s30  }
0xd: {  	s9 =	sadd.s32 $0xC800, s17;
	s12 =	sadd.s32 $0xF000, s17;
	[dreg:$0x6] =	wrdreg s1  }
0xe: {  	s19 =	sadd.s32 $0x11800, s17;
	s25 =	sadd.s32 $0x4E340, s0;
	[dreg:$0x7] =	wrdreg s3  }
0xf: {  	s0 =	sadd.s32 $0x140, s0;
	s2 =	sadd.s32 s6, s2;
	[dreg:$0x9] =	wrdreg s9  }
0x10: {  	s6 =	ssub.s32 s26, s8;
	s8 =	sadd.s32 $0xA000, s17;
	[dreg:$0xa] =	wrdreg s12  }
0x11: {  	s13 =	sshrl.u32 s10, $0x3;
	s14 =	sadd.s32 $0x4E200, s10;
	[dreg:$0xc] =	wrdreg s19  }
0x12: {  	[dreg:$0x14] =	wrdreg s0;
	s26 =	sshrl.u32 s25, $0x3;
	s19 =	simm.s32 $0x400  }
0x13: {  	s9 =	simm.s32 $0x11;
	[dreg:$0x8] =	wrdreg s8;
	s2 =	sadd.s32 $0x17400, s2  }
0x14: {  	s12 =	simm.s32 $0x280;
	s6 =	smax.u32 s6, $0x1;
	[dreg:$0x12] =	wrdreg s2  }
0x15: {  	s3 =	simm.s32 $0x180;
	s0 =	sadd.s32 s26, s5;
	[dreg:$0x13] =	wrdreg s6  }
0x16: {  	s15 =	sadd.s32 s5, s13;
	s16 =	sshrl.u32 s14, $0x3;
	[dreg:$0x15] =	wrdreg s0  }
0x17: {  	s25 =	simm.s32 $0x5;
	s7 =	sadd.s32 s5, s16;
	[dreg:$0xb] =	wrdreg s15  }
0x18: {  	s8 =	simm.s32 $0x200;
	s21 =	sadd.s32 $0xA, s15;
	[dreg:$0xd] =	wrdreg s7  }
0x19: {  	s13 =	simm.s32 $0x50;
	s22 =	sadd.s32 $0x9C4A, s15;
	[dreg:$0xe] =	wrdreg s21  }
0x1a: {  	s26 =	simm.s32 $0x2C00;
	s23 =	sadd.s32 $0x14, s15;
	[dreg:$0xf] =	wrdreg s22  }
0x1b: {  	s24 =	sadd.s32 $0x9C54, s15;
	s29 =	sadd.s32 $0x1E, s15;
	[dreg:$0x10] =	wrdreg s23  }
0x1c: {  	s30 =	sadd.s32 $0x9C5E, s15;
	s16 =	simm.s32 $0x100;
	[dreg:$0x11] =	wrdreg s24  }
0x1d: {  	s15 =	simm.s32 $0x3;
	s6 =	simm.s32 $0x7C00;
	[dreg:$0x16] =	wrdreg s29  }
0x1e: {  	s2 =	simm.s32 $0x0;
	[dreg:$0x17] =	wrdreg s30;
	s21 =	simm.s32 $0x380  }
0x1f: {  	v0 =	vimm.f32 $0.0e+00;
	s22 =	simm.s32 $0x1;
	s23 =	simm.s32 $0x2;
	s24 =	simm.s32 $0x5400  }
.LBB2_1:
0x20: {  	[dreg:$0x18] =	wrdreg s2;
	s0 =	simm.s32 $0x0;
	s7 =	simm.s32 $0x200  }
.LBB2_2:
0x21: {  	p0 =	sne.s32 s7, $0x9E00;
	[tilespmem:s0+$0x470] =	vst v0  }
0x22: {  	[tilespmem:s0+$0x400] =	vst v0  }
0x23: {  	[tilespmem:s0+$0x410] =	vst v0  }
.Ltmp0:
0x24: {  	[tilespmem:s0+$0x420] =	vst v0;
	(pc) =	sbr.rel @p0 .LBB2_2-.Ltmp0, $4  }
0x25: {  	[tilespmem:s0+$0x430] =	vst v0  }
0x26: {  	[tilespmem:s0+$0x440] =	vst v0  }
0x27: {  	[tilespmem:s0+$0x450] =	vst v0  }
0x28: {  	[tilespmem:s0+$0x460] =	vst v0;
	s0 =	sshra.s32 s7, $0x2;
	s7 =	sadd.s32 $0x200, s7  }
0x29: {  	[tilespmem:s0+$0x470] =	vst v0  }
0x2a: {  	[tilespmem:s0+$0x400] =	vst v0  }
0x2b: {  	[tilespmem:s0+$0x410] =	vst v0  }
0x2c: {  	[tilespmem:s0+$0x420] =	vst v0  }
0x2d: {  	[tilespmem:s0+$0x430] =	vst v0  }
0x2e: {  	[tilespmem:s0+$0x440] =	vst v0  }
0x2f: {  	[tilespmem:s0+$0x450] =	vst v0  }
0x30: {  	[tilespmem:s0+$0x460] =	vst v0  }
0x31: {  	[spmem:s17] =	stream.linear.scatter [tilespmem:s19], [sflag:$0x11], $0x2800, $0x38;
	[tilespmem:$0x1E400] =	vst v63  }
0x32: {  	_ =	swait.ge [sflag:s9], $0x2800  }
0x33: {  	[sflag:s9] =	ssyncset.done $0x0  }
0x34: {  	s7 =	rddreg [dreg:$0x5];
	[sflag:s9] =	ssyncadd.s32 $0xFFFFD800  }
0x35: {  	[spmem:s7] =	stream.linear.scatter [tilespmem:s19], [sflag:$0x11], $0x2800, $0x38;
	[tilespmem:$0x1E400] =	vst v63  }
0x36: {  	_ =	swait.ge [sflag:s9], $0x2800  }
0x37: {  	[sflag:s9] =	ssyncset.done $0x0  }
0x38: {  	s17 =	rddreg [dreg:$0x6];
	[sflag:s9] =	ssyncadd.s32 $0xFFFFD800  }
0x39: {  	[spmem:s17] =	stream.linear.scatter [tilespmem:s19], [sflag:$0x11], $0x2800, $0x38;
	[tilespmem:$0x1E400] =	vst v63  }
0x3a: {  	_ =	swait.ge [sflag:s9], $0x2800  }
0x3b: {  	[sflag:s9] =	ssyncset.done $0x0  }
0x3c: {  	s29 =	rddreg [dreg:$0x7];
	[sflag:s9] =	ssyncadd.s32 $0xFFFFD800  }
0x3d: {  	[spmem:s29] =	stream.linear.scatter [tilespmem:s19], [sflag:$0x11], $0x2800, $0x38;
	[tilespmem:$0x1E400] =	vst v63  }
0x3e: {  	_ =	swait.ge [sflag:s9], $0x2800  }
0x3f: {  	[sflag:s9] =	ssyncset.done $0x0  }
0x40: {  	s30 =	rddreg [dreg:$0x8];
	[sflag:s9] =	ssyncadd.s32 $0xFFFFD800  }
0x41: {  	[spmem:s30] =	stream.linear.scatter [tilespmem:s19], [sflag:$0x11], $0x2800, $0x38;
	[tilespmem:$0x1E400] =	vst v63  }
0x42: {  	_ =	swait.ge [sflag:s9], $0x2800  }
0x43: {  	[sflag:s9] =	ssyncset.done $0x0  }
0x44: {  	s1 =	rddreg [dreg:$0x9];
	[sflag:s9] =	ssyncadd.s32 $0xFFFFD800  }
0x45: {  	[spmem:s1] =	stream.linear.scatter [tilespmem:s19], [sflag:$0x11], $0x2800, $0x38;
	[tilespmem:$0x1E400] =	vst v63  }
0x46: {  	_ =	swait.ge [sflag:s9], $0x2800  }
0x47: {  	[sflag:s9] =	ssyncset.done $0x0  }
0x48: {  	s2 =	rddreg [dreg:$0xa];
	[sflag:s9] =	ssyncadd.s32 $0xFFFFD800  }
0x49: {  	[spmem:s2] =	stream.linear.scatter [tilespmem:s19], [sflag:$0x11], $0x2800, $0x38;
	[tilespmem:$0x1E400] =	vst v63  }
0x4a: {  	_ =	swait.ge [sflag:s9], $0x2800  }
0x4b: {  	[sflag:s9] =	ssyncset.done $0x0  }
0x4c: {  	s7 =	rddreg [dreg:$0xc];
	[sflag:s9] =	ssyncadd.s32 $0xFFFFD800  }
0x4d: {  	[spmem:s7] =	stream.linear.scatter [tilespmem:s19], [sflag:$0x11], $0x2800, $0x38;
	[tilespmem:$0x1E400] =	vst v63  }
0x4e: {  	_ =	swait.ge [sflag:s9], $0x2800  }
0x4f: {  	[sflag:s9] =	ssyncset.done $0x0  }
0x50: {  	s0 =	simm.s32 $0x0;
	s7 =	rddreg [dreg:$0xb];
	[sflag:s9] =	ssyncadd.s32 $0xFFFFD800  }
0x51: {  	[tilespmem:s0], [sflag:$0x1] =	stream.linear.gather [hbm4b:s7+s0], $0x50, $0x38;
	[tilespmem:$0x1E400] =	vst v63  }
0x52: {  	s9 =	rddreg [dreg:$0xd]  }
0x53: {  	[tilespmem:s8], [sflag:$0x5] =	stream.linear.gather [hbm4b:s9+s0], $0x50, $0x38;
	[tilespmem:$0x1E400] =	vst v63  }
0x54: {  	s17 =	rddreg [dreg:$0xe]  }
0x55: {  	[tilespmem:s11], [sflag:$0x2] =	stream.linear.gather [hbm4b:s17+s0], $0x50, $0x38;
	[tilespmem:$0x1E400] =	vst v63  }
0x56: {  	s29 =	rddreg [dreg:$0xf]  }
0x57: {  	[tilespmem:s12], [sflag:$0x6] =	stream.linear.gather [hbm4b:s29+s0], $0x50, $0x38;
	[tilespmem:$0x1E400] =	vst v63  }
0x58: {  	s30 =	rddreg [dreg:$0x10]  }
0x59: {  	[tilespmem:s16], [sflag:$0x3] =	stream.linear.gather [hbm4b:s30+s0], $0x50, $0x38;
	[tilespmem:$0x1E400] =	vst v63  }
0x5a: {  	s1 =	rddreg [dreg:$0x11]  }
0x5b: {  	[tilespmem:s18], [sflag:$0x7] =	stream.linear.gather [hbm4b:s1+s0], $0x50, $0x38;
	[tilespmem:$0x1E400] =	vst v63  }
0x5c: {  	s2 =	rddreg [dreg:$0x16]  }
0x5d: {  	[tilespmem:s3], [sflag:$0x4] =	stream.linear.gather [hbm4b:s2+s0], $0x50, $0x38;
	[tilespmem:$0x1E400] =	vst v63  }
0x5e: {  	s8 =	rddreg [dreg:$0x17]  }
0x5f: {  	[tilespmem:s21], [sflag:$0x8] =	stream.linear.gather [hbm4b:s8+s0], $0x50, $0x38;
	[tilespmem:$0x1E400] =	vst v63  }
0x60: {  	[bflag:$0x0] =	sbarrier.arrive $0xFFFF  }
0x61: {  	_ =	swait.ge [sflag:s22], $0x50  }
0x62: {  	[sflag:s22] =	ssyncset.done $0x0  }
0x63: {  	[sflag:s22] =	ssyncadd.s32 $0xFFFFFFB0  }
0x64: {  	s1 =	rddreg [dreg:$0x0]  }
0x65: {  	[tilespmem:s19], [sflag:$0x9] =	stream.indirect.gather [hbm4b:s1+s13], $0x80, s0, s13, $0xb8;
	[tilespmem:$0x1E400] =	vst v63  }
0x66: {  	_ =	swait.ge [sflag:s23], $0x50  }
0x67: {  	[sflag:s23] =	ssyncset.done $0x0  }
0x68: {  	[sflag:s23] =	ssyncadd.s32 $0xFFFFFFB0  }
0x69: {  	[tilespmem:s26], [sflag:$0xA] =	stream.indirect.gather [hbm4b:s1+s13], $0x80, s11, s13, $0xb8;
	[tilespmem:$0x1E400] =	vst v63  }
0x6a: {  	_ =	swait.ge [sflag:s15], $0x50  }
0x6b: {  	[sflag:s15] =	ssyncset.done $0x0  }
0x6c: {  	s17 =	simm.s32 $0x4;
	[sflag:s15] =	ssyncadd.s32 $0xFFFFFFB0  }
0x6d: {  	[tilespmem:s24], [sflag:$0xB] =	stream.indirect.gather [hbm4b:s1+s13], $0x80, s16, s13, $0xb8;
	[tilespmem:$0x1E400] =	vst v63  }
0x6e: {  	_ =	swait.ge [sflag:s17], $0x50  }
0x6f: {  	[sflag:s17] =	ssyncset.done $0x0  }
0x70: {  	[sflag:s17] =	ssyncadd.s32 $0xFFFFFFB0  }
0x71: {  	[tilespmem:s6], [sflag:$0xC] =	stream.indirect.gather [hbm4b:s1+s13], $0x80, s3, s13, $0xb8;
	[tilespmem:$0x1E400] =	vst v63  }
0x72: {  	_ =	swait.ge [sflag:s25], $0x50  }
0x73: {  	[sflag:s25] =	ssyncset.done $0x0  }
0x74: {  	[sflag:s25] =	ssyncadd.s32 $0xFFFFFFB0  }
0x75: {  	_ =	swait.ge [sflag:s28], $0x2800  }
0x76: {  	s2 =	simm.s32 $0x9;
	[sflag:s28] =	ssyncset.done $0x0;
	s11 =	rddreg [dreg:$0x14]  }
0x77: {  	s12 =	simm.s32 $0x200;
	s9 =	sshrl.u32 s11, $0x3;
	[sflag:s2] =	ssyncadd.s32 $0xFFFFD800  }
0x78: {  	[spmem:s20] =	stream.indirect.scatter.add.f32 [tilespmem:s19], [sflag:$0xD], $0x80, s12, s13, $0xb8;
	[tilespmem:$0x1E400] =	vst v63  }
0x79: {  	s21 =	simm.s32 $0x6;
	s7 =	sadd.s32 s5, s9  }
0x7a: {  	[tilespmem:s4], [sflag:$0x1] =	stream.linear.gather [hbm4b:s7+s4], $0x50, $0x38;
	[tilespmem:$0x1E400] =	vst v63  }
0x7b: {  	s16 =	smin.u32 s0, $0x77;
	_ =	swait.ge [sflag:s21], $0x50  }
0x7c: {  	s7 =	smul.u32 $0x50, s16;
	[sflag:s21] =	ssyncset.done $0x0  }
0x7d: {  	s8 =	simm.s32 $0xA;
	[sflag:s21] =	ssyncadd.s32 $0xFFFFFFB0  }
0x7e: {  	s7 =	sadd.s32 $0x190, s7;
	_ =	swait.ge [sflag:s8], $0x2800  }
0x7f: {  	s18 =	simm.s32 $0x2C00;
	s9 =	sadd.s32 s10, s7;
	[sflag:s8] =	ssyncset.done $0x0  }
0x80: {  	s15 =	simm.s32 $0x280;
	[sflag:s8] =	ssyncadd.s32 $0xFFFFD800;
	s8 =	sshrl.u32 s9, $0x3  }
0x81: {  	[spmem:s20] =	stream.indirect.scatter.add.f32 [tilespmem:s18], [sflag:$0xE], $0x80, s15, s13, $0xb8;
	[tilespmem:$0x1E400] =	vst v63  }
0x82: {  	s26 =	simm.s32 $0x80;
	s21 =	simm.s32 $0x7;
	s8 =	sadd.s32 s5, s8  }
0x83: {  	[tilespmem:s26], [sflag:$0x2] =	stream.linear.gather [hbm4b:s8+s4], $0x50, $0x38;
	[tilespmem:$0x1E400] =	vst v63  }
0x84: {  	s16 =	smin.u32 s0, $0x76;
	_ =	swait.ge [sflag:s21], $0x50  }
0x85: {  	s8 =	smul.u32 $0x50, s16;
	[sflag:s21] =	ssyncset.done $0x0  }
0x86: {  	s9 =	simm.s32 $0xB;
	[sflag:s21] =	ssyncadd.s32 $0xFFFFFFB0  }
0x87: {  	s8 =	sadd.s32 $0x1E0, s8;
	_ =	swait.ge [sflag:s9], $0x2800  }
0x88: {  	s22 =	simm.s32 $0x5400;
	s16 =	sadd.s32 s10, s8;
	[sflag:s9] =	ssyncset.done $0x0  }
0x89: {  	s25 =	simm.s32 $0x300;
	[sflag:s9] =	ssyncadd.s32 $0xFFFFD800;
	s9 =	sshrl.u32 s16, $0x3  }
0x8a: {  	[spmem:s20] =	stream.indirect.scatter.add.f32 [tilespmem:s22], [sflag:$0xF], $0x80, s25, s13, $0xb8;
	[tilespmem:$0x1E400] =	vst v63  }
0x8b: {  	s6 =	simm.s32 $0x100;
	s2 =	simm.s32 $0x8;
	s9 =	sadd.s32 s5, s9  }
0x8c: {  	[tilespmem:s6], [sflag:$0x3] =	stream.linear.gather [hbm4b:s9+s4], $0x50, $0x38;
	[tilespmem:$0x1E400] =	vst v63  }
0x8d: {  	s0 =	smin.u32 s0, $0x75;
	_ =	swait.ge [sflag:s2], $0x50  }
0x8e: {  	s0 =	smul.u32 $0x50, s0;
	[sflag:s2] =	ssyncset.done $0x0  }
0x8f: {  	s16 =	simm.s32 $0xC;
	[sflag:s2] =	ssyncadd.s32 $0xFFFFFFB0  }
0x90: {  	s24 =	simm.s32 $0x380;
	s0 =	sadd.s32 $0x230, s0;
	_ =	swait.ge [sflag:s16], $0x2800  }
0x91: {  	s3 =	simm.s32 $0x7C00;
	s21 =	sadd.s32 s10, s0;
	[sflag:s16] =	ssyncset.done $0x0  }
0x92: {  	s28 =	smov.u32 s1;
	s9 =	sshrl.u32 s21, $0x3;
	[sflag:s16] =	ssyncadd.s32 $0xFFFFD800  }
0x93: {  	[spmem:s20] =	stream.indirect.scatter.add.f32 [tilespmem:s3], [sflag:$0x10], $0x80, s24, s13, $0xb8;
	[tilespmem:$0x1E400] =	vst v63  }
0x94: {  	s1 =	simm.s32 $0x180;
	s21 =	simm.s32 $0xD;
	s9 =	sadd.s32 s5, s9  }
0x95: {  	[tilespmem:s1], [sflag:$0x4] =	stream.linear.gather [hbm4b:s9+s4], $0x50, $0x38;
	[tilespmem:$0x1E400] =	vst v63  }
0x96: {  	_ =	swait.ge [sflag:s21], $0x2800  }
0x97: {  	[sflag:s21] =	ssyncset.done $0x0  }
0x98: {  	s23 =	simm.s32 $0x1;
	s3 =	rddreg [dreg:$0x15];
	[sflag:s21] =	ssyncadd.s32 $0xFFFFD800  }
0x99: {  	[tilespmem:s12], [sflag:$0x5] =	stream.linear.gather [hbm4b:s3+s4], $0x50, $0x38;
	[tilespmem:$0x1E400] =	vst v63  }
0x9a: {  	_ =	swait.ge [sflag:s23], $0x50  }
0x9b: {  	[sflag:s23] =	ssyncset.done $0x0  }
0x9c: {  	s12 =	simm.s32 $0xE;
	[sflag:s23] =	ssyncadd.s32 $0xFFFFFFB0  }
0x9d: {  	[tilespmem:s19], [sflag:$0x9] =	stream.indirect.gather [hbm4b:s28+s13], $0x80, s4, s13, $0xb8;
	[tilespmem:$0x1E400] =	vst v63  }
0x9e: {  	s7 =	sadd.s32 s14, s7;
	_ =	swait.ge [sflag:s12], $0x2800  }
0x9f: {  	s7 =	sshrl.u32 s7, $0x3;
	[sflag:s12] =	ssyncset.done $0x0  }
0xa0: {  	s30 =	simm.s32 $0x2;
	s7 =	sadd.s32 s5, s7;
	[sflag:s12] =	ssyncadd.s32 $0xFFFFD800  }
0xa1: {  	[tilespmem:s15], [sflag:$0x6] =	stream.linear.gather [hbm4b:s7+s4], $0x50, $0x38;
	[tilespmem:$0x1E400] =	vst v63  }
0xa2: {  	_ =	swait.ge [sflag:s30], $0x50  }
0xa3: {  	[sflag:s30] =	ssyncset.done $0x0  }
0xa4: {  	[sflag:s30] =	ssyncadd.s32 $0xFFFFFFB0  }
0xa5: {  	[tilespmem:s18], [sflag:$0xA] =	stream.indirect.gather [hbm4b:s28+s13], $0x80, s26, s13, $0xb8;
	[tilespmem:$0x1E400] =	vst v63  }
0xa6: {  	s18 =	simm.s32 $0xF  }
0xa7: {  	s30 =	sadd.s32 s14, s8;
	_ =	swait.ge [sflag:s18], $0x2800  }
0xa8: {  	s7 =	sshrl.u32 s30, $0x3;
	[sflag:s18] =	ssyncset.done $0x0  }
0xa9: {  	s29 =	simm.s32 $0x3;
	s7 =	sadd.s32 s5, s7;
	[sflag:s18] =	ssyncadd.s32 $0xFFFFD800  }
0xaa: {  	[tilespmem:s25], [sflag:$0x7] =	stream.linear.gather [hbm4b:s7+s4], $0x50, $0x38;
	[tilespmem:$0x1E400] =	vst v63  }
0xab: {  	_ =	swait.ge [sflag:s29], $0x50  }
0xac: {  	[sflag:s29] =	ssyncset.done $0x0  }
0xad: {  	[sflag:s29] =	ssyncadd.s32 $0xFFFFFFB0  }
0xae: {  	[tilespmem:s22], [sflag:$0xB] =	stream.indirect.gather [hbm4b:s28+s13], $0x80, s6, s13, $0xb8;
	[tilespmem:$0x1E400] =	vst v63  }
0xaf: {  	s22 =	simm.s32 $0x10  }
0xb0: {  	s0 =	sadd.s32 s14, s0;
	_ =	swait.ge [sflag:s22], $0x2800  }
0xb1: {  	s0 =	sshrl.u32 s0, $0x3;
	[sflag:s22] =	ssyncset.done $0x0  }
0xb2: {  	s0 =	sadd.s32 s5, s0;
	[sflag:s22] =	ssyncadd.s32 $0xFFFFD800  }
0xb3: {  	[tilespmem:s24], [sflag:$0x8] =	stream.linear.gather [hbm4b:s0+s4], $0x50, $0x38;
	[tilespmem:$0x1E400] =	vst v63  }
0xb4: {  	s8 =	smov.u32 s3;
	_ =	swait.ge [sflag:s17], $0x50  }
0xb5: {  	s7 =	smov.u32 s11;
	s0 =	simm.s32 $0x4;
	[sflag:s17] =	ssyncset.done $0x0  }
.LBB2_4:
0xb6: {  	[sflag:s17] =	ssyncadd.s32 $0xFFFFFFB0  }
0xb7: {  	s24 =	simm.s32 $0x180;
	s1 =	simm.s32 $0x7C00;
	s3 =	simm.s32 $0x5  }
0xb8: {  	[tilespmem:s1], [sflag:$0xC] =	stream.indirect.gather [hbm4b:s28+s13], $0x80, s24, s13, $0xb8;
	[tilespmem:$0x1E400] =	vst v63  }
0xb9: {  	_ =	swait.ge [sflag:s3], $0x50  }
0xba: {  	[sflag:s3] =	ssyncset.done $0x0  }
0xbb: {  	s17 =	simm.s32 $0x9;
	[sflag:s3] =	ssyncadd.s32 $0xFFFFFFB0  }
0xbc: {  	_ =	swait.ge [sflag:s17], $0x2800  }
0xbd: {  	s7 =	sadd.s32 $0x140, s7;
	[sflag:s17] =	ssyncset.done $0x0  }
0xbe: {  	s9 =	sshrl.u32 s7, $0x3;
	s28 =	simm.s32 $0x200;
	[sflag:s17] =	ssyncadd.s32 $0xFFFFD800  }
0xbf: {  	[spmem:s20] =	stream.indirect.scatter.add.f32 [tilespmem:s19], [sflag:$0xD], $0x80, s28, s13, $0xb8;
	[tilespmem:$0x1E400] =	vst v63  }
0xc0: {  	s11 =	smov.u32 s0;
	s26 =	simm.s32 $0x6;
	s9 =	sadd.s32 s5, s9  }
0xc1: {  	[tilespmem:s4], [sflag:$0x1] =	stream.linear.gather [hbm4b:s9+s4], $0x50, $0x38;
	[tilespmem:$0x1E400] =	vst v63  }
0xc2: {  	s25 =	smin.u32 s11, $0x77;
	_ =	swait.ge [sflag:s26], $0x50  }
0xc3: {  	s9 =	smul.u32 $0x50, s25;
	[sflag:s26] =	ssyncset.done $0x0  }
0xc4: {  	s29 =	simm.s32 $0xA;
	[sflag:s26] =	ssyncadd.s32 $0xFFFFFFB0  }
0xc5: {  	s9 =	sadd.s32 $0x190, s9;
	_ =	swait.ge [sflag:s29], $0x2800  }
0xc6: {  	s15 =	simm.s32 $0x280;
	s30 =	sadd.s32 s10, s9;
	[sflag:s29] =	ssyncset.done $0x0  }
0xc7: {  	s17 =	sshrl.u32 s30, $0x3;
	[sflag:s29] =	ssyncadd.s32 $0xFFFFD800;
	s29 =	simm.s32 $0x2C00  }
0xc8: {  	[spmem:s20] =	stream.indirect.scatter.add.f32 [tilespmem:s29], [sflag:$0xE], $0x80, s15, s13, $0xb8;
	[tilespmem:$0x1E400] =	vst v63  }
0xc9: {  	s19 =	simm.s32 $0x7;
	s26 =	simm.s32 $0x80;
	s17 =	sadd.s32 s5, s17  }
0xca: {  	[tilespmem:s26], [sflag:$0x2] =	stream.linear.gather [hbm4b:s17+s4], $0x50, $0x38;
	[tilespmem:$0x1E400] =	vst v63  }
0xcb: {  	s6 =	smin.u32 s11, $0x76;
	_ =	swait.ge [sflag:s19], $0x50  }
0xcc: {  	s17 =	smul.u32 $0x50, s6;
	[sflag:s19] =	ssyncset.done $0x0  }
0xcd: {  	s25 =	simm.s32 $0xB;
	[sflag:s19] =	ssyncadd.s32 $0xFFFFFFB0  }
0xce: {  	s17 =	sadd.s32 $0x1E0, s17;
	_ =	swait.ge [sflag:s25], $0x2800  }
0xcf: {  	s30 =	sadd.s32 s10, s17;
	[sflag:s25] =	ssyncset.done $0x0  }
0xd0: {  	s19 =	sshrl.u32 s30, $0x3;
	s30 =	simm.s32 $0x5400;
	[sflag:s25] =	ssyncadd.s32 $0xFFFFD800  }
0xd1: {  	[spmem:s20] =	stream.indirect.scatter.add.f32 [tilespmem:s30], [sflag:$0xF], $0x80, s31, s13, $0xb8;
	[tilespmem:$0x1E400] =	vst v63  }
0xd2: {  	s6 =	simm.s32 $0x100;
	s19 =	sadd.s32 s5, s19  }
0xd3: {  	[tilespmem:s6], [sflag:$0x3] =	stream.linear.gather [hbm4b:s19+s4], $0x50, $0x38;
	[tilespmem:$0x1E400] =	vst v63  }
0xd4: {  	s11 =	smin.u32 s11, $0x75;
	_ =	swait.ge [sflag:s2], $0x50  }
0xd5: {  	s11 =	smul.u32 $0x50, s11;
	[sflag:s2] =	ssyncset.done $0x0  }
0xd6: {  	[sflag:s2] =	ssyncadd.s32 $0xFFFFFFB0  }
0xd7: {  	s11 =	sadd.s32 $0x230, s11;
	_ =	swait.ge [sflag:s16], $0x2800  }
0xd8: {  	s3 =	sadd.s32 s10, s11;
	[sflag:s16] =	ssyncset.done $0x0  }
0xd9: {  	s25 =	simm.s32 $0x380;
	s19 =	sshrl.u32 s3, $0x3;
	[sflag:s16] =	ssyncadd.s32 $0xFFFFD800  }
0xda: {  	[spmem:s20] =	stream.indirect.scatter.add.f32 [tilespmem:s1], [sflag:$0x10], $0x80, s25, s13, $0xb8;
	[tilespmem:$0x1E400] =	vst v63  }
0xdb: {  	s19 =	sadd.s32 s5, s19  }
0xdc: {  	[tilespmem:s24], [sflag:$0x4] =	stream.linear.gather [hbm4b:s19+s4], $0x50, $0x38;
	[tilespmem:$0x1E400] =	vst v63  }
0xdd: {  	_ =	swait.ge [sflag:s21], $0x2800  }
0xde: {  	[sflag:s21] =	ssyncset.done $0x0  }
0xdf: {  	s8 =	sadd.s32 $0x28, s8;
	[sflag:s21] =	ssyncadd.s32 $0xFFFFD800  }
0xe0: {  	[tilespmem:s28], [sflag:$0x5] =	stream.linear.gather [hbm4b:s8+s4], $0x50, $0x38;
	[tilespmem:$0x1E400] =	vst v63  }
0xe1: {  	s28 =	rddreg [dreg:$0x0];
	_ =	swait.ge [sflag:s23], $0x50  }
0xe2: {  	[sflag:s23] =	ssyncset.done $0x0  }
0xe3: {  	s19 =	simm.s32 $0x400;
	[sflag:s23] =	ssyncadd.s32 $0xFFFFFFB0  }
0xe4: {  	[tilespmem:s19], [sflag:$0x9] =	stream.indirect.gather [hbm4b:s28+s13], $0x80, s4, s13, $0xb8;
	[tilespmem:$0x1E400] =	vst v63  }
0xe5: {  	s9 =	sadd.s32 s14, s9;
	_ =	swait.ge [sflag:s12], $0x2800  }
0xe6: {  	s9 =	sshrl.u32 s9, $0x3;
	[sflag:s12] =	ssyncset.done $0x0  }
0xe7: {  	s9 =	sadd.s32 s5, s9;
	[sflag:s12] =	ssyncadd.s32 $0xFFFFD800  }
0xe8: {  	[tilespmem:s15], [sflag:$0x6] =	stream.linear.gather [hbm4b:s9+s4], $0x50, $0x38;
	[tilespmem:$0x1E400] =	vst v63  }
0xe9: {  	s15 =	simm.s32 $0x2  }
0xea: {  	_ =	swait.ge [sflag:s15], $0x50  }
0xeb: {  	[sflag:s15] =	ssyncset.done $0x0  }
0xec: {  	[sflag:s15] =	ssyncadd.s32 $0xFFFFFFB0  }
0xed: {  	[tilespmem:s29], [sflag:$0xA] =	stream.indirect.gather [hbm4b:s28+s13], $0x80, s26, s13, $0xb8;
	[tilespmem:$0x1E400] =	vst v63  }
0xee: {  	s17 =	sadd.s32 s14, s17;
	_ =	swait.ge [sflag:s18], $0x2800  }
0xef: {  	s17 =	sshrl.u32 s17, $0x3;
	[sflag:s18] =	ssyncset.done $0x0  }
0xf0: {  	s26 =	sadd.s32 s5, s17;
	s29 =	simm.s32 $0x3;
	[sflag:s18] =	ssyncadd.s32 $0xFFFFD800  }
0xf1: {  	[tilespmem:s31], [sflag:$0x7] =	stream.linear.gather [hbm4b:s26+s4], $0x50, $0x38;
	[tilespmem:$0x1E400] =	vst v63  }
0xf2: {  	_ =	swait.ge [sflag:s29], $0x50  }
0xf3: {  	[sflag:s29] =	ssyncset.done $0x0  }
0xf4: {  	[sflag:s29] =	ssyncadd.s32 $0xFFFFFFB0  }
0xf5: {  	[tilespmem:s30], [sflag:$0xB] =	stream.indirect.gather [hbm4b:s28+s13], $0x80, s6, s13, $0xb8;
	[tilespmem:$0x1E400] =	vst v63  }
0xf6: {  	p0 =	sne.s32 s0, $0x78;
	s11 =	sadd.s32 s14, s11;
	_ =	swait.ge [sflag:s22], $0x2800  }
.Ltmp1:
0xf7: {  	s11 =	sshrl.u32 s11, $0x3;
	[sflag:s22] =	ssyncset.done $0x0;
	(pc) =	sbr.rel @p0 .LBB2_4-.Ltmp1, $4  }
0xf8: {  	s17 =	simm.s32 $0x4;
	s30 =	sadd.s32 s5, s11;
	[sflag:s22] =	ssyncadd.s32 $0xFFFFD800  }
0xf9: {  	[tilespmem:s25], [sflag:$0x8] =	stream.linear.gather [hbm4b:s30+s4], $0x50, $0x38;
	[tilespmem:$0x1E400] =	vst v63  }
0xfa: {  	s0 =	sadd.s32 $0x4, s0;
	s3 =	simm.s32 $0x7C00;
	_ =	swait.ge [sflag:s17], $0x50  }
0xfb: {  	s1 =	simm.s32 $0x180;
	s24 =	simm.s32 $0x200;
	[sflag:s17] =	ssyncset.done $0x0  }
0xfc: {  	[sflag:s17] =	ssyncadd.s32 $0xFFFFFFB0;
	s0 =	simm.s32 $0x5  }
0xfd: {  	[tilespmem:s3], [sflag:$0xC] =	stream.indirect.gather [hbm4b:s28+s13], $0x80, s1, s13, $0xb8;
	[tilespmem:$0x1E400] =	vst v63  }
0xfe: {  	_ =	swait.ge [sflag:s0], $0x50  }
0xff: {  	[sflag:s0] =	ssyncset.done $0x0  }
0x100: {  	s21 =	simm.s32 $0x9;
	[sflag:s0] =	ssyncadd.s32 $0xFFFFFFB0  }
0x101: {  	_ =	swait.ge [sflag:s21], $0x2800  }
0x102: {  	[sflag:s21] =	ssyncset.done $0x0  }
0x103: {  	s9 =	simm.s32 $0x11;
	[sflag:s21] =	ssyncadd.s32 $0xFFFFD800  }
0x104: {  	[spmem:s20] =	stream.indirect.scatter.add.f32 [tilespmem:s19], [sflag:$0x11], $0x80, s24, s13, $0xb8;
	[tilespmem:$0x1E400] =	vst v63  }
0x105: {  	_ =	swait.ge [sflag:s9], $0x2800  }
0x106: {  	[sflag:s9] =	ssyncset.done $0x0  }
0x107: {  	s22 =	simm.s32 $0x6;
	[sflag:s9] =	ssyncadd.s32 $0xFFFFD800  }
0x108: {  	_ =	swait.ge [sflag:s22], $0x50  }
0x109: {  	[sflag:s22] =	ssyncset.done $0x0  }
0x10a: {  	s23 =	simm.s32 $0xA;
	[sflag:s22] =	ssyncadd.s32 $0xFFFFFFB0  }
0x10b: {  	_ =	swait.ge [sflag:s23], $0x2800  }
0x10c: {  	[sflag:s23] =	ssyncset.done $0x0  }
0x10d: {  	s24 =	simm.s32 $0x7;
	[sflag:s23] =	ssyncadd.s32 $0xFFFFD800  }
0x10e: {  	_ =	swait.ge [sflag:s24], $0x50  }
0x10f: {  	[sflag:s24] =	ssyncset.done $0x0  }
0x110: {  	s25 =	simm.s32 $0xB;
	[sflag:s24] =	ssyncadd.s32 $0xFFFFFFB0  }
0x111: {  	_ =	swait.ge [sflag:s25], $0x2800  }
0x112: {  	[sflag:s25] =	ssyncset.done $0x0  }
0x113: {  	[sflag:s25] =	ssyncadd.s32 $0xFFFFD800  }
0x114: {  	_ =	swait.ge [sflag:s2], $0x50  }
0x115: {  	[sflag:s2] =	ssyncset.done $0x0  }
0x116: {  	[sflag:s2] =	ssyncadd.s32 $0xFFFFFFB0  }
0x117: {  	_ =	swait.ge [sflag:s16], $0x2800  }
0x118: {  	[sflag:s16] =	ssyncset.done $0x0  }
0x119: {  	[sflag:s16] =	ssyncadd.s32 $0xFFFFD800  }
0x11a: {  	s26 =	stileid.u32;
	[bflag:$0x0] =	sbarrier.arrive $0xFFFF  }
0x11b: {  	s0 =	sshll.u32 s26, $0x6;
	s17 =	rddreg [dreg:$0x4]  }
0x11c: {  	s0 =	sor.u32 $0x1C11, s0;
	s8 =	rddreg [dreg:$0x12];
	s7 =	sshrl.u32 s17, $0x3  }
0x11d: {  	[hbm:s8], [sflag:s0] =	dma.local [spmem:s7], $0x2800  }
0x11e: {  	_ =	swait.ge [sflag:s9], $0x2800  }
0x11f: {  	s29 =	rddreg [dreg:$0x18]  }
0x120: {  	s11 =	simm.s32 $0x80;
	s30 =	rddreg [dreg:$0x13];
	s2 =	sadd.s32 $0x1, s29  }
0x121: {  	s12 =	simm.s32 $0x280;
	s18 =	simm.s32 $0x300;
	p0 =	sne.s32 s2, s30  }
.Ltmp2:
0x122: {  	s15 =	simm.s32 $0x3;
	s6 =	simm.s32 $0x7C00;
	(pc) =	sbr.rel @p0 .LBB2_1-.Ltmp2, $4  }
0x123: {  	s3 =	simm.s32 $0x180;
	s28 =	simm.s32 $0x9;
	s26 =	simm.s32 $0x2C00  }
0x124: {  	s21 =	simm.s32 $0x380;
	s22 =	simm.s32 $0x1;
	s23 =	simm.s32 $0x2  }
0x125: {  	s24 =	simm.s32 $0x5400;
	s25 =	simm.s32 $0x5;
	[sflag:s9] =	ssyncset.done $0x0  }
0x126: {  	s16 =	simm.s32 $0x100;
	s8 =	simm.s32 $0x200;
	[sflag:s9] =	ssyncadd.s32 $0xFFFFD800  }
0x127: {  	_ =	sfence.sel $0x180000  }
0x128: {  	[bflag:$0x0] =	sbarrier.arrive $0xFFFF  }
0x129: {  	_ =	strace $0x9000004A  }
0x12a: {  	s0 =	stileid.u32;
	[bflag:$0x2] =	sbarrier.arrive $0xFFFF  }
0x12b: {  	p0 =	sne.s32 s0, $0x0;
	s0 =	rddreg [dreg:$0x3]  }
0x12c: {  	s0 =	sadd.s32 @!p0 $0x100000, s0  }
0x12d: {  	[sflag:s0] =	ssyncadd.tile.s32 @!p0 $0x1;
	_ =	shalt  }
.Lfunc_end2:
_tile_overlayer_lowered:
.L_overlay_start_2:
0x12e: {  	(tag) =	ssettag $0x2  }
0x12f: {  	s0 =	rddreg [dreg:$0x0];
	s2 =	stileid.u32  }
0x130: {  	s1 =	rddreg [dreg:$0x1];
	p0 =	sne.s32 s2, $0x0  }
0x131: {  	s3 =	rddreg [dreg:$0x2];
	[bflag:$0x3] =	sbarrier.arrive $0xFFFF;
	s2 =	simm.s32 @!p0 $0x1C11  }
0x132: {  	[timem:s3], [sflag:s2] =	dma.local @!p0 [hbm:s0], s1  }
0x133: {  	s0 =	simm.s32 @!p0 $0x11  }
0x134: {  	_ =	swait.ge @!p0 [sflag:s0], s1  }
0x135: {  	s1 =	ssub.s32 @!p0 $0x0, s1;
	[sflag:s0] =	ssyncset.done @!p0 $0x0  }
0x136: {  	[sflag:s0] =	ssyncadd.s32 @!p0 s1  }
0x137: {  	[bflag:$0x3] =	sbarrier.arrive $0xFFFF  }
0x138: {  	_ =	shalt  }

// kernel: kernel.15.cloned.1.call-start
scs
__scs_entry_jumppad:
0x0: {  	(pc) =	sbr.rel $0x88, $3  }
0x1: {  	(tag) =	ssettag $0x0;
	lr =	simm.s32 $0x1  }
0x2: {  	[smem:$0x3F99] =	sst lr;
	_ =	strace $0xD0000000  }
0x3: {  	_ = 	snop  }
0x4: {  	_ = 	snop  }
0x5: {  	_ = 	snop  }
0x6: {  	_ = 	snop  }
0x7: {  	_ = 	snop  }
__scs_overlays_trampoline_lowered:
0x8: {  	[smem:$0x3FA8] =	sst s0  }
0x9: {  	[smem:$0x3FA9] =	sst s1  }
0xa: {  	[smem:$0x3FAA] =	sst s2  }
0xb: {  	[smem:$0x3FAB] =	sst s3  }
0xc: {  	[smem:$0x3FAC] =	sst s4  }
0xd: {  	[smem:$0x3FAD] =	sst s5  }
0xe: {  	[smem:$0x3FAE] =	sst s6  }
0xf: {  	[smem:$0x3FAF] =	sst s7  }
0x10: {  	[smem:$0x3FB0] =	sst s8  }
0x11: {  	[smem:$0x3FB1] =	sst s9;
	s0 =	simm.s32 @!p0 $0x0  }
0x12: {  	s1 =	sld [smem:$0x3F97];
	s0 =	simm.s32 @p0 $0x1  }
0x13: {  	[smem:$0x3FB2] =	sst s0;
	s0 =	simm.s32 @!p1 $0x0  }
0x14: {  	s2 =	sld [smem:$0x3F96];
	s0 =	simm.s32 @p1 $0x1  }
0x15: {  	[smem:$0x3FB3] =	sst s0;
	s0 =	simm.s32 @!p2 $0x0  }
0x16: {  	s3 =	sld [smem:$0x3FDB];
	s0 =	simm.s32 @p2 $0x1  }
0x17: {  	s4 =	simm.s32 $0x1BF5;
	[smem:$0x3FB5] =	sst s0  }
0x18: {  	s0 =	sld [smem:$0x3F98];
	_ =	swait.ge [sflag:s4], $0x0  }
0x19: {  	s7 =	sld [smem:$0x3F99]  }
0x1a: {  	s8 =	sadd.s32 $0xFFFFE003, lr  }
0x1b: {  	s9 =	sadd.s32 $0xFFFFFEF7, lr;
	s5 =	simm.s32 $0xFFFFFFFF;
	p2 =	slt.u32 s8, $0xFFFFF086  }
0x1c: {  	p1 =	slt.u32 s9, $0xF7A;
	s5 =	simm.s32 @!p2 $0x0  }
0x1d: {  	s5 =	simm.s32 @p1 $0x1;
	p0 =	seq.s32 s7, s2  }
0x1e: {  	s7 =	smul.u32 @!p0 $0xF7A, s2;
	p2 =	seq.s32 @!p0 s5, $0x0  }
0x1f: {  	s9 =	smul.u32 $0xF7A, s1;
	s8 =	simm.s32 @!p0 $0x1BF5;
	p2 =	por !p2, p0  }
0x20: {  	[sflag:s8] =	ssyncset.s32 @!p0 $0xFFFFF086;
	s6 =	sadd.s32 @!p0 s3, s7;
	s7 =	simm.s32 @!p0 $0x108  }
0x21: {  	s3 =	sadd.s32 s3, s9;
	s6 =	sadd.s32 @!p0 $0x88, s6;
	s7 =	simm.s32 @p2 $0x1082  }
0x22: {  	[simem:s7], [sflag:s8] =	dma.local @!p0 [hbm:s6], $0xF7A  }
0x23: {  	s9 =	sor.u32 $0xD0000000, s2;
	s6 =	simm.s32 $0x108;
	_ =	swait.ge @!p0 [sflag:s8], $0x0  }
0x24: {  	s3 =	sadd.s32 $0x88, s3;
	s6 =	simm.s32 @!p1 $0x1082;
	[sflag:s4] =	ssyncset.s32 $0xFFFFF086  }
0x25: {  	[simem:s6], [sflag:s4] =	dma.local [hbm:s3], $0xF7A  }
0x26: {  	[smem:$0x3F99] =	sst s1;
	(tag) =	ssettag s2;
	_ =	strace s9  }
0x27: {  	s1 =	sld [smem:$0x3FA9]  }
0x28: {  	s2 =	sld [smem:$0x3FAA]  }
0x29: {  	s4 =	sld [smem:$0x3FAC]  }
0x2a: {  	p0 =	seq.s32 s5, $0x0;
	s5 =	sld [smem:$0x3FAD]  }
0x2b: {  	s6 =	sld [smem:$0x3FAE]  }
0x2c: {  	s7 =	sld [smem:$0x3FAF]  }
0x2d: {  	s3 =	simm.s32 $0x108;
	s8 =	sld [smem:$0x3FB0]  }
0x2e: {  	s3 =	simm.s32 @!p0 $0x1082;
	s9 =	sld [smem:$0x3FB1]  }
0x2f: {  	lr =	sadd.s32 s0, s3;
	s0 =	sld [smem:$0x3FA8]  }
0x30: {  	s3 =	sld [smem:$0x3FAB]  }
0x31: {  	[smem:$0x3FB4] =	sst s10  }
0x32: {  	s10 =	sld [smem:$0x3FB2];
	_ =	sdelay $0x3  }
0x33: {  	p0 =	seq.s32 s10, $0x1;
	s10 =	sld [smem:$0x3FB4];
	_ =	sdelay $0x3  }
0x34: {  	[smem:$0x3FB4] =	sst s10  }
0x35: {  	s10 =	sld [smem:$0x3FB3];
	_ =	sdelay $0x3  }
0x36: {  	p1 =	seq.s32 s10, $0x1;
	s10 =	sld [smem:$0x3FB4];
	_ =	sdelay $0x3  }
0x37: {  	[smem:$0x3FB4] =	sst s10  }
0x38: {  	s10 =	sld [smem:$0x3FB5]  }
0x39: {  	_ = 	snop;
	(pc) =	sbr.ind lr, $3  }
0x3a: {  	_ = 	snop  }
0x3b: {  	_ = 	snop  }
0x3c: {  	p2 =	seq.s32 s10, $0x1;
	s10 =	sld [smem:$0x3FB4]  }
0x3d: {  	_ =	shalt  }
0x3e: {  	_ =	shalt  }
0x3f: {  	_ =	shalt  }
0x40: {  	_ =	shalt  }
0x41: {  	_ =	shalt  }
0x42: {  	_ =	shalt  }
0x43: {  	_ =	shalt  }
0x44: {  	_ =	shalt  }
0x45: {  	_ =	shalt  }
0x46: {  	_ =	shalt  }
0x47: {  	_ =	shalt  }
0x48: {  	_ =	shalt  }
0x49: {  	_ =	shalt  }
0x4a: {  	_ =	shalt  }
0x4b: {  	_ =	shalt  }
0x4c: {  	_ =	shalt  }
0x4d: {  	_ =	shalt  }
0x4e: {  	_ =	shalt  }
0x4f: {  	_ =	shalt  }
0x50: {  	_ =	shalt  }
0x51: {  	_ =	shalt  }
0x52: {  	_ =	shalt  }
0x53: {  	_ =	shalt  }
0x54: {  	_ =	shalt  }
0x55: {  	_ =	shalt  }
0x56: {  	_ =	shalt  }
0x57: {  	_ =	shalt  }
0x58: {  	_ =	shalt  }
0x59: {  	_ =	shalt  }
0x5a: {  	_ =	shalt  }
0x5b: {  	_ =	shalt  }
0x5c: {  	_ =	shalt  }
0x5d: {  	_ =	shalt  }
0x5e: {  	_ =	shalt  }
0x5f: {  	_ =	shalt  }
0x60: {  	_ =	shalt  }
0x61: {  	_ =	shalt  }
0x62: {  	_ =	shalt  }
0x63: {  	_ =	shalt  }
0x64: {  	_ =	shalt  }
0x65: {  	_ =	shalt  }
0x66: {  	_ =	shalt  }
0x67: {  	_ =	shalt  }
0x68: {  	_ =	shalt  }
0x69: {  	_ =	shalt  }
0x6a: {  	_ =	shalt  }
0x6b: {  	_ =	shalt  }
0x6c: {  	_ =	shalt  }
0x6d: {  	_ =	shalt  }
0x6e: {  	_ =	shalt  }
0x6f: {  	_ =	shalt  }
0x70: {  	_ =	shalt  }
0x71: {  	_ =	shalt  }
0x72: {  	_ =	shalt  }
0x73: {  	_ =	shalt  }
0x74: {  	_ =	shalt  }
0x75: {  	_ =	shalt  }
0x76: {  	_ =	shalt  }
0x77: {  	_ =	shalt  }
0x78: {  	_ =	shalt  }
0x79: {  	_ =	shalt  }
0x7a: {  	_ =	shalt  }
0x7b: {  	_ =	shalt  }
0x7c: {  	_ =	shalt  }
0x7d: {  	_ =	shalt  }
0x7e: {  	_ =	shalt  }
0x7f: {  	_ =	shalt  }
0x80: {  	_ =	shalt  }
0x81: {  	_ =	shalt  }
0x82: {  	_ =	shalt  }
0x83: {  	_ =	shalt  }
0x84: {  	_ =	shalt  }
0x85: {  	_ =	shalt  }
0x86: {  	_ =	shalt  }
0x87: {  	_ =	shalt  }
.Lfunc_end0:
.L_simem_size_0:
called_computation.2_lowered:
.L_overlay_start_0:
0x88: {  	s2 =	sld [smem:$0x3FD9]  }
0x89: {  	s3 =	sld [smem:$0x3FFE];
	_ =	sdelay $0x1  }
0x8a: {  	s1 =	srdreg.scid  }
0x8b: {  	s0 =	sand.u32 $0x1, s1  }
0x8c: {  	s17 =	sshll.u32 s0, $0xA;
	s2 =	sadd.s32 s3, s2  }
0x8d: {  	s2 =	sadd.s32 s2, s17  }
0x8e: {  	[smem:$0x3FC0] =	sst s2  }
0x8f: {  	_ = 	snop  }
0x90: {  	s2 =	sld [smem:$0x3FD0];
	(tm) =	ssettm $0x1  }
0x91: {  	s18 =	sld [smem:$0x3FFB];
	_ =	sdelay $0x3  }
0x92: {  	_ =	strace s18  }
0x93: {  	s3 =	sld [smem:$0x3FFC];
	_ =	sdelay $0x3  }
0x94: {  	_ =	strace s3  }
0x95: {  	s3 =	sld [smem:$0x3FFD];
	_ =	sdelay $0x3  }
0x96: {  	_ =	strace s3  }
0x97: {  	_ =	strace $0x8FFFFFFF  }
0x98: {  	s19 =	sld [smem:$0x3FDB];
	_ =	sdelay $0x1  }
0x99: {  	s4 =	simm.s32 $_scs_section_size  }
0x9a: {  	s5 =	simm.s32 $_size__tile_overlayer_lowered;
	s6 =	simm.s32 $_tile_overlayer_lowered  }
0x9b: {  	s22 =	simm.s32 $0x1BFF;
	s21 =	sshll.u32 s6, $0x1;
	s3 =	sadd.s32 s4, s19  }
0x9c: {  	s7 =	simm.s32 $0x0;
	s20 =	sshll.u32 s5, $0x1;
	s5 =	sadd.s32 s21, s3  }
0x9d: {  	[timem:s7], [sflag:s22] =	dma.local [hbm:s5], s20  }
0x9e: {  	_ =	swait.ge [sflag:s22], s20  }
0x9f: {  	s4 =	ssub.s32 $0x0, s20;
	[sflag:s22] =	ssyncset.done $0x0  }
0xa0: {  	[sflag:s22] =	ssyncadd.s32 s4;
	_ =	sdelay $0x1  }
0xa1: {  	s23 =	simm.s32 $0x1B8B  }
0xa2: {  	_ =	swait.ge [sflag:s23], $0x1  }
0xa3: {  	[sflag:s23] =	ssyncset.done $0x0  }
0xa4: {  	s25 =	simm.s32 $0x1B8E;
	s24 =	sld [smem:$0x3FFE];
	[sflag:s23] =	ssyncadd.s32 $0xFFFFFFFF  }
0xa5: {  	s26 =	simm.s32 $execute0_lowered;
	[smem:$0x3FD2] =	sst s25  }
0xa6: {  	s5 =	sshll.u32 s26, $0x1;
	_ =	strace $0x8000004C;
	[dreg:$0x1] =	wrdreg $0xFFFFFFFF  }
0xa7: {  	s28 =	simm.s32 $_size_execute0_lowered;
	s3 =	sadd.s32 s3, s5;
	[dreg:$0x0] =	wrdreg $0x0  }
0xa8: {  	s5 =	sshll.u32 s28, $0x1;
	[dreg:$0x2] =	wrdreg s3  }
0xa9: {  	[dreg:$0x3] =	wrdreg s5  }
0xaa: {  	[dreg:$0x4] =	wrdreg $0xC0  }
0xab: {  	_ =	task [dreg:s7], $0x5FFFF  }
0xac: {  	[dreg:$0x1] =	wrdreg $0xFFFFFFFF  }
0xad: {  	[dreg:$0x0] =	wrdreg $0x60  }
0xae: {  	[dreg:$0x2] =	wrdreg s2  }
0xaf: {  	[dreg:$0x3] =	wrdreg s24  }
0xb0: {  	[dreg:$0x4] =	wrdreg $0xA4000  }
0xb1: {  	[dreg:$0x5] =	wrdreg $0x9  }
0xb2: {  	_ =	task.clear_ibuf [dreg:s7], $0x6FFFF;
	_ =	strace $0x9000004C  }
0xb3: {  	s29 =	simm.s32 $0x9;
	_ =	strace $0x8000004E  }
0xb4: {  	_ =	swait.ge [sflag:s29], $0x1  }
0xb5: {  	[sflag:s29] =	ssyncadd.s32 $0xFFFFFFFF  }
0xb6: {  	_ =	strace $0x9000004E  }
0xb7: {  	_ =	sfence  }
0xb8: {  	s30 =	sld [smem:$0x0];
	_ =	sdelay $0x2  }
0xb9: {  	s31 =	sshll.u32 s1, $0xD;
	s1 =	sshrl.u32 s1, $0x2  }
0xba: {  	s3 =	sand.u32 $0x4000, s31;
	s1 =	sadd.s32 s1, s30  }
0xbb: {  	s0 =	sor.u32 s3, s0;
	s1 =	sshll.u32 s1, $0x11  }
0xbc: {  	s0 =	sor.u32 s1, s0  }
0xbd: {  	s0 =	sadd.s32 $0x8F2B, s0  }
0xbe: {  	[sflag:s0] =	ssyncadd.remote.s32 $0x1  }
0xbf: {  	_ =	sfence.sel $0xFFFF  }
0xc0: {  	[dreg:$0x0] =	wrdreg $0xFFFFFFFF;
	(pc) =	sbr.abs _section_cstart, $3  }
0xc1: {  	[dreg:$0x1] =	wrdreg $0xFFFFFFFF  }
0xc2: {  	_ =	task.clear_ibuf [dreg:s7], $0x2FFFF;
	_ =	strace $0x9FFFFFFF  }
0xc3: {  	(tm) =	ssettm $0x7FFFFFFF  }
tec
execute0_lowered:
.L_overlay_start_1:
0x0: {  	(tag) =	ssettag $0x1  }
0x1: {  	s0 =	srdreg.scid  }
0x2: {  	s2 =	rddreg [dreg:$0x1];
	s11 =	stileid.u32  }
0x3: {  	s20 =	rddreg [dreg:$0x2];
	s4 =	simm.s32 $0x0;
	s6 =	smul.u32 $0x14000, s11  }
0x4: {  	s28 =	simm.s32 $0x9;
	s31 =	simm.s32 $0x300;
	s7 =	smul.u32 $0x50000, s11  }
0x5: {  	s0 =	sand.u32 $0x1, s0;
	[smem:$0x7FF] =	sst s4;
	s18 =	smul.u32 $0x2710, s11  }
0x6: {  	s5 =	smul.u32 $0x140000, s0;
	_ =	strace $0x8000004D;
	s26 =	ssub.s32 $0x2, s0  }
0x7: {  	s9 =	sshll.u32 s0, $0x4;
	s0 =	smul.u32 $0x27100, s0;
	s7 =	sshrl.u32 s7, $0x2  }
0x8: {  	s8 =	sshrl.u32 s26, $0x1;
	s29 =	sor.u32 s11, s9;
	s11 =	simm.s32 $0x80  }
0x9: {  	s6 =	sadd.s32 s6, s5;
	s5 =	sadd.s32 $0x3A00, s2;
	s17 =	sadd.s32 s7, s20  }
0xa: {  	s10 =	smul.u32 $0x2710, s29;
	s0 =	sadd.s32 s18, s0;
	s18 =	simm.s32 $0x300  }
0xb: {  	s6 =	sshrl.u32 s6, $0x3;
	s30 =	sadd.s32 $0x2800, s17;
	[dreg:$0x4] =	wrdreg s17  }
0xc: {  	s1 =	sadd.s32 $0x5000, s17;
	s3 =	sadd.s32 $0x7800, s17;
	[dreg:$0x5] =	wrdreg s30  }
0xd: {  	s9 =	sadd.s32 $0xC800, s17;
	s12 =	sadd.s32 $0xF000, s17;
	[dreg:$0x6] =	wrdreg s1  }
0xe: {  	s19 =	sadd.s32 $0x11800, s17;
	s25 =	sadd.s32 $0x4E340, s0;
	[dreg:$0x7] =	wrdreg s3  }
0xf: {  	s0 =	sadd.s32 $0x140, s0;
	s2 =	sadd.s32 s6, s2;
	[dreg:$0x9] =	wrdreg s9  }
0x10: {  	s6 =	ssub.s32 s26, s8;
	s8 =	sadd.s32 $0xA000, s17;
	[dreg:$0xa] =	wrdreg s12  }
0x11: {  	s13 =	sshrl.u32 s10, $0x3;
	s14 =	sadd.s32 $0x4E200, s10;
	[dreg:$0xc] =	wrdreg s19  }
0x12: {  	[dreg:$0x14] =	wrdreg s0;
	s26 =	sshrl.u32 s25, $0x3;
	s19 =	simm.s32 $0x400  }
0x13: {  	s9 =	simm.s32 $0x11;
	[dreg:$0x8] =	wrdreg s8;
	s2 =	sadd.s32 $0x17400, s2  }
0x14: {  	s12 =	simm.s32 $0x280;
	s6 =	smax.u32 s6, $0x1;
	[dreg:$0x12] =	wrdreg s2  }
0x15: {  	s3 =	simm.s32 $0x180;
	s0 =	sadd.s32 s26, s5;
	[dreg:$0x13] =	wrdreg s6  }
0x16: {  	s15 =	sadd.s32 s5, s13;
	s16 =	sshrl.u32 s14, $0x3;
	[dreg:$0x15] =	wrdreg s0  }
0x17: {  	s25 =	simm.s32 $0x5;
	s7 =	sadd.s32 s5, s16;
	[dreg:$0xb] =	wrdreg s15  }
0x18: {  	s8 =	simm.s32 $0x200;
	s21 =	sadd.s32 $0xA, s15;
	[dreg:$0xd] =	wrdreg s7  }
0x19: {  	s13 =	simm.s32 $0x50;
	s22 =	sadd.s32 $0x9C4A, s15;
	[dreg:$0xe] =	wrdreg s21  }
0x1a: {  	s26 =	simm.s32 $0x2C00;
	s23 =	sadd.s32 $0x14, s15;
	[dreg:$0xf] =	wrdreg s22  }
0x1b: {  	s24 =	sadd.s32 $0x9C54, s15;
	s29 =	sadd.s32 $0x1E, s15;
	[dreg:$0x10] =	wrdreg s23  }
0x1c: {  	s30 =	sadd.s32 $0x9C5E, s15;
	s16 =	simm.s32 $0x100;
	[dreg:$0x11] =	wrdreg s24  }
0x1d: {  	s15 =	simm.s32 $0x3;
	s6 =	simm.s32 $0x7C00;
	[dreg:$0x16] =	wrdreg s29  }
0x1e: {  	s2 =	simm.s32 $0x0;
	[dreg:$0x17] =	wrdreg s30;
	s21 =	simm.s32 $0x380  }
0x1f: {  	v0 =	vimm.f32 $0.0e+00;
	s22 =	simm.s32 $0x1;
	s23 =	simm.s32 $0x2;
	s24 =	simm.s32 $0x5400  }
.LBB2_1:
0x20: {  	[dreg:$0x18] =	wrdreg s2;
	s0 =	simm.s32 $0x0;
	s7 =	simm.s32 $0x200  }
.LBB2_2:
0x21: {  	p0 =	sne.s32 s7, $0x9E00;
	[tilespmem:s0+$0x470] =	vst v0  }
0x22: {  	[tilespmem:s0+$0x400] =	vst v0  }
0x23: {  	[tilespmem:s0+$0x410] =	vst v0  }
.Ltmp0:
0x24: {  	[tilespmem:s0+$0x420] =	vst v0;
	(pc) =	sbr.rel @p0 .LBB2_2-.Ltmp0, $4  }
0x25: {  	[tilespmem:s0+$0x430] =	vst v0  }
0x26: {  	[tilespmem:s0+$0x440] =	vst v0  }
0x27: {  	[tilespmem:s0+$0x450] =	vst v0  }
0x28: {  	[tilespmem:s0+$0x460] =	vst v0;
	s0 =	sshra.s32 s7, $0x2;
	s7 =	sadd.s32 $0x200, s7  }
0x29: {  	[tilespmem:s0+$0x470] =	vst v0  }
0x2a: {  	[tilespmem:s0+$0x400] =	vst v0  }
0x2b: {  	[tilespmem:s0+$0x410] =	vst v0  }
0x2c: {  	[tilespmem:s0+$0x420] =	vst v0  }
0x2d: {  	[tilespmem:s0+$0x430] =	vst v0  }
0x2e: {  	[tilespmem:s0+$0x440] =	vst v0  }
0x2f: {  	[tilespmem:s0+$0x450] =	vst v0  }
0x30: {  	[tilespmem:s0+$0x460] =	vst v0  }
0x31: {  	[spmem:s17] =	stream.linear.scatter [tilespmem:s19], [sflag:$0x11], $0x2800, $0x38;
	[tilespmem:$0x1E400] =	vst v63  }
0x32: {  	_ =	swait.ge [sflag:s9], $0x2800  }
0x33: {  	[sflag:s9] =	ssyncset.done $0x0  }
0x34: {  	s7 =	rddreg [dreg:$0x5];
	[sflag:s9] =	ssyncadd.s32 $0xFFFFD800  }
0x35: {  	[spmem:s7] =	stream.linear.scatter [tilespmem:s19], [sflag:$0x11], $0x2800, $0x38;
	[tilespmem:$0x1E400] =	vst v63  }
0x36: {  	_ =	swait.ge [sflag:s9], $0x2800  }
0x37: {  	[sflag:s9] =	ssyncset.done $0x0  }
0x38: {  	s17 =	rddreg [dreg:$0x6];
	[sflag:s9] =	ssyncadd.s32 $0xFFFFD800  }
0x39: {  	[spmem:s17] =	stream.linear.scatter [tilespmem:s19], [sflag:$0x11], $0x2800, $0x38;
	[tilespmem:$0x1E400] =	vst v63  }
0x3a: {  	_ =	swait.ge [sflag:s9], $0x2800  }
0x3b: {  	[sflag:s9] =	ssyncset.done $0x0  }
0x3c: {  	s29 =	rddreg [dreg:$0x7];
	[sflag:s9] =	ssyncadd.s32 $0xFFFFD800  }
0x3d: {  	[spmem:s29] =	stream.linear.scatter [tilespmem:s19], [sflag:$0x11], $0x2800, $0x38;
	[tilespmem:$0x1E400] =	vst v63  }
0x3e: {  	_ =	swait.ge [sflag:s9], $0x2800  }
0x3f: {  	[sflag:s9] =	ssyncset.done $0x0  }
0x40: {  	s30 =	rddreg [dreg:$0x8];
	[sflag:s9] =	ssyncadd.s32 $0xFFFFD800  }
0x41: {  	[spmem:s30] =	stream.linear.scatter [tilespmem:s19], [sflag:$0x11], $0x2800, $0x38;
	[tilespmem:$0x1E400] =	vst v63  }
0x42: {  	_ =	swait.ge [sflag:s9], $0x2800  }
0x43: {  	[sflag:s9] =	ssyncset.done $0x0  }
0x44: {  	s1 =	rddreg [dreg:$0x9];
	[sflag:s9] =	ssyncadd.s32 $0xFFFFD800  }
0x45: {  	[spmem:s1] =	stream.linear.scatter [tilespmem:s19], [sflag:$0x11], $0x2800, $0x38;
	[tilespmem:$0x1E400] =	vst v63  }
0x46: {  	_ =	swait.ge [sflag:s9], $0x2800  }
0x47: {  	[sflag:s9] =	ssyncset.done $0x0  }
0x48: {  	s2 =	rddreg [dreg:$0xa];
	[sflag:s9] =	ssyncadd.s32 $0xFFFFD800  }
0x49: {  	[spmem:s2] =	stream.linear.scatter [tilespmem:s19], [sflag:$0x11], $0x2800, $0x38;
	[tilespmem:$0x1E400] =	vst v63  }
0x4a: {  	_ =	swait.ge [sflag:s9], $0x2800  }
0x4b: {  	[sflag:s9] =	ssyncset.done $0x0  }
0x4c: {  	s7 =	rddreg [dreg:$0xc];
	[sflag:s9] =	ssyncadd.s32 $0xFFFFD800  }
0x4d: {  	[spmem:s7] =	stream.linear.scatter [tilespmem:s19], [sflag:$0x11], $0x2800, $0x38;
	[tilespmem:$0x1E400] =	vst v63  }
0x4e: {  	_ =	swait.ge [sflag:s9], $0x2800  }
0x4f: {  	[sflag:s9] =	ssyncset.done $0x0  }
0x50: {  	s0 =	simm.s32 $0x0;
	s7 =	rddreg [dreg:$0xb];
	[sflag:s9] =	ssyncadd.s32 $0xFFFFD800  }
0x51: {  	[tilespmem:s0], [sflag:$0x1] =	stream.linear.gather [hbm4b:s7+s0], $0x50, $0x38;
	[tilespmem:$0x1E400] =	vst v63  }
0x52: {  	s9 =	rddreg [dreg:$0xd]  }
0x53: {  	[tilespmem:s8], [sflag:$0x5] =	stream.linear.gather [hbm4b:s9+s0], $0x50, $0x38;
	[tilespmem:$0x1E400] =	vst v63  }
0x54: {  	s17 =	rddreg [dreg:$0xe]  }
0x55: {  	[tilespmem:s11], [sflag:$0x2] =	stream.linear.gather [hbm4b:s17+s0], $0x50, $0x38;
	[tilespmem:$0x1E400] =	vst v63  }
0x56: {  	s29 =	rddreg [dreg:$0xf]  }
0x57: {  	[tilespmem:s12], [sflag:$0x6] =	stream.linear.gather [hbm4b:s29+s0], $0x50, $0x38;
	[tilespmem:$0x1E400] =	vst v63  }
0x58: {  	s30 =	rddreg [dreg:$0x10]  }
0x59: {  	[tilespmem:s16], [sflag:$0x3] =	stream.linear.gather [hbm4b:s30+s0], $0x50, $0x38;
	[tilespmem:$0x1E400] =	vst v63  }
0x5a: {  	s1 =	rddreg [dreg:$0x11]  }
0x5b: {  	[tilespmem:s18], [sflag:$0x7] =	stream.linear.gather [hbm4b:s1+s0], $0x50, $0x38;
	[tilespmem:$0x1E400] =	vst v63  }
0x5c: {  	s2 =	rddreg [dreg:$0x16]  }
0x5d: {  	[tilespmem:s3], [sflag:$0x4] =	stream.linear.gather [hbm4b:s2+s0], $0x50, $0x38;
	[tilespmem:$0x1E400] =	vst v63  }
0x5e: {  	s8 =	rddreg [dreg:$0x17]  }
0x5f: {  	[tilespmem:s21], [sflag:$0x8] =	stream.linear.gather [hbm4b:s8+s0], $0x50, $0x38;
	[tilespmem:$0x1E400] =	vst v63  }
0x60: {  	[bflag:$0x0] =	sbarrier.arrive $0xFFFF  }
0x61: {  	_ =	swait.ge [sflag:s22], $0x50  }
0x62: {  	[sflag:s22] =	ssyncset.done $0x0  }
0x63: {  	[sflag:s22] =	ssyncadd.s32 $0xFFFFFFB0  }
0x64: {  	s1 =	rddreg [dreg:$0x0]  }
0x65: {  	[tilespmem:s19], [sflag:$0x9] =	stream.indirect.gather [hbm4b:s1+s13], $0x80, s0, s13, $0xb8;
	[tilespmem:$0x1E400] =	vst v63  }
0x66: {  	_ =	swait.ge [sflag:s23], $0x50  }
0x67: {  	[sflag:s23] =	ssyncset.done $0x0  }
0x68: {  	[sflag:s23] =	ssyncadd.s32 $0xFFFFFFB0  }
0x69: {  	[tilespmem:s26], [sflag:$0xA] =	stream.indirect.gather [hbm4b:s1+s13], $0x80, s11, s13, $0xb8;
	[tilespmem:$0x1E400] =	vst v63  }
0x6a: {  	_ =	swait.ge [sflag:s15], $0x50  }
0x6b: {  	[sflag:s15] =	ssyncset.done $0x0  }
0x6c: {  	s17 =	simm.s32 $0x4;
	[sflag:s15] =	ssyncadd.s32 $0xFFFFFFB0  }
0x6d: {  	[tilespmem:s24], [sflag:$0xB] =	stream.indirect.gather [hbm4b:s1+s13], $0x80, s16, s13, $0xb8;
	[tilespmem:$0x1E400] =	vst v63  }
0x6e: {  	_ =	swait.ge [sflag:s17], $0x50  }
0x6f: {  	[sflag:s17] =	ssyncset.done $0x0  }
0x70: {  	[sflag:s17] =	ssyncadd.s32 $0xFFFFFFB0  }
0x71: {  	[tilespmem:s6], [sflag:$0xC] =	stream.indirect.gather [hbm4b:s1+s13], $0x80, s3, s13, $0xb8;
	[tilespmem:$0x1E400] =	vst v63  }
0x72: {  	_ =	swait.ge [sflag:s25], $0x50  }
0x73: {  	[sflag:s25] =	ssyncset.done $0x0  }
0x74: {  	[sflag:s25] =	ssyncadd.s32 $0xFFFFFFB0  }
0x75: {  	_ =	swait.ge [sflag:s28], $0x2800  }
0x76: {  	s2 =	simm.s32 $0x9;
	[sflag:s28] =	ssyncset.done $0x0;
	s11 =	rddreg [dreg:$0x14]  }
0x77: {  	s12 =	simm.s32 $0x200;
	s9 =	sshrl.u32 s11, $0x3;
	[sflag:s2] =	ssyncadd.s32 $0xFFFFD800  }
0x78: {  	[spmem:s20] =	stream.indirect.scatter.add.f32 [tilespmem:s19], [sflag:$0xD], $0x80, s12, s13, $0xb8;
	[tilespmem:$0x1E400] =	vst v63  }
0x79: {  	s21 =	simm.s32 $0x6;
	s7 =	sadd.s32 s5, s9  }
0x7a: {  	[tilespmem:s4], [sflag:$0x1] =	stream.linear.gather [hbm4b:s7+s4], $0x50, $0x38;
	[tilespmem:$0x1E400] =	vst v63  }
0x7b: {  	s16 =	smin.u32 s0, $0x77;
	_ =	swait.ge [sflag:s21], $0x50  }
0x7c: {  	s7 =	smul.u32 $0x50, s16;
	[sflag:s21] =	ssyncset.done $0x0  }
0x7d: {  	s8 =	simm.s32 $0xA;
	[sflag:s21] =	ssyncadd.s32 $0xFFFFFFB0  }
0x7e: {  	s7 =	sadd.s32 $0x190, s7;
	_ =	swait.ge [sflag:s8], $0x2800  }
0x7f: {  	s18 =	simm.s32 $0x2C00;
	s9 =	sadd.s32 s10, s7;
	[sflag:s8] =	ssyncset.done $0x0  }
0x80: {  	s15 =	simm.s32 $0x280;
	[sflag:s8] =	ssyncadd.s32 $0xFFFFD800;
	s8 =	sshrl.u32 s9, $0x3  }
0x81: {  	[spmem:s20] =	stream.indirect.scatter.add.f32 [tilespmem:s18], [sflag:$0xE], $0x80, s15, s13, $0xb8;
	[tilespmem:$0x1E400] =	vst v63  }
0x82: {  	s26 =	simm.s32 $0x80;
	s21 =	simm.s32 $0x7;
	s8 =	sadd.s32 s5, s8  }
0x83: {  	[tilespmem:s26], [sflag:$0x2] =	stream.linear.gather [hbm4b:s8+s4], $0x50, $0x38;
	[tilespmem:$0x1E400] =	vst v63  }
0x84: {  	s16 =	smin.u32 s0, $0x76;
	_ =	swait.ge [sflag:s21], $0x50  }
0x85: {  	s8 =	smul.u32 $0x50, s16;
	[sflag:s21] =	ssyncset.done $0x0  }
0x86: {  	s9 =	simm.s32 $0xB;
	[sflag:s21] =	ssyncadd.s32 $0xFFFFFFB0  }
0x87: {  	s8 =	sadd.s32 $0x1E0, s8;
	_ =	swait.ge [sflag:s9], $0x2800  }
0x88: {  	s22 =	simm.s32 $0x5400;
	s16 =	sadd.s32 s10, s8;
	[sflag:s9] =	ssyncset.done $0x0  }
0x89: {  	s25 =	simm.s32 $0x300;
	[sflag:s9] =	ssyncadd.s32 $0xFFFFD800;
	s9 =	sshrl.u32 s16, $0x3  }
0x8a: {  	[spmem:s20] =	stream.indirect.scatter.add.f32 [tilespmem:s22], [sflag:$0xF], $0x80, s25, s13, $0xb8;
	[tilespmem:$0x1E400] =	vst v63  }
0x8b: {  	s6 =	simm.s32 $0x100;
	s2 =	simm.s32 $0x8;
	s9 =	sadd.s32 s5, s9  }
0x8c: {  	[tilespmem:s6], [sflag:$0x3] =	stream.linear.gather [hbm4b:s9+s4], $0x50, $0x38;
	[tilespmem:$0x1E400] =	vst v63  }
0x8d: {  	s0 =	smin.u32 s0, $0x75;
	_ =	swait.ge [sflag:s2], $0x50  }
0x8e: {  	s0 =	smul.u32 $0x50, s0;
	[sflag:s2] =	ssyncset.done $0x0  }
0x8f: {  	s16 =	simm.s32 $0xC;
	[sflag:s2] =	ssyncadd.s32 $0xFFFFFFB0  }
0x90: {  	s24 =	simm.s32 $0x380;
	s0 =	sadd.s32 $0x230, s0;
	_ =	swait.ge [sflag:s16], $0x2800  }
0x91: {  	s3 =	simm.s32 $0x7C00;
	s21 =	sadd.s32 s10, s0;
	[sflag:s16] =	ssyncset.done $0x0  }
0x92: {  	s28 =	smov.u32 s1;
	s9 =	sshrl.u32 s21, $0x3;
	[sflag:s16] =	ssyncadd.s32 $0xFFFFD800  }
0x93: {  	[spmem:s20] =	stream.indirect.scatter.add.f32 [tilespmem:s3], [sflag:$0x10], $0x80, s24, s13, $0xb8;
	[tilespmem:$0x1E400] =	vst v63  }
0x94: {  	s1 =	simm.s32 $0x180;
	s21 =	simm.s32 $0xD;
	s9 =	sadd.s32 s5, s9  }
0x95: {  	[tilespmem:s1], [sflag:$0x4] =	stream.linear.gather [hbm4b:s9+s4], $0x50, $0x38;
	[tilespmem:$0x1E400] =	vst v63  }
0x96: {  	_ =	swait.ge [sflag:s21], $0x2800  }
0x97: {  	[sflag:s21] =	ssyncset.done $0x0  }
0x98: {  	s23 =	simm.s32 $0x1;
	s3 =	rddreg [dreg:$0x15];
	[sflag:s21] =	ssyncadd.s32 $0xFFFFD800  }
0x99: {  	[tilespmem:s12], [sflag:$0x5] =	stream.linear.gather [hbm4b:s3+s4], $0x50, $0x38;
	[tilespmem:$0x1E400] =	vst v63  }
0x9a: {  	_ =	swait.ge [sflag:s23], $0x50  }
0x9b: {  	[sflag:s23] =	ssyncset.done $0x0  }
0x9c: {  	s12 =	simm.s32 $0xE;
	[sflag:s23] =	ssyncadd.s32 $0xFFFFFFB0  }
0x9d: {  	[tilespmem:s19], [sflag:$0x9] =	stream.indirect.gather [hbm4b:s28+s13], $0x80, s4, s13, $0xb8;
	[tilespmem:$0x1E400] =	vst v63  }
0x9e: {  	s7 =	sadd.s32 s14, s7;
	_ =	swait.ge [sflag:s12], $0x2800  }
0x9f: {  	s7 =	sshrl.u32 s7, $0x3;
	[sflag:s12] =	ssyncset.done $0x0  }
0xa0: {  	s30 =	simm.s32 $0x2;
	s7 =	sadd.s32 s5, s7;
	[sflag:s12] =	ssyncadd.s32 $0xFFFFD800  }
0xa1: {  	[tilespmem:s15], [sflag:$0x6] =	stream.linear.gather [hbm4b:s7+s4], $0x50, $0x38;
	[tilespmem:$0x1E400] =	vst v63  }
0xa2: {  	_ =	swait.ge [sflag:s30], $0x50  }
0xa3: {  	[sflag:s30] =	ssyncset.done $0x0  }
0xa4: {  	[sflag:s30] =	ssyncadd.s32 $0xFFFFFFB0  }
0xa5: {  	[tilespmem:s18], [sflag:$0xA] =	stream.indirect.gather [hbm4b:s28+s13], $0x80, s26, s13, $0xb8;
	[tilespmem:$0x1E400] =	vst v63  }
0xa6: {  	s18 =	simm.s32 $0xF  }
0xa7: {  	s30 =	sadd.s32 s14, s8;
	_ =	swait.ge [sflag:s18], $0x2800  }
0xa8: {  	s7 =	sshrl.u32 s30, $0x3;
	[sflag:s18] =	ssyncset.done $0x0  }
0xa9: {  	s29 =	simm.s32 $0x3;
	s7 =	sadd.s32 s5, s7;
	[sflag:s18] =	ssyncadd.s32 $0xFFFFD800  }
0xaa: {  	[tilespmem:s25], [sflag:$0x7] =	stream.linear.gather [hbm4b:s7+s4], $0x50, $0x38;
	[tilespmem:$0x1E400] =	vst v63  }
0xab: {  	_ =	swait.ge [sflag:s29], $0x50  }
0xac: {  	[sflag:s29] =	ssyncset.done $0x0  }
0xad: {  	[sflag:s29] =	ssyncadd.s32 $0xFFFFFFB0  }
0xae: {  	[tilespmem:s22], [sflag:$0xB] =	stream.indirect.gather [hbm4b:s28+s13], $0x80, s6, s13, $0xb8;
	[tilespmem:$0x1E400] =	vst v63  }
0xaf: {  	s22 =	simm.s32 $0x10  }
0xb0: {  	s0 =	sadd.s32 s14, s0;
	_ =	swait.ge [sflag:s22], $0x2800  }
0xb1: {  	s0 =	sshrl.u32 s0, $0x3;
	[sflag:s22] =	ssyncset.done $0x0  }
0xb2: {  	s0 =	sadd.s32 s5, s0;
	[sflag:s22] =	ssyncadd.s32 $0xFFFFD800  }
0xb3: {  	[tilespmem:s24], [sflag:$0x8] =	stream.linear.gather [hbm4b:s0+s4], $0x50, $0x38;
	[tilespmem:$0x1E400] =	vst v63  }
0xb4: {  	s8 =	smov.u32 s3;
	_ =	swait.ge [sflag:s17], $0x50  }
0xb5: {  	s7 =	smov.u32 s11;
	s0 =	simm.s32 $0x4;
	[sflag:s17] =	ssyncset.done $0x0  }
.LBB2_4:
0xb6: {  	[sflag:s17] =	ssyncadd.s32 $0xFFFFFFB0  }
0xb7: {  	s24 =	simm.s32 $0x180;
	s1 =	simm.s32 $0x7C00;
	s3 =	simm.s32 $0x5  }
0xb8: {  	[tilespmem:s1], [sflag:$0xC] =	stream.indirect.gather [hbm4b:s28+s13], $0x80, s24, s13, $0xb8;
	[tilespmem:$0x1E400] =	vst v63  }
0xb9: {  	_ =	swait.ge [sflag:s3], $0x50  }
0xba: {  	[sflag:s3] =	ssyncset.done $0x0  }
0xbb: {  	s17 =	simm.s32 $0x9;
	[sflag:s3] =	ssyncadd.s32 $0xFFFFFFB0  }
0xbc: {  	_ =	swait.ge [sflag:s17], $0x2800  }
0xbd: {  	s7 =	sadd.s32 $0x140, s7;
	[sflag:s17] =	ssyncset.done $0x0  }
0xbe: {  	s9 =	sshrl.u32 s7, $0x3;
	s28 =	simm.s32 $0x200;
	[sflag:s17] =	ssyncadd.s32 $0xFFFFD800  }
0xbf: {  	[spmem:s20] =	stream.indirect.scatter.add.f32 [tilespmem:s19], [sflag:$0xD], $0x80, s28, s13, $0xb8;
	[tilespmem:$0x1E400] =	vst v63  }
0xc0: {  	s11 =	smov.u32 s0;
	s26 =	simm.s32 $0x6;
	s9 =	sadd.s32 s5, s9  }
0xc1: {  	[tilespmem:s4], [sflag:$0x1] =	stream.linear.gather [hbm4b:s9+s4], $0x50, $0x38;
	[tilespmem:$0x1E400] =	vst v63  }
0xc2: {  	s25 =	smin.u32 s11, $0x77;
	_ =	swait.ge [sflag:s26], $0x50  }
0xc3: {  	s9 =	smul.u32 $0x50, s25;
	[sflag:s26] =	ssyncset.done $0x0  }
0xc4: {  	s29 =	simm.s32 $0xA;
	[sflag:s26] =	ssyncadd.s32 $0xFFFFFFB0  }
0xc5: {  	s9 =	sadd.s32 $0x190, s9;
	_ =	swait.ge [sflag:s29], $0x2800  }
0xc6: {  	s15 =	simm.s32 $0x280;
	s30 =	sadd.s32 s10, s9;
	[sflag:s29] =	ssyncset.done $0x0  }
0xc7: {  	s17 =	sshrl.u32 s30, $0x3;
	[sflag:s29] =	ssyncadd.s32 $0xFFFFD800;
	s29 =	simm.s32 $0x2C00  }
0xc8: {  	[spmem:s20] =	stream.indirect.scatter.add.f32 [tilespmem:s29], [sflag:$0xE], $0x80, s15, s13, $0xb8;
	[tilespmem:$0x1E400] =	vst v63  }
0xc9: {  	s19 =	simm.s32 $0x7;
	s26 =	simm.s32 $0x80;
	s17 =	sadd.s32 s5, s17  }
0xca: {  	[tilespmem:s26], [sflag:$0x2] =	stream.linear.gather [hbm4b:s17+s4], $0x50, $0x38;
	[tilespmem:$0x1E400] =	vst v63  }
0xcb: {  	s6 =	smin.u32 s11, $0x76;
	_ =	swait.ge [sflag:s19], $0x50  }
0xcc: {  	s17 =	smul.u32 $0x50, s6;
	[sflag:s19] =	ssyncset.done $0x0  }
0xcd: {  	s25 =	simm.s32 $0xB;
	[sflag:s19] =	ssyncadd.s32 $0xFFFFFFB0  }
0xce: {  	s17 =	sadd.s32 $0x1E0, s17;
	_ =	swait.ge [sflag:s25], $0x2800  }
0xcf: {  	s30 =	sadd.s32 s10, s17;
	[sflag:s25] =	ssyncset.done $0x0  }
0xd0: {  	s19 =	sshrl.u32 s30, $0x3;
	s30 =	simm.s32 $0x5400;
	[sflag:s25] =	ssyncadd.s32 $0xFFFFD800  }
0xd1: {  	[spmem:s20] =	stream.indirect.scatter.add.f32 [tilespmem:s30], [sflag:$0xF], $0x80, s31, s13, $0xb8;
	[tilespmem:$0x1E400] =	vst v63  }
0xd2: {  	s6 =	simm.s32 $0x100;
	s19 =	sadd.s32 s5, s19  }
0xd3: {  	[tilespmem:s6], [sflag:$0x3] =	stream.linear.gather [hbm4b:s19+s4], $0x50, $0x38;
	[tilespmem:$0x1E400] =	vst v63  }
0xd4: {  	s11 =	smin.u32 s11, $0x75;
	_ =	swait.ge [sflag:s2], $0x50  }
0xd5: {  	s11 =	smul.u32 $0x50, s11;
	[sflag:s2] =	ssyncset.done $0x0  }
0xd6: {  	[sflag:s2] =	ssyncadd.s32 $0xFFFFFFB0  }
0xd7: {  	s11 =	sadd.s32 $0x230, s11;
	_ =	swait.ge [sflag:s16], $0x2800  }
0xd8: {  	s3 =	sadd.s32 s10, s11;
	[sflag:s16] =	ssyncset.done $0x0  }
0xd9: {  	s25 =	simm.s32 $0x380;
	s19 =	sshrl.u32 s3, $0x3;
	[sflag:s16] =	ssyncadd.s32 $0xFFFFD800  }
0xda: {  	[spmem:s20] =	stream.indirect.scatter.add.f32 [tilespmem:s1], [sflag:$0x10], $0x80, s25, s13, $0xb8;
	[tilespmem:$0x1E400] =	vst v63  }
0xdb: {  	s19 =	sadd.s32 s5, s19  }
0xdc: {  	[tilespmem:s24], [sflag:$0x4] =	stream.linear.gather [hbm4b:s19+s4], $0x50, $0x38;
	[tilespmem:$0x1E400] =	vst v63  }
0xdd: {  	_ =	swait.ge [sflag:s21], $0x2800  }
0xde: {  	[sflag:s21] =	ssyncset.done $0x0  }
0xdf: {  	s8 =	sadd.s32 $0x28, s8;
	[sflag:s21] =	ssyncadd.s32 $0xFFFFD800  }
0xe0: {  	[tilespmem:s28], [sflag:$0x5] =	stream.linear.gather [hbm4b:s8+s4], $0x50, $0x38;
	[tilespmem:$0x1E400] =	vst v63  }
0xe1: {  	s28 =	rddreg [dreg:$0x0];
	_ =	swait.ge [sflag:s23], $0x50  }
0xe2: {  	[sflag:s23] =	ssyncset.done $0x0  }
0xe3: {  	s19 =	simm.s32 $0x400;
	[sflag:s23] =	ssyncadd.s32 $0xFFFFFFB0  }
0xe4: {  	[tilespmem:s19], [sflag:$0x9] =	stream.indirect.gather [hbm4b:s28+s13], $0x80, s4, s13, $0xb8;
	[tilespmem:$0x1E400] =	vst v63  }
0xe5: {  	s9 =	sadd.s32 s14, s9;
	_ =	swait.ge [sflag:s12], $0x2800  }
0xe6: {  	s9 =	sshrl.u32 s9, $0x3;
	[sflag:s12] =	ssyncset.done $0x0  }
0xe7: {  	s9 =	sadd.s32 s5, s9;
	[sflag:s12] =	ssyncadd.s32 $0xFFFFD800  }
0xe8: {  	[tilespmem:s15], [sflag:$0x6] =	stream.linear.gather [hbm4b:s9+s4], $0x50, $0x38;
	[tilespmem:$0x1E400] =	vst v63  }
0xe9: {  	s15 =	simm.s32 $0x2  }
0xea: {  	_ =	swait.ge [sflag:s15], $0x50  }
0xeb: {  	[sflag:s15] =	ssyncset.done $0x0  }
0xec: {  	[sflag:s15] =	ssyncadd.s32 $0xFFFFFFB0  }
0xed: {  	[tilespmem:s29], [sflag:$0xA] =	stream.indirect.gather [hbm4b:s28+s13], $0x80, s26, s13, $0xb8;
	[tilespmem:$0x1E400] =	vst v63  }
0xee: {  	s17 =	sadd.s32 s14, s17;
	_ =	swait.ge [sflag:s18], $0x2800  }
0xef: {  	s17 =	sshrl.u32 s17, $0x3;
	[sflag:s18] =	ssyncset.done $0x0  }
0xf0: {  	s26 =	sadd.s32 s5, s17;
	s29 =	simm.s32 $0x3;
	[sflag:s18] =	ssyncadd.s32 $0xFFFFD800  }
0xf1: {  	[tilespmem:s31], [sflag:$0x7] =	stream.linear.gather [hbm4b:s26+s4], $0x50, $0x38;
	[tilespmem:$0x1E400] =	vst v63  }
0xf2: {  	_ =	swait.ge [sflag:s29], $0x50  }
0xf3: {  	[sflag:s29] =	ssyncset.done $0x0  }
0xf4: {  	[sflag:s29] =	ssyncadd.s32 $0xFFFFFFB0  }
0xf5: {  	[tilespmem:s30], [sflag:$0xB] =	stream.indirect.gather [hbm4b:s28+s13], $0x80, s6, s13, $0xb8;
	[tilespmem:$0x1E400] =	vst v63  }
0xf6: {  	p0 =	sne.s32 s0, $0x78;
	s11 =	sadd.s32 s14, s11;
	_ =	swait.ge [sflag:s22], $0x2800  }
.Ltmp1:
0xf7: {  	s11 =	sshrl.u32 s11, $0x3;
	[sflag:s22] =	ssyncset.done $0x0;
	(pc) =	sbr.rel @p0 .LBB2_4-.Ltmp1, $4  }
0xf8: {  	s17 =	simm.s32 $0x4;
	s30 =	sadd.s32 s5, s11;
	[sflag:s22] =	ssyncadd.s32 $0xFFFFD800  }
0xf9: {  	[tilespmem:s25], [sflag:$0x8] =	stream.linear.gather [hbm4b:s30+s4], $0x50, $0x38;
	[tilespmem:$0x1E400] =	vst v63  }
0xfa: {  	s0 =	sadd.s32 $0x4, s0;
	s3 =	simm.s32 $0x7C00;
	_ =	swait.ge [sflag:s17], $0x50  }
0xfb: {  	s1 =	simm.s32 $0x180;
	s24 =	simm.s32 $0x200;
	[sflag:s17] =	ssyncset.done $0x0  }
0xfc: {  	[sflag:s17] =	ssyncadd.s32 $0xFFFFFFB0;
	s0 =	simm.s32 $0x5  }
0xfd: {  	[tilespmem:s3], [sflag:$0xC] =	stream.indirect.gather [hbm4b:s28+s13], $0x80, s1, s13, $0xb8;
	[tilespmem:$0x1E400] =	vst v63  }
0xfe: {  	_ =	swait.ge [sflag:s0], $0x50  }
0xff: {  	[sflag:s0] =	ssyncset.done $0x0  }
0x100: {  	s21 =	simm.s32 $0x9;
	[sflag:s0] =	ssyncadd.s32 $0xFFFFFFB0  }
0x101: {  	_ =	swait.ge [sflag:s21], $0x2800  }
0x102: {  	[sflag:s21] =	ssyncset.done $0x0  }
0x103: {  	s9 =	simm.s32 $0x11;
	[sflag:s21] =	ssyncadd.s32 $0xFFFFD800  }
0x104: {  	[spmem:s20] =	stream.indirect.scatter.add.f32 [tilespmem:s19], [sflag:$0x11], $0x80, s24, s13, $0xb8;
	[tilespmem:$0x1E400] =	vst v63  }
0x105: {  	_ =	swait.ge [sflag:s9], $0x2800  }
0x106: {  	[sflag:s9] =	ssyncset.done $0x0  }
0x107: {  	s22 =	simm.s32 $0x6;
	[sflag:s9] =	ssyncadd.s32 $0xFFFFD800  }
0x108: {  	_ =	swait.ge [sflag:s22], $0x50  }
0x109: {  	[sflag:s22] =	ssyncset.done $0x0  }
0x10a: {  	s23 =	simm.s32 $0xA;
	[sflag:s22] =	ssyncadd.s32 $0xFFFFFFB0  }
0x10b: {  	_ =	swait.ge [sflag:s23], $0x2800  }
0x10c: {  	[sflag:s23] =	ssyncset.done $0x0  }
0x10d: {  	s24 =	simm.s32 $0x7;
	[sflag:s23] =	ssyncadd.s32 $0xFFFFD800  }
0x10e: {  	_ =	swait.ge [sflag:s24], $0x50  }
0x10f: {  	[sflag:s24] =	ssyncset.done $0x0  }
0x110: {  	s25 =	simm.s32 $0xB;
	[sflag:s24] =	ssyncadd.s32 $0xFFFFFFB0  }
0x111: {  	_ =	swait.ge [sflag:s25], $0x2800  }
0x112: {  	[sflag:s25] =	ssyncset.done $0x0  }
0x113: {  	[sflag:s25] =	ssyncadd.s32 $0xFFFFD800  }
0x114: {  	_ =	swait.ge [sflag:s2], $0x50  }
0x115: {  	[sflag:s2] =	ssyncset.done $0x0  }
0x116: {  	[sflag:s2] =	ssyncadd.s32 $0xFFFFFFB0  }
0x117: {  	_ =	swait.ge [sflag:s16], $0x2800  }
0x118: {  	[sflag:s16] =	ssyncset.done $0x0  }
0x119: {  	[sflag:s16] =	ssyncadd.s32 $0xFFFFD800  }
0x11a: {  	s26 =	stileid.u32;
	[bflag:$0x0] =	sbarrier.arrive $0xFFFF  }
0x11b: {  	s0 =	sshll.u32 s26, $0x6;
	s17 =	rddreg [dreg:$0x4]  }
0x11c: {  	s0 =	sor.u32 $0x1C11, s0;
	s8 =	rddreg [dreg:$0x12];
	s7 =	sshrl.u32 s17, $0x3  }
0x11d: {  	[hbm:s8], [sflag:s0] =	dma.local [spmem:s7], $0x2800  }
0x11e: {  	_ =	swait.ge [sflag:s9], $0x2800  }
0x11f: {  	s29 =	rddreg [dreg:$0x18]  }
0x120: {  	s11 =	simm.s32 $0x80;
	s30 =	rddreg [dreg:$0x13];
	s2 =	sadd.s32 $0x1, s29  }
0x121: {  	s12 =	simm.s32 $0x280;
	s18 =	simm.s32 $0x300;
	p0 =	sne.s32 s2, s30  }
.Ltmp2:
0x122: {  	s15 =	simm.s32 $0x3;
	s6 =	simm.s32 $0x7C00;
	(pc) =	sbr.rel @p0 .LBB2_1-.Ltmp2, $4  }
0x123: {  	s3 =	simm.s32 $0x180;
	s28 =	simm.s32 $0x9;
	s26 =	simm.s32 $0x2C00  }
0x124: {  	s21 =	simm.s32 $0x380;
	s22 =	simm.s32 $0x1;
	s23 =	simm.s32 $0x2  }
0x125: {  	s24 =	simm.s32 $0x5400;
	s25 =	simm.s32 $0x5;
	[sflag:s9] =	ssyncset.done $0x0  }
0x126: {  	s16 =	simm.s32 $0x100;
	s8 =	simm.s32 $0x200;
	[sflag:s9] =	ssyncadd.s32 $0xFFFFD800  }
0x127: {  	_ =	sfence.sel $0x180000  }
0x128: {  	[bflag:$0x0] =	sbarrier.arrive $0xFFFF  }
0x129: {  	_ =	strace $0x9000004D  }
0x12a: {  	s0 =	stileid.u32;
	[bflag:$0x2] =	sbarrier.arrive $0xFFFF  }
0x12b: {  	p0 =	sne.s32 s0, $0x0;
	s0 =	rddreg [dreg:$0x3]  }
0x12c: {  	s0 =	sadd.s32 @!p0 $0x100000, s0  }
0x12d: {  	[sflag:s0] =	ssyncadd.tile.s32 @!p0 $0x1;
	_ =	shalt  }
.Lfunc_end2:
_tile_overlayer_lowered:
.L_overlay_start_2:
0x12e: {  	(tag) =	ssettag $0x2  }
0x12f: {  	s0 =	rddreg [dreg:$0x0];
	s2 =	stileid.u32  }
0x130: {  	s1 =	rddreg [dreg:$0x1];
	p0 =	sne.s32 s2, $0x0  }
0x131: {  	s3 =	rddreg [dreg:$0x2];
	[bflag:$0x3] =	sbarrier.arrive $0xFFFF;
	s2 =	simm.s32 @!p0 $0x1C11  }
0x132: {  	[timem:s3], [sflag:s2] =	dma.local @!p0 [hbm:s0], s1  }
0x133: {  	s0 =	simm.s32 @!p0 $0x11  }
0x134: {  	_ =	swait.ge @!p0 [sflag:s0], s1  }
0x135: {  	s1 =	ssub.s32 @!p0 $0x0, s1;
	[sflag:s0] =	ssyncset.done @!p0 $0x0  }
0x136: {  	[sflag:s0] =	ssyncadd.s32 @!p0 s1  }
0x137: {  	[bflag:$0x3] =	sbarrier.arrive $0xFFFF  }
0x138: {  	_ =	shalt  }

// kernel: kernel.9.cloned.1.call-start
scs
__scs_entry_jumppad:
0x0: {  	(pc) =	sbr.rel $0x88, $3  }
0x1: {  	(tag) =	ssettag $0x0;
	lr =	simm.s32 $0x1  }
0x2: {  	[smem:$0x3F99] =	sst lr;
	_ =	strace $0xD0000000  }
0x3: {  	_ = 	snop  }
0x4: {  	_ = 	snop  }
0x5: {  	_ = 	snop  }
0x6: {  	_ = 	snop  }
0x7: {  	_ = 	snop  }
__scs_overlays_trampoline_lowered:
0x8: {  	[smem:$0x3FA8] =	sst s0  }
0x9: {  	[smem:$0x3FA9] =	sst s1  }
0xa: {  	[smem:$0x3FAA] =	sst s2  }
0xb: {  	[smem:$0x3FAB] =	sst s3  }
0xc: {  	[smem:$0x3FAC] =	sst s4  }
0xd: {  	[smem:$0x3FAD] =	sst s5  }
0xe: {  	[smem:$0x3FAE] =	sst s6  }
0xf: {  	[smem:$0x3FAF] =	sst s7  }
0x10: {  	[smem:$0x3FB0] =	sst s8  }
0x11: {  	[smem:$0x3FB1] =	sst s9;
	s0 =	simm.s32 @!p0 $0x0  }
0x12: {  	s1 =	sld [smem:$0x3F97];
	s0 =	simm.s32 @p0 $0x1  }
0x13: {  	[smem:$0x3FB2] =	sst s0;
	s0 =	simm.s32 @!p1 $0x0  }
0x14: {  	s2 =	sld [smem:$0x3F96];
	s0 =	simm.s32 @p1 $0x1  }
0x15: {  	[smem:$0x3FB3] =	sst s0;
	s0 =	simm.s32 @!p2 $0x0  }
0x16: {  	s3 =	sld [smem:$0x3FDB];
	s0 =	simm.s32 @p2 $0x1  }
0x17: {  	s4 =	simm.s32 $0x1BF5;
	[smem:$0x3FB5] =	sst s0  }
0x18: {  	s0 =	sld [smem:$0x3F98];
	_ =	swait.ge [sflag:s4], $0x0  }
0x19: {  	s7 =	sld [smem:$0x3F99]  }
0x1a: {  	s8 =	sadd.s32 $0xFFFFE003, lr  }
0x1b: {  	s9 =	sadd.s32 $0xFFFFFEF7, lr;
	s5 =	simm.s32 $0xFFFFFFFF;
	p2 =	slt.u32 s8, $0xFFFFF086  }
0x1c: {  	p1 =	slt.u32 s9, $0xF7A;
	s5 =	simm.s32 @!p2 $0x0  }
0x1d: {  	s5 =	simm.s32 @p1 $0x1;
	p0 =	seq.s32 s7, s2  }
0x1e: {  	s7 =	smul.u32 @!p0 $0xF7A, s2;
	p2 =	seq.s32 @!p0 s5, $0x0  }
0x1f: {  	s9 =	smul.u32 $0xF7A, s1;
	s8 =	simm.s32 @!p0 $0x1BF5;
	p2 =	por !p2, p0  }
0x20: {  	[sflag:s8] =	ssyncset.s32 @!p0 $0xFFFFF086;
	s6 =	sadd.s32 @!p0 s3, s7;
	s7 =	simm.s32 @!p0 $0x108  }
0x21: {  	s3 =	sadd.s32 s3, s9;
	s6 =	sadd.s32 @!p0 $0x88, s6;
	s7 =	simm.s32 @p2 $0x1082  }
0x22: {  	[simem:s7], [sflag:s8] =	dma.local @!p0 [hbm:s6], $0xF7A  }
0x23: {  	s9 =	sor.u32 $0xD0000000, s2;
	s6 =	simm.s32 $0x108;
	_ =	swait.ge @!p0 [sflag:s8], $0x0  }
0x24: {  	s3 =	sadd.s32 $0x88, s3;
	s6 =	simm.s32 @!p1 $0x1082;
	[sflag:s4] =	ssyncset.s32 $0xFFFFF086  }
0x25: {  	[simem:s6], [sflag:s4] =	dma.local [hbm:s3], $0xF7A  }
0x26: {  	[smem:$0x3F99] =	sst s1;
	(tag) =	ssettag s2;
	_ =	strace s9  }
0x27: {  	s1 =	sld [smem:$0x3FA9]  }
0x28: {  	s2 =	sld [smem:$0x3FAA]  }
0x29: {  	s4 =	sld [smem:$0x3FAC]  }
0x2a: {  	p0 =	seq.s32 s5, $0x0;
	s5 =	sld [smem:$0x3FAD]  }
0x2b: {  	s6 =	sld [smem:$0x3FAE]  }
0x2c: {  	s7 =	sld [smem:$0x3FAF]  }
0x2d: {  	s3 =	simm.s32 $0x108;
	s8 =	sld [smem:$0x3FB0]  }
0x2e: {  	s3 =	simm.s32 @!p0 $0x1082;
	s9 =	sld [smem:$0x3FB1]  }
0x2f: {  	lr =	sadd.s32 s0, s3;
	s0 =	sld [smem:$0x3FA8]  }
0x30: {  	s3 =	sld [smem:$0x3FAB]  }
0x31: {  	[smem:$0x3FB4] =	sst s10  }
0x32: {  	s10 =	sld [smem:$0x3FB2];
	_ =	sdelay $0x3  }
0x33: {  	p0 =	seq.s32 s10, $0x1;
	s10 =	sld [smem:$0x3FB4];
	_ =	sdelay $0x3  }
0x34: {  	[smem:$0x3FB4] =	sst s10  }
0x35: {  	s10 =	sld [smem:$0x3FB3];
	_ =	sdelay $0x3  }
0x36: {  	p1 =	seq.s32 s10, $0x1;
	s10 =	sld [smem:$0x3FB4];
	_ =	sdelay $0x3  }
0x37: {  	[smem:$0x3FB4] =	sst s10  }
0x38: {  	s10 =	sld [smem:$0x3FB5]  }
0x39: {  	_ = 	snop;
	(pc) =	sbr.ind lr, $3  }
0x3a: {  	_ = 	snop  }
0x3b: {  	_ = 	snop  }
0x3c: {  	p2 =	seq.s32 s10, $0x1;
	s10 =	sld [smem:$0x3FB4]  }
0x3d: {  	_ =	shalt  }
0x3e: {  	_ =	shalt  }
0x3f: {  	_ =	shalt  }
0x40: {  	_ =	shalt  }
0x41: {  	_ =	shalt  }
0x42: {  	_ =	shalt  }
0x43: {  	_ =	shalt  }
0x44: {  	_ =	shalt  }
0x45: {  	_ =	shalt  }
0x46: {  	_ =	shalt  }
0x47: {  	_ =	shalt  }
0x48: {  	_ =	shalt  }
0x49: {  	_ =	shalt  }
0x4a: {  	_ =	shalt  }
0x4b: {  	_ =	shalt  }
0x4c: {  	_ =	shalt  }
0x4d: {  	_ =	shalt  }
0x4e: {  	_ =	shalt  }
0x4f: {  	_ =	shalt  }
0x50: {  	_ =	shalt  }
0x51: {  	_ =	shalt  }
0x52: {  	_ =	shalt  }
0x53: {  	_ =	shalt  }
0x54: {  	_ =	shalt  }
0x55: {  	_ =	shalt  }
0x56: {  	_ =	shalt  }
0x57: {  	_ =	shalt  }
0x58: {  	_ =	shalt  }
0x59: {  	_ =	shalt  }
0x5a: {  	_ =	shalt  }
0x5b: {  	_ =	shalt  }
0x5c: {  	_ =	shalt  }
0x5d: {  	_ =	shalt  }
0x5e: {  	_ =	shalt  }
0x5f: {  	_ =	shalt  }
0x60: {  	_ =	shalt  }
0x61: {  	_ =	shalt  }
0x62: {  	_ =	shalt  }
0x63: {  	_ =	shalt  }
0x64: {  	_ =	shalt  }
0x65: {  	_ =	shalt  }
0x66: {  	_ =	shalt  }
0x67: {  	_ =	shalt  }
0x68: {  	_ =	shalt  }
0x69: {  	_ =	shalt  }
0x6a: {  	_ =	shalt  }
0x6b: {  	_ =	shalt  }
0x6c: {  	_ =	shalt  }
0x6d: {  	_ =	shalt  }
0x6e: {  	_ =	shalt  }
0x6f: {  	_ =	shalt  }
0x70: {  	_ =	shalt  }
0x71: {  	_ =	shalt  }
0x72: {  	_ =	shalt  }
0x73: {  	_ =	shalt  }
0x74: {  	_ =	shalt  }
0x75: {  	_ =	shalt  }
0x76: {  	_ =	shalt  }
0x77: {  	_ =	shalt  }
0x78: {  	_ =	shalt  }
0x79: {  	_ =	shalt  }
0x7a: {  	_ =	shalt  }
0x7b: {  	_ =	shalt  }
0x7c: {  	_ =	shalt  }
0x7d: {  	_ =	shalt  }
0x7e: {  	_ =	shalt  }
0x7f: {  	_ =	shalt  }
0x80: {  	_ =	shalt  }
0x81: {  	_ =	shalt  }
0x82: {  	_ =	shalt  }
0x83: {  	_ =	shalt  }
0x84: {  	_ =	shalt  }
0x85: {  	_ =	shalt  }
0x86: {  	_ =	shalt  }
0x87: {  	_ =	shalt  }
.Lfunc_end0:
.L_simem_size_0:
called_computation_lowered:
.L_overlay_start_0:
0x88: {  	s2 =	sld [smem:$0x3FD9]  }
0x89: {  	s3 =	sld [smem:$0x3FFE];
	_ =	sdelay $0x1  }
0x8a: {  	s1 =	srdreg.scid  }
0x8b: {  	s0 =	sand.u32 $0x1, s1  }
0x8c: {  	s17 =	sshll.u32 s0, $0xA;
	s2 =	sadd.s32 s3, s2  }
0x8d: {  	s2 =	sadd.s32 s2, s17  }
0x8e: {  	[smem:$0x3FC0] =	sst s2  }
0x8f: {  	_ = 	snop  }
0x90: {  	s2 =	sld [smem:$0x3FD0];
	(tm) =	ssettm $0x1  }
0x91: {  	s18 =	sld [smem:$0x3FFB];
	_ =	sdelay $0x3  }
0x92: {  	_ =	strace s18  }
0x93: {  	s3 =	sld [smem:$0x3FFC];
	_ =	sdelay $0x3  }
0x94: {  	_ =	strace s3  }
0x95: {  	s3 =	sld [smem:$0x3FFD];
	_ =	sdelay $0x3  }
0x96: {  	_ =	strace s3  }
0x97: {  	_ =	strace $0x8FFFFFFF  }
0x98: {  	s19 =	sld [smem:$0x3FDB];
	_ =	sdelay $0x1  }
0x99: {  	s4 =	simm.s32 $_scs_section_size  }
0x9a: {  	s5 =	simm.s32 $_size__tile_overlayer_lowered;
	s6 =	simm.s32 $_tile_overlayer_lowered  }
0x9b: {  	s22 =	simm.s32 $0x1BFF;
	s21 =	sshll.u32 s6, $0x1;
	s3 =	sadd.s32 s4, s19  }
0x9c: {  	s7 =	simm.s32 $0x0;
	s20 =	sshll.u32 s5, $0x1;
	s5 =	sadd.s32 s21, s3  }
0x9d: {  	[timem:s7], [sflag:s22] =	dma.local [hbm:s5], s20  }
0x9e: {  	_ =	swait.ge [sflag:s22], s20  }
0x9f: {  	s4 =	ssub.s32 $0x0, s20;
	[sflag:s22] =	ssyncset.done $0x0  }
0xa0: {  	[sflag:s22] =	ssyncadd.s32 s4;
	_ =	sdelay $0x1  }
0xa1: {  	s23 =	simm.s32 $0x1B8B  }
0xa2: {  	_ =	swait.ge [sflag:s23], $0x1  }
0xa3: {  	[sflag:s23] =	ssyncset.done $0x0  }
0xa4: {  	s25 =	simm.s32 $0x1B8E;
	s24 =	sld [smem:$0x3FFE];
	[sflag:s23] =	ssyncadd.s32 $0xFFFFFFFF  }
0xa5: {  	s26 =	simm.s32 $execute0_lowered;
	[smem:$0x3FD2] =	sst s25  }
0xa6: {  	s5 =	sshll.u32 s26, $0x1;
	_ =	strace $0x80000046;
	[dreg:$0x1] =	wrdreg $0xFFFFFFFF  }
0xa7: {  	s28 =	simm.s32 $_size_execute0_lowered;
	s3 =	sadd.s32 s3, s5;
	[dreg:$0x0] =	wrdreg $0x0  }
0xa8: {  	s5 =	sshll.u32 s28, $0x1;
	[dreg:$0x2] =	wrdreg s3  }
0xa9: {  	[dreg:$0x3] =	wrdreg s5  }
0xaa: {  	[dreg:$0x4] =	wrdreg $0xC0  }
0xab: {  	_ =	task [dreg:s7], $0x5FFFF  }
0xac: {  	[dreg:$0x1] =	wrdreg $0xFFFFFFFF  }
0xad: {  	[dreg:$0x0] =	wrdreg $0x60  }
0xae: {  	[dreg:$0x2] =	wrdreg s2  }
0xaf: {  	[dreg:$0x3] =	wrdreg s24  }
0xb0: {  	[dreg:$0x4] =	wrdreg $0x2B000  }
0xb1: {  	[dreg:$0x5] =	wrdreg $0x9  }
0xb2: {  	_ =	task.clear_ibuf [dreg:s7], $0x6FFFF;
	_ =	strace $0x90000046  }
0xb3: {  	s29 =	simm.s32 $0x9;
	_ =	strace $0x80000048  }
0xb4: {  	_ =	swait.ge [sflag:s29], $0x1  }
0xb5: {  	[sflag:s29] =	ssyncadd.s32 $0xFFFFFFFF  }
0xb6: {  	_ =	strace $0x90000048  }
0xb7: {  	_ =	sfence  }
0xb8: {  	s30 =	sld [smem:$0x0];
	_ =	sdelay $0x2  }
0xb9: {  	s31 =	sshll.u32 s1, $0xD;
	s1 =	sshrl.u32 s1, $0x2  }
0xba: {  	s3 =	sand.u32 $0x4000, s31;
	s1 =	sadd.s32 s1, s30  }
0xbb: {  	s0 =	sor.u32 s3, s0;
	s1 =	sshll.u32 s1, $0x11  }
0xbc: {  	s0 =	sor.u32 s1, s0  }
0xbd: {  	s0 =	sadd.s32 $0x8F2B, s0  }
0xbe: {  	[sflag:s0] =	ssyncadd.remote.s32 $0x1  }
0xbf: {  	_ =	sfence.sel $0xFFFF  }
0xc0: {  	[dreg:$0x0] =	wrdreg $0xFFFFFFFF;
	(pc) =	sbr.abs _section_cstart, $3  }
0xc1: {  	[dreg:$0x1] =	wrdreg $0xFFFFFFFF  }
0xc2: {  	_ =	task.clear_ibuf [dreg:s7], $0x2FFFF;
	_ =	strace $0x9FFFFFFF  }
0xc3: {  	(tm) =	ssettm $0x7FFFFFFF  }
tec
execute0_lowered:
.L_overlay_start_1:
0x0: {  	(tag) =	ssettag $0x1  }
0x1: {  	s5 =	rddreg [dreg:$0x0]  }
0x2: {  	s4 =	rddreg [dreg:$0x1]  }
0x3: {  	s2 =	rddreg [dreg:$0x2]  }
0x4: {  	s0 =	rddreg [dreg:$0x3]  }
0x5: {  	s3 =	simm.s32 $0x0;
	s6 =	srdreg.scid;
	s1 =	stileid.u32  }
0x6: {  	s11 =	simm.s32 $0x2800;
	s14 =	simm.s32 $0x20;
	s15 =	simm.s32 $0x10  }
0x7: {  	s16 =	simm.s32 $0x0;
	[smem:$0x7FF] =	sst s3;
	s7 =	smul.u32 $0x500, s1  }
0x8: {  	s6 =	sand.u32 $0x1, s6;
	s30 =	smul.u32 $0xA00, s1;
	s12 =	sshll.u32 s1, $0x6  }
0x9: {  	_ =	strace $0x80000047;
	s8 =	sshll.u32 s6, $0x7;
	s9 =	sshll.u32 s6, $0x4  }
0xa: {  	s6 =	ssub.s32 $0x2, s6;
	s12 =	sor.u32 $0x1C01, s12;
	s7 =	sor.u32 s8, s7  }
0xb: {  	s29 =	sor.u32 s1, s9;
	s31 =	sshrl.u32 s6, $0x1;
	s9 =	sshrl.u32 s30, $0x2  }
0xc: {  	s7 =	sshrl.u32 s7, $0x3;
	s8 =	smul.u32 $0x500, s29;
	s10 =	ssub.s32 s6, s31  }
0xd: {  	s7 =	sadd.s32 s7, s4;
	s4 =	sadd.s32 s9, s2;
	s9 =	simm.s32 $0x1  }
0xe: {  	s5 =	sadd.s32 s5, s8;
	s6 =	sadd.s32 $0x3000, s7;
	s7 =	smax.u32 s10, $0x1  }
0xf: {  	v0 =	vimm.f32 $1.000000000e+00;
	v1 =	vimm.f32 $0.0e+00;
	s8 =	simm.s32 $0x2880;
	s10 =	simm.s32 $0x80;
	s13 =	sshrl.u32 s4, $0x3  }
.LBB2_1:
0x10: {  	[tilespmem:$0x2800] =	vst v0  }
0x11: {  	[tilespmem:$0x2810] =	vst v0  }
0x12: {  	[tilespmem:$0x2820] =	vst v0  }
0x13: {  	[tilespmem:$0x2830] =	vst v0  }
0x14: {  	[tilespmem:$0x2840] =	vst v0  }
0x15: {  	[tilespmem:$0x2850] =	vst v0  }
0x16: {  	[tilespmem:$0x2860] =	vst v0  }
0x17: {  	[tilespmem:$0x2870] =	vst v0  }
0x18: {  	[tilespmem:$0x2880] =	vst v1  }
0x19: {  	[tilespmem:$0x2890] =	vst v1  }
0x1a: {  	[tilespmem:$0x28A0] =	vst v1  }
0x1b: {  	[tilespmem:$0x28B0] =	vst v1  }
0x1c: {  	[tilespmem:$0x28C0] =	vst v1  }
0x1d: {  	[tilespmem:$0x28D0] =	vst v1  }
0x1e: {  	[tilespmem:$0x28E0] =	vst v1  }
0x1f: {  	[tilespmem:$0x28F0] =	vst v1  }
0x20: {  	[tilespmem:$0x2900] =	vst v1  }
0x21: {  	[tilespmem:$0x2910] =	vst v1  }
0x22: {  	[tilespmem:$0x2920] =	vst v1  }
0x23: {  	[tilespmem:$0x2930] =	vst v1  }
0x24: {  	[tilespmem:$0x2940] =	vst v1  }
0x25: {  	[tilespmem:$0x2950] =	vst v1  }
0x26: {  	[tilespmem:$0x2960] =	vst v1  }
0x27: {  	[tilespmem:$0x2970] =	vst v1  }
0x28: {  	[tilespmem:$0x2980] =	vst v1  }
0x29: {  	[tilespmem:$0x2990] =	vst v1  }
0x2a: {  	[tilespmem:$0x29A0] =	vst v1  }
0x2b: {  	[tilespmem:$0x29B0] =	vst v1  }
0x2c: {  	[tilespmem:$0x29C0] =	vst v1  }
0x2d: {  	[tilespmem:$0x29D0] =	vst v1  }
0x2e: {  	[tilespmem:$0x29E0] =	vst v1  }
0x2f: {  	[tilespmem:$0x29F0] =	vst v1  }
0x30: {  	[tilespmem:$0x2A00] =	vst v1  }
0x31: {  	[tilespmem:$0x2A10] =	vst v1  }
0x32: {  	[tilespmem:$0x2A20] =	vst v1  }
0x33: {  	[tilespmem:$0x2A30] =	vst v1  }
0x34: {  	[tilespmem:$0x2A40] =	vst v1  }
0x35: {  	[tilespmem:$0x2A50] =	vst v1  }
0x36: {  	[tilespmem:$0x2A60] =	vst v1  }
0x37: {  	[tilespmem:$0x2A70] =	vst v1  }
0x38: {  	[tilespmem:$0x2A80] =	vst v1  }
0x39: {  	[tilespmem:$0x2A90] =	vst v1  }
0x3a: {  	[tilespmem:$0x2AA0] =	vst v1  }
0x3b: {  	[tilespmem:$0x2AB0] =	vst v1  }
0x3c: {  	[tilespmem:$0x2AC0] =	vst v1  }
0x3d: {  	[tilespmem:$0x2AD0] =	vst v1  }
0x3e: {  	[tilespmem:$0x2AE0] =	vst v1  }
0x3f: {  	[tilespmem:$0x2AF0] =	vst v1  }
0x40: {  	[spmem:s4] =	stream.linear.scatter [tilespmem:s8], [sflag:$0x1], $0x280, $0x38;
	[tilespmem:$0x2D80] =	vst v63  }
0x41: {  	_ =	swait.ge [sflag:s9], $0x280  }
0x42: {  	[sflag:s9] =	ssyncset.done $0x0  }
0x43: {  	[sflag:s9] =	ssyncadd.s32 $0xFFFFFD80  }
0x44: {  	[tilespmem:s3], [sflag:$0x1] =	stream.linear.gather [hbm4b:s5+s3], $0x2800, $0x38;
	[tilespmem:$0x2D80] =	vst v63  }
0x45: {  	_ =	swait.ge [sflag:s9], $0x2800  }
0x46: {  	[sflag:s9] =	ssyncset.done $0x0  }
0x47: {  	[sflag:s9] =	ssyncadd.s32 $0xFFFFD800  }
0x48: {  	s17 =	simm.s32 $0x0;
	[bflag:$0x0] =	sbarrier.arrive $0xFFFF  }
0x49: {  	[spmem:s2] =	stream.indirect.scatter.add.f32 [tilespmem:s11], [sflag:$0x1], $0x1, s17, s10, $0xb8;
	[tilespmem:$0x2D80] =	vst v63  }
0x4a: {  	_ =	swait.ge [sflag:s9], $0x80  }
0x4b: {  	s17 =	simm.s32 $0x200;
	[sflag:s9] =	ssyncset.done $0x0  }
.LBB2_2:
0x4c: {  	s18 =	sshra.s32 s17, $0x2;
	[sflag:s9] =	ssyncadd.s32 $0xFFFFFF80;
	p0 =	sne.s32 s17, $0x9E00  }
0x4d: {  	[spmem:s2] =	stream.indirect.scatter.add.f32 [tilespmem:s11], [sflag:$0x1], $0x1, s18, s10, $0xb8;
	[tilespmem:$0x2D80] =	vst v63  }
.Ltmp0:
0x4e: {  	_ = 	snop;
	(pc) =	sbr.rel @p0 .LBB2_2-.Ltmp0, $4  }
0x4f: {  	_ = 	snop  }
0x50: {  	s17 =	sadd.s32 $0x200, s17  }
0x51: {  	_ =	swait.ge [sflag:s9], $0x80  }
0x52: {  	[sflag:s9] =	ssyncset.done $0x0  }
0x53: {  	s16 =	sadd.s32 $0x1, s16  }
0x54: {  	[sflag:s9] =	ssyncadd.s32 $0xFFFFFF80;
	p0 =	sne.s32 s16, s7  }
.Ltmp1:
0x55: {  	[bflag:$0x0] =	sbarrier.arrive $0xFFFF;
	(pc) =	sbr.rel @p0 .LBB2_1-.Ltmp1, $4  }
0x56: {  	[hbm:s6@s14], [sflag:s12] =	dma.strided [spmem:s13@s15], $0x50, s9, $0x10   }
0x57: {  	_ =	swait.ge [sflag:s9], $0x50  }
0x58: {  	[sflag:s9] =	ssyncset.done $0x0  }
0x59: {  	[sflag:s9] =	ssyncadd.s32 $0xFFFFFFB0  }
0x5a: {  	_ =	sfence.sel $0x180000  }
0x5b: {  	[bflag:$0x0] =	sbarrier.arrive $0xFFFF  }
0x5c: {  	p0 =	sne.s32 s1, $0x0;
	_ =	strace $0x90000047  }
0x5d: {  	s0 =	sadd.s32 @!p0 $0x100000, s0;
	[bflag:$0x2] =	sbarrier.arrive $0xFFFF  }
0x5e: {  	[sflag:s0] =	ssyncadd.tile.s32 @!p0 $0x1;
	_ =	shalt  }
.Lfunc_end2:
_tile_overlayer_lowered:
.L_overlay_start_2:
0x5f: {  	(tag) =	ssettag $0x2  }
0x60: {  	s0 =	rddreg [dreg:$0x0];
	s2 =	stileid.u32  }
0x61: {  	s1 =	rddreg [dreg:$0x1];
	p0 =	sne.s32 s2, $0x0  }
0x62: {  	s3 =	rddreg [dreg:$0x2];
	[bflag:$0x3] =	sbarrier.arrive $0xFFFF;
	s2 =	simm.s32 @!p0 $0x1C01  }
0x63: {  	[timem:s3], [sflag:s2] =	dma.local @!p0 [hbm:s0], s1  }
0x64: {  	s0 =	simm.s32 @!p0 $0x1  }
0x65: {  	_ =	swait.ge @!p0 [sflag:s0], s1  }
0x66: {  	s1 =	ssub.s32 @!p0 $0x0, s1;
	[sflag:s0] =	ssyncset.done @!p0 $0x0  }
0x67: {  	[sflag:s0] =	ssyncadd.s32 @!p0 s1  }
0x68: {  	[bflag:$0x3] =	sbarrier.arrive $0xFFFF  }
0x69: {  	_ =	shalt  }

</sc_bundles>
